<compile_context>
chip_gen: v7x
topology: tpu7x:2x2x1
jax: 0.10.2.dev20260603
libtpu: 0.0.44.dev20260713+nightly
codegen_flags: <defaults>
</compile_context>

<pallas_src>
import functools

import jax
import jax.numpy as jnp
from jax import lax
from jax.experimental import pallas as pl
from jax.experimental.pallas import tpu as pltpu
from jax.experimental.pallas import tpu_sc as plsc

B, T, C = 1, 2048, 768
NH, NKV, HD = 12, 4, 64
E, K, H = 16, 1, 256
REP = NH // NKV
TB = 512
NTB = T // TB
BLK = 128
NB = T // BLK + E
TPAD = NB * BLK

SC_NC, SC_NS = 2, 16
NW = SC_NC * SC_NS
CHUNK = T // NW

_F32 = jnp.float32
_BF16 = jnp.bfloat16


def _block1_body(x_ref, n1_ref, wq_ref, wk_ref, wv_ref, cos_ref, sin_ref,
                 rq_ref, rk_ref, wo_ref, n2_ref, rw_ref, s1_ref, s2_ref,
                 s3_ref,
                 h2_ref, lg_ref, base_ref, dest_ref, bexp_ref, cb_ref,
                 ks_ref, vs_ref, lgs_ref):
    i = pl.program_id(0)
    xb = x_ref[...]
    ms = jnp.mean(xb * xb, axis=-1, keepdims=True)
    hb = (xb * lax.rsqrt(ms + 1e-6) * n1_ref[...]).astype(_BF16)
    q = jnp.dot(hb, wq_ref[...], preferred_element_type=_F32)
    k = jnp.dot(hb, wk_ref[...], preferred_element_type=_F32)
    v = jnp.dot(hb, wv_ref[...], preferred_element_type=_F32)
    cos_b = cos_ref[...]
    sin_b = sin_ref[...]
    cc = jnp.concatenate([cos_b, cos_b], axis=1)
    ss = jnp.concatenate([-sin_b, sin_b], axis=1)
    cq = jnp.concatenate([cc] * NH, axis=1)
    sq = jnp.concatenate([ss] * NH, axis=1)
    ck = jnp.concatenate([cc] * NKV, axis=1)
    sk = jnp.concatenate([ss] * NKV, axis=1)
    q = q * cq + jnp.dot(q.astype(_BF16), rq_ref[...],
                         preferred_element_type=_F32) * sq
    k = k * ck + jnp.dot(k.astype(_BF16), rk_ref[...],
                         preferred_element_type=_F32) * sk
    q16 = q.astype(_BF16)
    k16 = k.astype(_BF16)
    v16 = v.astype(_BF16)
    ks_ref[pl.ds(i * TB, TB), :] = k16
    ones16 = jnp.ones((TB, HD), _BF16)
    for kv in range(NKV):
        vs_ref[pl.ds(i * TB, TB), 2 * kv * HD:(2 * kv + 1) * HD] = \
            v16[:, kv * HD:(kv + 1) * HD]
        vs_ref[pl.ds(i * TB, TB), (2 * kv + 1) * HD:(2 * kv + 2) * HD] = ones16

    q_heads = [q16[:, h * HD:(h + 1) * HD] for h in range(NH)]

    def tile(accs, kvs, masked):
        accs2 = list(accs)
        for kv in range(NKV):
            ks, vs = kvs[kv]
            for r in range(REP):
                h = kv * REP + r
                s = lax.dot_general(q_heads[h], ks, (((1,), (1,)), ((), ())),
                                    preferred_element_type=_F32)
                p = jnp.exp(s)
                if masked:
                    iq = lax.broadcasted_iota(jnp.int32, (TB, TB), 0)
                    ik = lax.broadcasted_iota(jnp.int32, (TB, TB), 1)
                    p = jnp.where(iq >= ik, p, _F32(0.0))
                accs2[h] = accs2[h] + jnp.dot(p.astype(_BF16), vs,
                                              preferred_element_type=_F32)
        return accs2

    def step(kb, carry):
        kvs = [(ks_ref[pl.ds(kb * TB, TB), kv * HD:(kv + 1) * HD],
                vs_ref[pl.ds(kb * TB, TB), 2 * kv * HD:(2 * kv + 2) * HD])
               for kv in range(NKV)]
        return tuple(tile(carry, kvs, masked=False))

    zero_accs = tuple([jnp.zeros((TB, 2 * HD), _F32)] * NH)
    accs = lax.fori_loop(0, i, step, zero_accs)
    kvs_diag = [(k16[:, kv * HD:(kv + 1) * HD],
                 jnp.concatenate([v16[:, kv * HD:(kv + 1) * HD], ones16],
                                 axis=1))
                for kv in range(NKV)]
    accs = tile(accs, kvs_diag, masked=True)
    y16 = jnp.concatenate(
        [(accs[h][:, :HD] / accs[h][:, HD:HD + 1]).astype(_BF16)
         for h in range(NH)], axis=1)

    x2 = xb + jnp.dot(y16, wo_ref[...], preferred_element_type=_F32)
    ms2 = jnp.mean(x2 * x2, axis=-1, keepdims=True)
    h2 = x2 * lax.rsqrt(ms2 + 1e-6) * n2_ref[...]
    h2b = h2.astype(_BF16)
    lg = jnp.dot(h2, rw_ref[...], preferred_element_type=_F32)
    g = jnp.dot(h2b, s1_ref[...], preferred_element_type=_F32)
    u = jnp.dot(h2b, s3_ref[...], preferred_element_type=_F32)
    sh = jnp.dot((jax.nn.silu(g) * u).astype(_BF16), s2_ref[...],
                 preferred_element_type=_F32)
    h2_ref[...] = h2
    lg_ref[...] = lg
    lgs_ref[pl.ds(i * TB, TB), :] = lg
    base_ref[...] = x2 + sh

    @pl.when(i == NTB - 1)
    def _route():
        lgf = lgs_ref[...]
        rowmax = jnp.max(lgf, axis=1, keepdims=True)
        ismax = (lgf == rowmax).astype(_F32)
        ei = lax.broadcasted_iota(jnp.int32, (E, E), 0)
        ej = lax.broadcasted_iota(jnp.int32, (E, E), 1)
        minc = (ei <= ej).astype(_F32)
        cnt = jnp.dot(ismax, minc, preferred_element_type=_F32)
        oh = jnp.where((cnt == 1.0) & (ismax > 0.0), 1.0, 0.0)

        ri = lax.broadcasted_iota(jnp.int32, (TB, TB), 0)
        rj = lax.broadcasted_iota(jnp.int32, (TB, TB), 1)
        ltri = (rj < ri).astype(_F32)
        tot = jnp.zeros((1, E), _F32)
        chunks = []
        for c in range(NTB):
            ohc = oh[c * TB:(c + 1) * TB, :]
            chunks.append(jnp.dot(ltri, ohc, preferred_element_type=_F32) + tot)
            tot = tot + jnp.sum(ohc, axis=0, keepdims=True)
        ranks = jnp.concatenate(chunks, axis=0)

        counts = tot
        pc = jnp.ceil(counts / BLK) * BLK
        mstrict = (ei < ej).astype(_F32)
        offs = jnp.dot(pc, mstrict, preferred_element_type=_F32)
        dest = jnp.sum(oh * (offs + ranks), axis=1, keepdims=True)
        dest_ref[...] = dest.astype(jnp.int32)

        offb_col = jnp.sum((ei == ej).astype(_F32) * offs,
                           axis=1, keepdims=True) / BLK
        bio = lax.broadcasted_iota(jnp.int32, (E, NB), 1).astype(_F32)
        cmp = (bio >= offb_col).astype(_F32)
        bexp_raw = jnp.sum(cmp, axis=0, keepdims=True) - 1.0
        nact = jnp.sum(pc) / BLK
        bact = lax.broadcasted_iota(jnp.int32, (1, NB), 1).astype(_F32)
        eio = lax.broadcasted_iota(jnp.int32, (1, E), 1).astype(_F32)
        lne = jnp.max(jnp.where(counts > 0.0, eio, -1.0))
        bexp_ref[...] = jnp.where(bact < nact, bexp_raw, lne).astype(jnp.int32)
        cb_ref[...] = jnp.minimum(bact, nact - 1.0).astype(jnp.int32)


def _block1_call(x2d, n1, wqp, wkp, wv, cos, sin, rq, rk, wo, n2, rw,
                 s1, s2, s3):
    full = lambda i: (0, 0)
    blk = lambda i: (i, 0)
    return pl.pallas_call(
        _block1_body,
        grid=(NTB,),
        in_specs=[
            pl.BlockSpec((TB, C), blk),
            pl.BlockSpec((1, C), full),
            pl.BlockSpec((C, NH * HD), full),
            pl.BlockSpec((C, NKV * HD), full),
            pl.BlockSpec((C, NKV * HD), full),
            pl.BlockSpec((TB, HD // 2), blk),
            pl.BlockSpec((TB, HD // 2), blk),
            pl.BlockSpec((NH * HD, NH * HD), full),
            pl.BlockSpec((NKV * HD, NKV * HD), full),
            pl.BlockSpec((C, C), full),
            pl.BlockSpec((1, C), full),
            pl.BlockSpec((C, E), full),
            pl.BlockSpec((C, H), full),
            pl.BlockSpec((H, C), full),
            pl.BlockSpec((C, H), full),
        ],
        out_specs=[
            pl.BlockSpec((TB, C), blk),
            pl.BlockSpec((TB, E), blk),
            pl.BlockSpec((TB, C), blk),
            pl.BlockSpec((T, 1), full),
            pl.BlockSpec((1, NB), full),
            pl.BlockSpec((1, NB), full),
        ],
        out_shape=[
            jax.ShapeDtypeStruct((T, C), _F32),
            jax.ShapeDtypeStruct((T, E), _F32),
            jax.ShapeDtypeStruct((T, C), _F32),
            jax.ShapeDtypeStruct((T, 1), jnp.int32),
            jax.ShapeDtypeStruct((1, NB), jnp.int32),
            jax.ShapeDtypeStruct((1, NB), jnp.int32),
        ],
        scratch_shapes=[
            pltpu.VMEM((T, NKV * HD), _BF16),
            pltpu.VMEM((T, 2 * NKV * HD), _BF16),
            pltpu.VMEM((T, E), _F32),
        ],
    )(x2d, n1, wqp, wkp, wv, cos, sin, rq, rk, wo, n2, rw, s1, s2, s3)


def _sc_mesh():
    return plsc.VectorSubcoreMesh(core_axis_name="c", subcore_axis_name="s")


def _dispatch_sc(h2, dest):
    @functools.partial(
        pl.kernel,
        mesh=_sc_mesh(),
        out_type=jax.ShapeDtypeStruct((TPAD, C), _F32),
        scratch_types=[
            pltpu.VMEM((CHUNK,), jnp.int32),
            pltpu.VMEM((CHUNK, C), _F32),
            pltpu.SemaphoreType.DMA,
        ],
    )
    def scatter_kernel(h2_hbm, dest_hbm, out_hbm, idx_v, rows_v, sem):
        wid = lax.axis_index("s") * SC_NC + lax.axis_index("c")
        base = wid * CHUNK
        pltpu.sync_copy(dest_hbm.at[pl.ds(base, CHUNK)], idx_v)
        pltpu.sync_copy(h2_hbm.at[pl.ds(base, CHUNK)], rows_v)
        pltpu.async_copy(rows_v, out_hbm.at[idx_v], sem).wait()

    return scatter_kernel(h2, dest)


def _combine_sc(eo, dest, basev):
    @functools.partial(
        pl.kernel,
        mesh=_sc_mesh(),
        out_type=jax.ShapeDtypeStruct((T, C), _F32),
        scratch_types=[
            pltpu.VMEM((CHUNK,), jnp.int32),
            pltpu.VMEM((CHUNK, C), _F32),
            pltpu.VMEM((CHUNK, C), _F32),
            pltpu.SemaphoreType.DMA,
            pltpu.SemaphoreType.DMA,
        ],
    )
    def gather_kernel(eo_hbm, dest_hbm, base_hbm, out_hbm, idx_v, rows_v,
                      base_v, sem, sem2):
        wid = lax.axis_index("s") * SC_NC + lax.axis_index("c")
        base = wid * CHUNK
        pltpu.sync_copy(dest_hbm.at[pl.ds(base, CHUNK)], idx_v)
        bcopy = pltpu.async_copy(base_hbm.at[pl.ds(base, CHUNK)], base_v, sem2)
        pltpu.async_copy(eo_hbm.at[idx_v], rows_v, sem).wait()
        bcopy.wait()

        def row(r, _):
            for cidx in range(C // 16):
                sl = pl.ds(cidx * 16, 16)
                rows_v[r, sl] = rows_v[r, sl] + base_v[r, sl]
            return 0

        lax.fori_loop(0, CHUNK, row, 0)
        pltpu.sync_copy(rows_v, out_hbm.at[pl.ds(base, CHUNK)])

    return gather_kernel(eo, dest, basev)


def _gemm_body(bexp_ref, cb_ref, h_ref, w1_ref, w3_ref, w2_ref, o_ref):
    b = pl.program_id(0)

    @pl.when(cb_ref[b] == b)
    def _():
        hb = h_ref[...]
        g = jnp.dot(hb, w1_ref[0], preferred_element_type=_F32)
        u = jnp.dot(hb, w3_ref[0], preferred_element_type=_F32)
        o_ref[...] = jnp.dot(jax.nn.silu(g) * u, w2_ref[0],
                             preferred_element_type=_F32)


def _gemm_call(bexp, cb, sorted_h, ew1, ew3, ew2):
    grid_spec = pltpu.PrefetchScalarGridSpec(
        num_scalar_prefetch=2,
        grid=(NB,),
        in_specs=[
            pl.BlockSpec((BLK, C), lambda b, bexp, cb: (cb[b], 0)),
            pl.BlockSpec((1, C, H), lambda b, bexp, cb: (bexp[b], 0, 0)),
            pl.BlockSpec((1, C, H), lambda b, bexp, cb: (bexp[b], 0, 0)),
            pl.BlockSpec((1, H, C), lambda b, bexp, cb: (bexp[b], 0, 0)),
        ],
        out_specs=pl.BlockSpec((BLK, C), lambda b, bexp, cb: (cb[b], 0)),
    )
    return pl.pallas_call(
        _gemm_body,
        grid_spec=grid_spec,
        out_shape=jax.ShapeDtypeStruct((TPAD, C), _F32),
    )(bexp, cb, sorted_h, ew1, ew3, ew2)


def _swapmat(nheads):
    n = nheads * HD
    i = jnp.arange(n)[:, None]
    j = jnp.arange(n)[None, :]
    same_head = (i // HD) == (j // HD)
    swapped = (i % HD) == ((j % HD) + HD // 2) % HD
    return (same_head & swapped).astype(_F32)


def kernel(x, freqs_cis, norm1_w, wq, wk, wv, wo, norm2_w, router_w,
           shared_w1, shared_w2, shared_w3, exp_w1, exp_w2, exp_w3):
    x2d = x.reshape(T, C)
    wqp = (wq.reshape(C, NH, HD // 2, 2).transpose(0, 1, 3, 2)
           .reshape(C, NH * HD).astype(_BF16)) * _BF16(1.0 / (HD ** 0.5))
    wkp = (wk.reshape(C, NKV, HD // 2, 2).transpose(0, 1, 3, 2)
           .reshape(C, NKV * HD).astype(_BF16))
    cos = jnp.cos(freqs_cis)
    sin = jnp.sin(freqs_cis)
    rq, rk = _swapmat(NH).astype(_BF16), _swapmat(NKV).astype(_BF16)

    h2, logits, base, dest2d, bexp2d, cb2d = _block1_call(
        x2d, norm1_w.reshape(1, C), wqp, wkp, wv.astype(_BF16), cos, sin,
        rq, rk, wo.astype(_BF16), norm2_w.reshape(1, C), router_w,
        shared_w1.astype(_BF16), shared_w2.astype(_BF16),
        shared_w3.astype(_BF16))

    dest = dest2d.reshape(T)
    bexp = bexp2d.reshape(NB)
    cb = cb2d.reshape(NB)

    sorted_h = _dispatch_sc(h2, dest)
    eo = _gemm_call(bexp, cb, sorted_h, exp_w1, exp_w3, exp_w2)
    out = _combine_sc(eo, dest, base)

    return out.reshape(B, T, C), logits.reshape(B, T, E)

# --- scband reference (transcript-rebuilt; emitter-appended) ---
"""Pipeline reference for scband-deep-seek-block-43525198578338 (READ-ONLY COPY).

The authoritative reference and input builder live on the scoring server;
editing this copy changes nothing except your own understanding.
"""

import jax, jax.numpy as jnp
import numpy as np

B, T, C = 1, 2048, 768
NH, NKV, HD = 12, 4, 64
E, K, H = 16, 1, 256


def rmsnorm(x, w, eps=1e-6):
    return x * jax.lax.rsqrt(jnp.mean(x * x, axis=-1, keepdims=True) + eps) * w


def apply_rope(q, k, freqs):
    cos = jnp.cos(freqs)[None, :, None, :]
    sin = jnp.sin(freqs)[None, :, None, :]
    def rot(t):
        tr = t.reshape(t.shape[0], t.shape[1], t.shape[2], -1, 2)
        a, b = tr[..., 0], tr[..., 1]
        return jnp.stack([a * cos - b * sin, a * sin + b * cos], axis=-1).reshape(t.shape)
    return rot(q), rot(k)


def swiglu(x, w1, w2, w3):
    return (jax.nn.silu(x @ w1) * (x @ w3)) @ w2


def setup_inputs(seed: int = 0):
    key = jax.random.key(seed)
    ks = jax.random.split(key, 16)
    s = 0.02
    return {
        "x": jax.random.normal(ks[0], (B, T, C), jnp.float32),
        "freqs_cis": jax.random.uniform(ks[1], (T, HD // 2), jnp.float32, 0.0, 2.0 * np.pi),
        "norm1_w": jnp.ones((C,), jnp.float32),
        "wq": jax.random.normal(ks[2], (C, NH * HD), jnp.float32) * s,
        "wk": jax.random.normal(ks[3], (C, NKV * HD), jnp.float32) * s,
        "wv": jax.random.normal(ks[4], (C, NKV * HD), jnp.float32) * s,
        "wo": jax.random.normal(ks[5], (C, C), jnp.float32) * s,
        "norm2_w": jnp.ones((C,), jnp.float32),
        "router_w": jax.random.normal(ks[6], (C, E), jnp.float32) * s,
        "shared_w1": jax.random.normal(ks[7], (C, H), jnp.float32) * s,
        "shared_w2": jax.random.normal(ks[8], (H, C), jnp.float32) * s,
        "shared_w3": jax.random.normal(ks[9], (C, H), jnp.float32) * s,
        "exp_w1": jax.random.normal(ks[10], (E, C, H), jnp.float32) * s,
        "exp_w2": jax.random.normal(ks[11], (E, H, C), jnp.float32) * s,
        "exp_w3": jax.random.normal(ks[12], (E, C, H), jnp.float32) * s,
    }


def reference(x, freqs_cis, norm1_w, wq, wk, wv, wo, norm2_w, router_w,
              shared_w1, shared_w2, shared_w3, exp_w1, exp_w2, exp_w3):
    # --- GQA attention ---
    h = rmsnorm(x, norm1_w)
    q = (h @ wq).reshape(B, T, NH, HD)
    k = (h @ wk).reshape(B, T, NKV, HD)
    v = (h @ wv).reshape(B, T, NKV, HD)
    q, k = apply_rope(q, k, freqs_cis)
    rep = NH // NKV
    k = jnp.repeat(k, rep, axis=2)
    v = jnp.repeat(v, rep, axis=2)
    q = q.transpose(0, 2, 1, 3)
    k = k.transpose(0, 2, 1, 3)
    v = v.transpose(0, 2, 1, 3)
    sc = (q @ k.transpose(0, 1, 3, 2)) / jnp.sqrt(jnp.float32(HD))
    causal = jnp.tril(jnp.ones((T, T), dtype=bool))
    sc = jnp.where(causal[None, None, :, :], sc, jnp.float32(-1e30))
    att = jax.nn.softmax(sc, axis=-1)
    y = (att @ v).transpose(0, 2, 1, 3).reshape(B, T, C) @ wo
    x = x + y
    # --- MoE FFN ---
    h2 = rmsnorm(x, norm2_w)
    shared = swiglu(h2, shared_w1, shared_w2, shared_w3)
    logits = h2 @ router_w  # (B, T, E)
    vals, idx = jax.lax.top_k(logits, K)
    wts = jax.nn.softmax(vals, axis=-1)  # (B, T, K)
    onehot = (idx[..., None] == jnp.arange(E)).astype(h2.dtype)  # (B, T, K, E)
    wfull = (wts[..., None] * onehot).sum(axis=-2)  # (B, T, E): per-expert weight, 0 if unrouted
    hf = h2.reshape(-1, C)
    g = jnp.einsum('nc,ech->neh', hf, exp_w1)
    u = jnp.einsum('nc,ech->neh', hf, exp_w3)
    a = jax.nn.silu(g) * u
    eo = jnp.einsum('neh,ehc->nec', a, exp_w2)
    moe = jnp.einsum('ne,nec->nc', wfull.reshape(-1, E), eo).reshape(B, T, C)
    out = x + shared + moe
    return out, logits


if False:  # reference __main__ guard neutralized (emitter)
    out = reference(**setup_inputs())
    print(out[0].shape, out[1].shape)

if __name__ == "__main__":
    import jax
    _d = setup_inputs()
    print(jax.jit(kernel)(*tuple(_d.values())))

</pallas_src>

<mosaic_0001>
#map = affine_map<(d0, d1) -> (0, 0)>
#map1 = affine_map<(d0, d1) -> (0)>
module attributes {stable_mosaic.version = 14 : i64} {
  func.func @scatter_kernel(%arg0: i32, %arg1: i32, %arg2: memref<2048x768xf32, #tpu.memory_space<hbm>>, %arg3: memref<2048xi32, #tpu.memory_space<hbm>>, %arg4: memref<4096x768xf32, #tpu.memory_space<hbm>>, %arg5: memref<64xi32, #tpu.memory_space<vmem>>, %arg6: memref<64x768xf32, #tpu.memory_space<vmem>>, %arg7: memref<!tpu.dma_semaphore, #tpu.memory_space<semaphore_mem>>) attributes {dimension_semantics = [#tpu.dimension_semantics<core_parallel>, #tpu.dimension_semantics<subcore_parallel>], iteration_bounds = array<i64: 2, 16>, scalar_prefetch = 0 : i64, scratch_operands = 3 : i64, tpu.core_type = #tpu.core_type<sc_vector_subcore>, window_params = [{transform_indices = #map}, {transform_indices = #map1}, {transform_indices = #map}]} {
    %mul3A = arith.constant 2 : i32
    %mul3A_0 = arith.muli %arg1, %mul3A : i32
    %add3A = arith.addi %mul3A_0, %arg0 : i32
    %mul3A_1 = arith.constant 64 : i32
    %mul3A_2 = arith.muli %add3A, %mul3A_1 : i32
    "tpu.region"() ({
      %run_scoped3A = tpu.sem_alloc : memref<!tpu.dma_semaphore, #tpu.memory_space<semaphore_mem>>
      %dma_start3A_7 = tpu.memref_slice %arg3[%mul3A_2] : memref<2048xi32, #tpu.memory_space<hbm>> -> memref<64xi32, #tpu.memory_space<hbm>>
      %dma_start3A_8 = tpu.memref_slice %arg3[%mul3A_2] : memref<2048xi32, #tpu.memory_space<hbm>> -> memref<64xi32, #tpu.memory_space<hbm>>
      tpu.enqueue_dma source(%dma_start3A_8 : memref<64xi32, #tpu.memory_space<hbm>>) target(%arg5 : memref<64xi32, #tpu.memory_space<vmem>>) target_semaphore(%run_scoped3A : memref<!tpu.dma_semaphore, #tpu.memory_space<semaphore_mem>>)
      %dma_wait3A_9 = tpu.memref_slice %arg3[%mul3A_2] : memref<2048xi32, #tpu.memory_space<hbm>> -> memref<64xi32, #tpu.memory_space<hbm>>
      %dma_wait3A_10 = tpu.memref_slice %arg3[%mul3A_2] : memref<2048xi32, #tpu.memory_space<hbm>> -> memref<64xi32, #tpu.memory_space<hbm>>
      tpu.wait_dma2 semaphore(%run_scoped3A : memref<!tpu.dma_semaphore, #tpu.memory_space<semaphore_mem>>) src(%dma_wait3A_10 : memref<64xi32, #tpu.memory_space<hbm>>) dst(%arg5 : memref<64xi32, #tpu.memory_space<vmem>>)
      tpu.yield
    }) : () -> ()
    "tpu.region"() ({
      %run_scoped3A = tpu.sem_alloc : memref<!tpu.dma_semaphore, #tpu.memory_space<semaphore_mem>>
      %dma_start3A_7 = arith.constant 0 : i32
      %dma_start3A_8 = tpu.memref_slice %arg2[%mul3A_2, %dma_start3A_7] : memref<2048x768xf32, #tpu.memory_space<hbm>> -> memref<64x768xf32, #tpu.memory_space<hbm>>
      %dma_start3A_9 = arith.constant 0 : i32
      %dma_start3A_10 = tpu.memref_slice %arg2[%mul3A_2, %dma_start3A_9] : memref<2048x768xf32, #tpu.memory_space<hbm>> -> memref<64x768xf32, #tpu.memory_space<hbm>>
      tpu.enqueue_dma source(%dma_start3A_10 : memref<64x768xf32, #tpu.memory_space<hbm>>) target(%arg6 : memref<64x768xf32, #tpu.memory_space<vmem>>) target_semaphore(%run_scoped3A : memref<!tpu.dma_semaphore, #tpu.memory_space<semaphore_mem>>)
      %dma_wait3A_11 = arith.constant 0 : i32
      %dma_wait3A_12 = tpu.memref_slice %arg2[%mul3A_2, %dma_wait3A_11] : memref<2048x768xf32, #tpu.memory_space<hbm>> -> memref<64x768xf32, #tpu.memory_space<hbm>>
      %dma_wait3A_13 = arith.constant 0 : i32
      %dma_wait3A_14 = tpu.memref_slice %arg2[%mul3A_2, %dma_wait3A_13] : memref<2048x768xf32, #tpu.memory_space<hbm>> -> memref<64x768xf32, #tpu.memory_space<hbm>>
      tpu.wait_dma2 semaphore(%run_scoped3A : memref<!tpu.dma_semaphore, #tpu.memory_space<semaphore_mem>>) src(%dma_wait3A_14 : memref<64x768xf32, #tpu.memory_space<hbm>>) dst(%arg6 : memref<64x768xf32, #tpu.memory_space<vmem>>)
      tpu.yield
    }) : () -> ()
    %dma_start3A = arith.constant 0 : i32
    %dma_start3A_3 = arith.constant 0 : i32
    %dma_start3A_4 = tpu.memref_slice %arg4[%dma_start3A, %dma_start3A_3] : memref<4096x768xf32, #tpu.memory_space<hbm>> -> memref<4096x768xf32, #tpu.memory_space<hbm>>
    tpu.enqueue_indirect_dma source(%arg6 : memref<64x768xf32, #tpu.memory_space<vmem>>) target(%dma_start3A_4 : memref<4096x768xf32, #tpu.memory_space<hbm>>) offsets(%arg5 : memref<64xi32, #tpu.memory_space<vmem>>) semaphore(%arg7 : memref<!tpu.dma_semaphore, #tpu.memory_space<semaphore_mem>>)
    %dma_wait3A = arith.constant 0 : i32
    %dma_wait3A_5 = arith.constant 0 : i32
    %dma_wait3A_6 = tpu.memref_slice %arg4[%dma_wait3A, %dma_wait3A_5] : memref<4096x768xf32, #tpu.memory_space<hbm>> -> memref<4096x768xf32, #tpu.memory_space<hbm>>
    tpu.wait_indirect_dma semaphore(%arg7 : memref<!tpu.dma_semaphore, #tpu.memory_space<semaphore_mem>>) src(%arg6 : memref<64x768xf32, #tpu.memory_space<vmem>>) dst(%dma_wait3A_6 : memref<4096x768xf32, #tpu.memory_space<hbm>>)
    return
  }
}

#map = affine_map<(d0, d1) -> (0, 0)>
#map1 = affine_map<(d0, d1) -> (0)>
module attributes {stable_mosaic.version = 14 : i64} {
  func.func @gather_kernel(%arg0: i32, %arg1: i32, %arg2: memref<4096x768xf32, #tpu.memory_space<hbm>>, %arg3: memref<2048xi32, #tpu.memory_space<hbm>>, %arg4: memref<2048x768xf32, #tpu.memory_space<hbm>>, %arg5: memref<2048x768xf32, #tpu.memory_space<hbm>>, %arg6: memref<64xi32, #tpu.memory_space<vmem>>, %arg7: memref<64x768xf32, #tpu.memory_space<vmem>>, %arg8: memref<64x768xf32, #tpu.memory_space<vmem>>, %arg9: memref<!tpu.dma_semaphore, #tpu.memory_space<semaphore_mem>>, %arg10: memref<!tpu.dma_semaphore, #tpu.memory_space<semaphore_mem>>) attributes {dimension_semantics = [#tpu.dimension_semantics<core_parallel>, #tpu.dimension_semantics<subcore_parallel>], iteration_bounds = array<i64: 2, 16>, scalar_prefetch = 0 : i64, scratch_operands = 5 : i64, tpu.core_type = #tpu.core_type<sc_vector_subcore>, window_params = [{transform_indices = #map}, {transform_indices = #map1}, {transform_indices = #map}, {transform_indices = #map}]} {
    %mul3A = arith.constant 2 : i32
    %mul3A_0 = arith.muli %arg1, %mul3A : i32
    %add3A = arith.addi %mul3A_0, %arg0 : i32
    %mul3A_1 = arith.constant 64 : i32
    %mul3A_2 = arith.muli %add3A, %mul3A_1 : i32
    "tpu.region"() ({
      %run_scoped3A = tpu.sem_alloc : memref<!tpu.dma_semaphore, #tpu.memory_space<semaphore_mem>>
      %dma_start3A_21 = tpu.memref_slice %arg3[%mul3A_2] : memref<2048xi32, #tpu.memory_space<hbm>> -> memref<64xi32, #tpu.memory_space<hbm>>
      %dma_start3A_22 = tpu.memref_slice %arg3[%mul3A_2] : memref<2048xi32, #tpu.memory_space<hbm>> -> memref<64xi32, #tpu.memory_space<hbm>>
      tpu.enqueue_dma source(%dma_start3A_22 : memref<64xi32, #tpu.memory_space<hbm>>) target(%arg6 : memref<64xi32, #tpu.memory_space<vmem>>) target_semaphore(%run_scoped3A : memref<!tpu.dma_semaphore, #tpu.memory_space<semaphore_mem>>)
      %dma_wait3A_23 = tpu.memref_slice %arg3[%mul3A_2] : memref<2048xi32, #tpu.memory_space<hbm>> -> memref<64xi32, #tpu.memory_space<hbm>>
      %dma_wait3A_24 = tpu.memref_slice %arg3[%mul3A_2] : memref<2048xi32, #tpu.memory_space<hbm>> -> memref<64xi32, #tpu.memory_space<hbm>>
      tpu.wait_dma2 semaphore(%run_scoped3A : memref<!tpu.dma_semaphore, #tpu.memory_space<semaphore_mem>>) src(%dma_wait3A_24 : memref<64xi32, #tpu.memory_space<hbm>>) dst(%arg6 : memref<64xi32, #tpu.memory_space<vmem>>)
      tpu.yield
    }) : () -> ()
    %dma_start3A = arith.constant 0 : i32
    %dma_start3A_3 = tpu.memref_slice %arg4[%mul3A_2, %dma_start3A] : memref<2048x768xf32, #tpu.memory_space<hbm>> -> memref<64x768xf32, #tpu.memory_space<hbm>>
    %dma_start3A_4 = arith.constant 0 : i32
    %dma_start3A_5 = tpu.memref_slice %arg4[%mul3A_2, %dma_start3A_4] : memref<2048x768xf32, #tpu.memory_space<hbm>> -> memref<64x768xf32, #tpu.memory_space<hbm>>
    tpu.enqueue_dma source(%dma_start3A_5 : memref<64x768xf32, #tpu.memory_space<hbm>>) target(%arg8 : memref<64x768xf32, #tpu.memory_space<vmem>>) target_semaphore(%arg10 : memref<!tpu.dma_semaphore, #tpu.memory_space<semaphore_mem>>)
    %dma_start3A_6 = arith.constant 0 : i32
    %dma_start3A_7 = arith.constant 0 : i32
    %dma_start3A_8 = tpu.memref_slice %arg2[%dma_start3A_6, %dma_start3A_7] : memref<4096x768xf32, #tpu.memory_space<hbm>> -> memref<4096x768xf32, #tpu.memory_space<hbm>>
    tpu.enqueue_indirect_dma source(%dma_start3A_8 : memref<4096x768xf32, #tpu.memory_space<hbm>>) target(%arg7 : memref<64x768xf32, #tpu.memory_space<vmem>>) offsets(%arg6 : memref<64xi32, #tpu.memory_space<vmem>>) semaphore(%arg9 : memref<!tpu.dma_semaphore, #tpu.memory_space<semaphore_mem>>)
    %dma_wait3A = arith.constant 0 : i32
    %dma_wait3A_9 = arith.constant 0 : i32
    %dma_wait3A_10 = tpu.memref_slice %arg2[%dma_wait3A, %dma_wait3A_9] : memref<4096x768xf32, #tpu.memory_space<hbm>> -> memref<4096x768xf32, #tpu.memory_space<hbm>>
    tpu.wait_indirect_dma semaphore(%arg9 : memref<!tpu.dma_semaphore, #tpu.memory_space<semaphore_mem>>) src(%dma_wait3A_10 : memref<4096x768xf32, #tpu.memory_space<hbm>>) dst(%arg7 : memref<64x768xf32, #tpu.memory_space<vmem>>)
    %dma_wait3A_11 = arith.constant 0 : i32
    %dma_wait3A_12 = tpu.memref_slice %arg4[%mul3A_2, %dma_wait3A_11] : memref<2048x768xf32, #tpu.memory_space<hbm>> -> memref<64x768xf32, #tpu.memory_space<hbm>>
    %dma_wait3A_13 = arith.constant 0 : i32
    %dma_wait3A_14 = tpu.memref_slice %arg4[%mul3A_2, %dma_wait3A_13] : memref<2048x768xf32, #tpu.memory_space<hbm>> -> memref<64x768xf32, #tpu.memory_space<hbm>>
    tpu.wait_dma2 semaphore(%arg10 : memref<!tpu.dma_semaphore, #tpu.memory_space<semaphore_mem>>) src(%dma_wait3A_14 : memref<64x768xf32, #tpu.memory_space<hbm>>) dst(%arg8 : memref<64x768xf32, #tpu.memory_space<vmem>>)
    %scan3A = arith.constant 0 : i32
    %scan3A_15 = arith.constant 0 : i32
    %scan3A_16 = arith.constant 64 : i32
    %scan3A_17 = arith.addi %scan3A_15, %scan3A_16 : i32
    %scan3A_18 = arith.constant 1 : i32
    %scan3A_19 = scf.for %scan3A_21 = %scan3A_15 to %scan3A_17 step %scan3A_18 iter_args(%scan3A_22 = %scan3A) -> (i32)  : i32 {
      %get3A = arith.index_cast %scan3A_21 : i32 to index
      %get3A_23 = arith.constant 0 : index
      %get3A_24 = tpu.vector_load %arg7[%get3A, %get3A_23] {strides = array<i32>} : memref<64x768xf32, #tpu.memory_space<vmem>>, vector<1x16xf32>,
      %get3A_25 = vector.shape_cast %get3A_24 : vector<1x16xf32> to vector<16xf32>
      %get3A_26 = arith.index_cast %scan3A_21 : i32 to index
      %get3A_27 = arith.constant 0 : index
      %get3A_28 = tpu.vector_load %arg8[%get3A_26, %get3A_27] {strides = array<i32>} : memref<64x768xf32, #tpu.memory_space<vmem>>, vector<1x16xf32>,
      %get3A_29 = vector.shape_cast %get3A_28 : vector<1x16xf32> to vector<16xf32>
      %add3A_30 = arith.addf %get3A_25, %get3A_29 : vector<16xf32>
      %swap3A = arith.index_cast %scan3A_21 : i32 to index
      %swap3A_31 = arith.constant 0 : index
      %swap3A_32 = tpu.vector_load %arg7[%swap3A, %swap3A_31] {strides = array<i32>} : memref<64x768xf32, #tpu.memory_space<vmem>>, vector<1x16xf32>,
      %swap3A_33 = vector.shape_cast %swap3A_32 : vector<1x16xf32> to vector<16xf32>
      %swap3A_34 = vector.shape_cast %add3A_30 : vector<16xf32> to vector<1x16xf32>
      tpu.vector_store %arg7[%swap3A, %swap3A_31], %swap3A_34 {strides = array<i32>} : memref<64x768xf32, #tpu.memory_space<vmem>>, vector<1x16xf32>,
      %get3A_35 = arith.index_cast %scan3A_21 : i32 to index
      %get3A_36 = arith.constant 16 : index
      %get3A_37 = tpu.vector_load %arg7[%get3A_35, %get3A_36] {strides = array<i32>} : memref<64x768xf32, #tpu.memory_space<vmem>>, vector<1x16xf32>,
      %get3A_38 = vector.shape_cast %get3A_37 : vector<1x16xf32> to vector<16xf32>
      %get3A_39 = arith.index_cast %scan3A_21 : i32 to index
      %get3A_40 = arith.constant 16 : index
      %get3A_41 = tpu.vector_load %arg8[%get3A_39, %get3A_40] {strides = array<i32>} : memref<64x768xf32, #tpu.memory_space<vmem>>, vector<1x16xf32>,
      %get3A_42 = vector.shape_cast %get3A_41 : vector<1x16xf32> to vector<16xf32>
      %add3A_43 = arith.addf %get3A_38, %get3A_42 : vector<16xf32>
      %swap3A_44 = arith.index_cast %scan3A_21 : i32 to index
      %swap3A_45 = arith.constant 16 : index
      %swap3A_46 = tpu.vector_load %arg7[%swap3A_44, %swap3A_45] {strides = array<i32>} : memref<64x768xf32, #tpu.memory_space<vmem>>, vector<1x16xf32>,
      %swap3A_47 = vector.shape_cast %swap3A_46 : vector<1x16xf32> to vector<16xf32>
      %swap3A_48 = vector.shape_cast %add3A_43 : vector<16xf32> to vector<1x16xf32>
      tpu.vector_store %arg7[%swap3A_44, %swap3A_45], %swap3A_48 {strides = array<i32>} : memref<64x768xf32, #tpu.memory_space<vmem>>, vector<1x16xf32>,
      %get3A_49 = arith.index_cast %scan3A_21 : i32 to index
      %get3A_50 = arith.constant 32 : index
      %get3A_51 = tpu.vector_load %arg7[%get3A_49, %get3A_50] {strides = array<i32>} : memref<64x768xf32, #tpu.memory_space<vmem>>, vector<1x16xf32>,
      %get3A_52 = vector.shape_cast %get3A_51 : vector<1x16xf32> to vector<16xf32>
      %get3A_53 = arith.index_cast %scan3A_21 : i32 to index
      %get3A_54 = arith.constant 32 : index
      %get3A_55 = tpu.vector_load %arg8[%get3A_53, %get3A_54] {strides = array<i32>} : memref<64x768xf32, #tpu.memory_space<vmem>>, vector<1x16xf32>,
      %get3A_56 = vector.shape_cast %get3A_55 : vector<1x16xf32> to vector<16xf32>
      %add3A_57 = arith.addf %get3A_52, %get3A_56 : vector<16xf32>
      %swap3A_58 = arith.index_cast %scan3A_21 : i32 to index
      %swap3A_59 = arith.constant 32 : index
      %swap3A_60 = tpu.vector_load %arg7[%swap3A_58, %swap3A_59] {strides = array<i32>} : memref<64x768xf32, #tpu.memory_space<vmem>>, vector<1x16xf32>,
      %swap3A_61 = vector.shape_cast %swap3A_60 : vector<1x16xf32> to vector<16xf32>
      %swap3A_62 = vector.shape_cast %add3A_57 : vector<16xf32> to vector<1x16xf32>
      tpu.vector_store %arg7[%swap3A_58, %swap3A_59], %swap3A_62 {strides = array<i32>} : memref<64x768xf32, #tpu.memory_space<vmem>>, vector<1x16xf32>,
      %get3A_63 = arith.index_cast %scan3A_21 : i32 to index
      %get3A_64 = arith.constant 48 : index
      %get3A_65 = tpu.vector_load %arg7[%get3A_63, %get3A_64] {strides = array<i32>} : memref<64x768xf32, #tpu.memory_space<vmem>>, vector<1x16xf32>,
      %get3A_66 = vector.shape_cast %get3A_65 : vector<1x16xf32> to vector<16xf32>
      %get3A_67 = arith.index_cast %scan3A_21 : i32 to index
      %get3A_68 = arith.constant 48 : index
      %get3A_69 = tpu.vector_load %arg8[%get3A_67, %get3A_68] {strides = array<i32>} : memref<64x768xf32, #tpu.memory_space<vmem>>, vector<1x16xf32>,
      %get3A_70 = vector.shape_cast %get3A_69 : vector<1x16xf32> to vector<16xf32>
      %add3A_71 = arith.addf %get3A_66, %get3A_70 : vector<16xf32>
      %swap3A_72 = arith.index_cast %scan3A_21 : i32 to index
      %swap3A_73 = arith.constant 48 : index
      %swap3A_74 = tpu.vector_load %arg7[%swap3A_72, %swap3A_73] {strides = array<i32>} : memref<64x768xf32, #tpu.memory_space<vmem>>, vector<1x16xf32>,
      %swap3A_75 = vector.shape_cast %swap3A_74 : vector<1x16xf32> to vector<16xf32>
      %swap3A_76 = vector.shape_cast %add3A_71 : vector<16xf32> to vector<1x16xf32>
      tpu.vector_store %arg7[%swap3A_72, %swap3A_73], %swap3A_76 {strides = array<i32>} : memref<64x768xf32, #tpu.memory_space<vmem>>, vector<1x16xf32>,
      %get3A_77 = arith.index_cast %scan3A_21 : i32 to index
      %get3A_78 = arith.constant 64 : index
      %get3A_79 = tpu.vector_load %arg7[%get3A_77, %get3A_78] {strides = array<i32>} : memref<64x768xf32, #tpu.memory_space<vmem>>, vector<1x16xf32>,
      %get3A_80 = vector.shape_cast %get3A_79 : vector<1x16xf32> to vector<16xf32>
      %get3A_81 = arith.index_cast %scan3A_21 : i32 to index
      %get3A_82 = arith.constant 64 : index
      %get3A_83 = tpu.vector_load %arg8[%get3A_81, %get3A_82] {strides = array<i32>} : memref<64x768xf32, #tpu.memory_space<vmem>>, vector<1x16xf32>,
      %get3A_84 = vector.shape_cast %get3A_83 : vector<1x16xf32> to vector<16xf32>
      %add3A_85 = arith.addf %get3A_80, %get3A_84 : vector<16xf32>
      %swap3A_86 = arith.index_cast %scan3A_21 : i32 to index
      %swap3A_87 = arith.constant 64 : index
      %swap3A_88 = tpu.vector_load %arg7[%swap3A_86, %swap3A_87] {strides = array<i32>} : memref<64x768xf32, #tpu.memory_space<vmem>>, vector<1x16xf32>,
      %swap3A_89 = vector.shape_cast %swap3A_88 : vector<1x16xf32> to vector<16xf32>
      %swap3A_90 = vector.shape_cast %add3A_85 : vector<16xf32> to vector<1x16xf32>
      tpu.vector_store %arg7[%swap3A_86, %swap3A_87], %swap3A_90 {strides = array<i32>} : memref<64x768xf32, #tpu.memory_space<vmem>>, vector<1x16xf32>,
      %get3A_91 = arith.index_cast %scan3A_21 : i32 to index
      %get3A_92 = arith.constant 80 : index
      %get3A_93 = tpu.vector_load %arg7[%get3A_91, %get3A_92] {strides = array<i32>} : memref<64x768xf32, #tpu.memory_space<vmem>>, vector<1x16xf32>,
      %get3A_94 = vector.shape_cast %get3A_93 : vector<1x16xf32> to vector<16xf32>
      %get3A_95 = arith.index_cast %scan3A_21 : i32 to index
      %get3A_96 = arith.constant 80 : index
      %get3A_97 = tpu.vector_load %arg8[%get3A_95, %get3A_96] {strides = array<i32>} : memref<64x768xf32, #tpu.memory_space<vmem>>, vector<1x16xf32>,
      %get3A_98 = vector.shape_cast %get3A_97 : vector<1x16xf32> to vector<16xf32>
      %add3A_99 = arith.addf %get3A_94, %get3A_98 : vector<16xf32>
      %swap3A_100 = arith.index_cast %scan3A_21 : i32 to index
      %swap3A_101 = arith.constant 80 : index
      %swap3A_102 = tpu.vector_load %arg7[%swap3A_100, %swap3A_101] {strides = array<i32>} : memref<64x768xf32, #tpu.memory_space<vmem>>, vector<1x16xf32>,
      %swap3A_103 = vector.shape_cast %swap3A_102 : vector<1x16xf32> to vector<16xf32>
      %swap3A_104 = vector.shape_cast %add3A_99 : vector<16xf32> to vector<1x16xf32>
      tpu.vector_store %arg7[%swap3A_100, %swap3A_101], %swap3A_104 {strides = array<i32>} : memref<64x768xf32, #tpu.memory_space<vmem>>, vector<1x16xf32>,
      %get3A_105 = arith.index_cast %scan3A_21 : i32 to index
      %get3A_106 = arith.constant 96 : index
      %get3A_107 = tpu.vector_load %arg7[%get3A_105, %get3A_106] {strides = array<i32>} : memref<64x768xf32, #tpu.memory_space<vmem>>, vector<1x16xf32>,
      %get3A_108 = vector.shape_cast %get3A_107 : vector<1x16xf32> to vector<16xf32>
      %get3A_109 = arith.index_cast %scan3A_21 : i32 to index
      %get3A_110 = arith.constant 96 : index
      %get3A_111 = tpu.vector_load %arg8[%get3A_109, %get3A_110] {strides = array<i32>} : memref<64x768xf32, #tpu.memory_space<vmem>>, vector<1x16xf32>,
      %get3A_112 = vector.shape_cast %get3A_111 : vector<1x16xf32> to vector<16xf32>
      %add3A_113 = arith.addf %get3A_108, %get3A_112 : vector<16xf32>
      %swap3A_114 = arith.index_cast %scan3A_21 : i32 to index
      %swap3A_115 = arith.constant 96 : index
      %swap3A_116 = tpu.vector_load %arg7[%swap3A_114, %swap3A_115] {strides = array<i32>} : memref<64x768xf32, #tpu.memory_space<vmem>>, vector<1x16xf32>,
      %swap3A_117 = vector.shape_cast %swap3A_116 : vector<1x16xf32> to vector<16xf32>
      %swap3A_118 = vector.shape_cast %add3A_113 : vector<16xf32> to vector<1x16xf32>
      tpu.vector_store %arg7[%swap3A_114, %swap3A_115], %swap3A_118 {strides = array<i32>} : memref<64x768xf32, #tpu.memory_space<vmem>>, vector<1x16xf32>,
      %get3A_119 = arith.index_cast %scan3A_21 : i32 to index
      %get3A_120 = arith.constant 112 : index
      %get3A_121 = tpu.vector_load %arg7[%get3A_119, %get3A_120] {strides = array<i32>} : memref<64x768xf32, #tpu.memory_space<vmem>>, vector<1x16xf32>,
      %get3A_122 = vector.shape_cast %get3A_121 : vector<1x16xf32> to vector<16xf32>
      %get3A_123 = arith.index_cast %scan3A_21 : i32 to index
      %get3A_124 = arith.constant 112 : index
      %get3A_125 = tpu.vector_load %arg8[%get3A_123, %get3A_124] {strides = array<i32>} : memref<64x768xf32, #tpu.memory_space<vmem>>, vector<1x16xf32>,
      %get3A_126 = vector.shape_cast %get3A_125 : vector<1x16xf32> to vector<16xf32>
      %add3A_127 = arith.addf %get3A_122, %get3A_126 : vector<16xf32>
      %swap3A_128 = arith.index_cast %scan3A_21 : i32 to index
      %swap3A_129 = arith.constant 112 : index
      %swap3A_130 = tpu.vector_load %arg7[%swap3A_128, %swap3A_129] {strides = array<i32>} : memref<64x768xf32, #tpu.memory_space<vmem>>, vector<1x16xf32>,
      %swap3A_131 = vector.shape_cast %swap3A_130 : vector<1x16xf32> to vector<16xf32>
      %swap3A_132 = vector.shape_cast %add3A_127 : vector<16xf32> to vector<1x16xf32>
      tpu.vector_store %arg7[%swap3A_128, %swap3A_129], %swap3A_132 {strides = array<i32>} : memref<64x768xf32, #tpu.memory_space<vmem>>, vector<1x16xf32>,
      %get3A_133 = arith.index_cast %scan3A_21 : i32 to index
      %get3A_134 = arith.constant 128 : index
      %get3A_135 = tpu.vector_load %arg7[%get3A_133, %get3A_134] {strides = array<i32>} : memref<64x768xf32, #tpu.memory_space<vmem>>, vector<1x16xf32>,
      %get3A_136 = vector.shape_cast %get3A_135 : vector<1x16xf32> to vector<16xf32>
      %get3A_137 = arith.index_cast %scan3A_21 : i32 to index
      %get3A_138 = arith.constant 128 : index
      %get3A_139 = tpu.vector_load %arg8[%get3A_137, %get3A_138] {strides = array<i32>} : memref<64x768xf32, #tpu.memory_space<vmem>>, vector<1x16xf32>,
      %get3A_140 = vector.shape_cast %get3A_139 : vector<1x16xf32> to vector<16xf32>
      %add3A_141 = arith.addf %get3A_136, %get3A_140 : vector<16xf32>
      %swap3A_142 = arith.index_cast %scan3A_21 : i32 to index
      %swap3A_143 = arith.constant 128 : index
      %swap3A_144 = tpu.vector_load %arg7[%swap3A_142, %swap3A_143] {strides = array<i32>} : memref<64x768xf32, #tpu.memory_space<vmem>>, vector<1x16xf32>,
      %swap3A_145 = vector.shape_cast %swap3A_144 : vector<1x16xf32> to vector<16xf32>
      %swap3A_146 = vector.shape_cast %add3A_141 : vector<16xf32> to vector<1x16xf32>
      tpu.vector_store %arg7[%swap3A_142, %swap3A_143], %swap3A_146 {strides = array<i32>} : memref<64x768xf32, #tpu.memory_space<vmem>>, vector<1x16xf32>,
      %get3A_147 = arith.index_cast %scan3A_21 : i32 to index
      %get3A_148 = arith.constant 144 : index
      %get3A_149 = tpu.vector_load %arg7[%get3A_147, %get3A_148] {strides = array<i32>} : memref<64x768xf32, #tpu.memory_space<vmem>>, vector<1x16xf32>,
      %get3A_150 = vector.shape_cast %get3A_149 : vector<1x16xf32> to vector<16xf32>
      %get3A_151 = arith.index_cast %scan3A_21 : i32 to index
      %get3A_152 = arith.constant 144 : index
      %get3A_153 = tpu.vector_load %arg8[%get3A_151, %get3A_152] {strides = array<i32>} : memref<64x768xf32, #tpu.memory_space<vmem>>, vector<1x16xf32>,
      %get3A_154 = vector.shape_cast %get3A_153 : vector<1x16xf32> to vector<16xf32>
      %add3A_155 = arith.addf %get3A_150, %get3A_154 : vector<16xf32>
      %swap3A_156 = arith.index_cast %scan3A_21 : i32 to index
      %swap3A_157 = arith.constant 144 : index
      %swap3A_158 = tpu.vector_load %arg7[%swap3A_156, %swap3A_157] {strides = array<i32>} : memref<64x768xf32, #tpu.memory_space<vmem>>, vector<1x16xf32>,
      %swap3A_159 = vector.shape_cast %swap3A_158 : vector<1x16xf32> to vector<16xf32>
      %swap3A_160 = vector.shape_cast %add3A_155 : vector<16xf32> to vector<1x16xf32>
      tpu.vector_store %arg7[%swap3A_156, %swap3A_157], %swap3A_160 {strides = array<i32>} : memref<64x768xf32, #tpu.memory_space<vmem>>, vector<1x16xf32>,
      %get3A_161 = arith.index_cast %scan3A_21 : i32 to index
      %get3A_162 = arith.constant 160 : index
      %get3A_163 = tpu.vector_load %arg7[%get3A_161, %get3A_162] {strides = array<i32>} : memref<64x768xf32, #tpu.memory_space<vmem>>, vector<1x16xf32>,
      %get3A_164 = vector.shape_cast %get3A_163 : vector<1x16xf32> to vector<16xf32>
      %get3A_165 = arith.index_cast %scan3A_21 : i32 to index
      %get3A_166 = arith.constant 160 : index
      %get3A_167 = tpu.vector_load %arg8[%get3A_165, %get3A_166] {strides = array<i32>} : memref<64x768xf32, #tpu.memory_space<vmem>>, vector<1x16xf32>,
      %get3A_168 = vector.shape_cast %get3A_167 : vector<1x16xf32> to vector<16xf32>
      %add3A_169 = arith.addf %get3A_164, %get3A_168 : vector<16xf32>
      %swap3A_170 = arith.index_cast %scan3A_21 : i32 to index
      %swap3A_171 = arith.constant 160 : index
      %swap3A_172 = tpu.vector_load %arg7[%swap3A_170, %swap3A_171] {strides = array<i32>} : memref<64x768xf32, #tpu.memory_space<vmem>>, vector<1x16xf32>,
      %swap3A_173 = vector.shape_cast %swap3A_172 : vector<1x16xf32> to vector<16xf32>
      %swap3A_174 = vector.shape_cast %add3A_169 : vector<16xf32> to vector<1x16xf32>
      tpu.vector_store %arg7[%swap3A_170, %swap3A_171], %swap3A_174 {strides = array<i32>} : memref<64x768xf32, #tpu.memory_space<vmem>>, vector<1x16xf32>,
      %get3A_175 = arith.index_cast %scan3A_21 : i32 to index
      %get3A_176 = arith.constant 176 : index
      %get3A_177 = tpu.vector_load %arg7[%get3A_175, %get3A_176] {strides = array<i32>} : memref<64x768xf32, #tpu.memory_space<vmem>>, vector<1x16xf32>,
      %get3A_178 = vector.shape_cast %get3A_177 : vector<1x16xf32> to vector<16xf32>
      %get3A_179 = arith.index_cast %scan3A_21 : i32 to index
      %get3A_180 = arith.constant 176 : index
      %get3A_181 = tpu.vector_load %arg8[%get3A_179, %get3A_180] {strides = array<i32>} : memref<64x768xf32, #tpu.memory_space<vmem>>, vector<1x16xf32>,
      %get3A_182 = vector.shape_cast %get3A_181 : vector<1x16xf32> to vector<16xf32>
      %add3A_183 = arith.addf %get3A_178, %get3A_182 : vector<16xf32>
      %swap3A_184 = arith.index_cast %scan3A_21 : i32 to index
      %swap3A_185 = arith.constant 176 : index
      %swap3A_186 = tpu.vector_load %arg7[%swap3A_184, %swap3A_185] {strides = array<i32>} : memref<64x768xf32, #tpu.memory_space<vmem>>, vector<1x16xf32>,
      %swap3A_187 = vector.shape_cast %swap3A_186 : vector<1x16xf32> to vector<16xf32>
      %swap3A_188 = vector.shape_cast %add3A_183 : vector<16xf32> to vector<1x16xf32>
      tpu.vector_store %arg7[%swap3A_184, %swap3A_185], %swap3A_188 {strides = array<i32>} : memref<64x768xf32, #tpu.memory_space<vmem>>, vector<1x16xf32>,
      %get3A_189 = arith.index_cast %scan3A_21 : i32 to index
      %get3A_190 = arith.constant 192 : index
      %get3A_191 = tpu.vector_load %arg7[%get3A_189, %get3A_190] {strides = array<i32>} : memref<64x768xf32, #tpu.memory_space<vmem>>, vector<1x16xf32>,
      %get3A_192 = vector.shape_cast %get3A_191 : vector<1x16xf32> to vector<16xf32>
      %get3A_193 = arith.index_cast %scan3A_21 : i32 to index
      %get3A_194 = arith.constant 192 : index
      %get3A_195 = tpu.vector_load %arg8[%get3A_193, %get3A_194] {strides = array<i32>} : memref<64x768xf32, #tpu.memory_space<vmem>>, vector<1x16xf32>,
      %get3A_196 = vector.shape_cast %get3A_195 : vector<1x16xf32> to vector<16xf32>
      %add3A_197 = arith.addf %get3A_192, %get3A_196 : vector<16xf32>
      %swap3A_198 = arith.index_cast %scan3A_21 : i32 to index
      %swap3A_199 = arith.constant 192 : index
      %swap3A_200 = tpu.vector_load %arg7[%swap3A_198, %swap3A_199] {strides = array<i32>} : memref<64x768xf32, #tpu.memory_space<vmem>>, vector<1x16xf32>,
      %swap3A_201 = vector.shape_cast %swap3A_200 : vector<1x16xf32> to vector<16xf32>
      %swap3A_202 = vector.shape_cast %add3A_197 : vector<16xf32> to vector<1x16xf32>
      tpu.vector_store %arg7[%swap3A_198, %swap3A_199], %swap3A_202 {strides = array<i32>} : memref<64x768xf32, #tpu.memory_space<vmem>>, vector<1x16xf32>,
      %get3A_203 = arith.index_cast %scan3A_21 : i32 to index
      %get3A_204 = arith.constant 208 : index
      %get3A_205 = tpu.vector_load %arg7[%get3A_203, %get3A_204] {strides = array<i32>} : memref<64x768xf32, #tpu.memory_space<vmem>>, vector<1x16xf32>,
      %get3A_206 = vector.shape_cast %get3A_205 : vector<1x16xf32> to vector<16xf32>
      %get3A_207 = arith.index_cast %scan3A_21 : i32 to index
      %get3A_208 = arith.constant 208 : index
      %get3A_209 = tpu.vector_load %arg8[%get3A_207, %get3A_208] {strides = array<i32>} : memref<64x768xf32, #tpu.memory_space<vmem>>, vector<1x16xf32>,
      %get3A_210 = vector.shape_cast %get3A_209 : vector<1x16xf32> to vector<16xf32>
      %add3A_211 = arith.addf %get3A_206, %get3A_210 : vector<16xf32>
      %swap3A_212 = arith.index_cast %scan3A_21 : i32 to index
      %swap3A_213 = arith.constant 208 : index
      %swap3A_214 = tpu.vector_load %arg7[%swap3A_212, %swap3A_213] {strides = array<i32>} : memref<64x768xf32, #tpu.memory_space<vmem>>, vector<1x16xf32>,
      %swap3A_215 = vector.shape_cast %swap3A_214 : vector<1x16xf32> to vector<16xf32>
      %swap3A_216 = vector.shape_cast %add3A_211 : vector<16xf32> to vector<1x16xf32>
      tpu.vector_store %arg7[%swap3A_212, %swap3A_213], %swap3A_216 {strides = array<i32>} : memref<64x768xf32, #tpu.memory_space<vmem>>, vector<1x16xf32>,
      %get3A_217 = arith.index_cast %scan3A_21 : i32 to index
      %get3A_218 = arith.constant 224 : index
      %get3A_219 = tpu.vector_load %arg7[%get3A_217, %get3A_218] {strides = array<i32>} : memref<64x768xf32, #tpu.memory_space<vmem>>, vector<1x16xf32>,
      %get3A_220 = vector.shape_cast %get3A_219 : vector<1x16xf32> to vector<16xf32>
      %get3A_221 = arith.index_cast %scan3A_21 : i32 to index
      %get3A_222 = arith.constant 224 : index
      %get3A_223 = tpu.vector_load %arg8[%get3A_221, %get3A_222] {strides = array<i32>} : memref<64x768xf32, #tpu.memory_space<vmem>>, vector<1x16xf32>,
      %get3A_224 = vector.shape_cast %get3A_223 : vector<1x16xf32> to vector<16xf32>
      %add3A_225 = arith.addf %get3A_220, %get3A_224 : vector<16xf32>
      %swap3A_226 = arith.index_cast %scan3A_21 : i32 to index
      %swap3A_227 = arith.constant 224 : index
      %swap3A_228 = tpu.vector_load %arg7[%swap3A_226, %swap3A_227] {strides = array<i32>} : memref<64x768xf32, #tpu.memory_space<vmem>>, vector<1x16xf32>,
      %swap3A_229 = vector.shape_cast %swap3A_228 : vector<1x16xf32> to vector<16xf32>
      %swap3A_230 = vector.shape_cast %add3A_225 : vector<16xf32> to vector<1x16xf32>
      tpu.vector_store %arg7[%swap3A_226, %swap3A_227], %swap3A_230 {strides = array<i32>} : memref<64x768xf32, #tpu.memory_space<vmem>>, vector<1x16xf32>,
      %get3A_231 = arith.index_cast %scan3A_21 : i32 to index
      %get3A_232 = arith.constant 240 : index
      %get3A_233 = tpu.vector_load %arg7[%get3A_231, %get3A_232] {strides = array<i32>} : memref<64x768xf32, #tpu.memory_space<vmem>>, vector<1x16xf32>,
      %get3A_234 = vector.shape_cast %get3A_233 : vector<1x16xf32> to vector<16xf32>
      %get3A_235 = arith.index_cast %scan3A_21 : i32 to index
      %get3A_236 = arith.constant 240 : index
      %get3A_237 = tpu.vector_load %arg8[%get3A_235, %get3A_236] {strides = array<i32>} : memref<64x768xf32, #tpu.memory_space<vmem>>, vector<1x16xf32>,
      %get3A_238 = vector.shape_cast %get3A_237 : vector<1x16xf32> to vector<16xf32>
      %add3A_239 = arith.addf %get3A_234, %get3A_238 : vector<16xf32>
      %swap3A_240 = arith.index_cast %scan3A_21 : i32 to index
      %swap3A_241 = arith.constant 240 : index
      %swap3A_242 = tpu.vector_load %arg7[%swap3A_240, %swap3A_241] {strides = array<i32>} : memref<64x768xf32, #tpu.memory_space<vmem>>, vector<1x16xf32>,
      %swap3A_243 = vector.shape_cast %swap3A_242 : vector<1x16xf32> to vector<16xf32>
      %swap3A_244 = vector.shape_cast %add3A_239 : vector<16xf32> to vector<1x16xf32>
      tpu.vector_store %arg7[%swap3A_240, %swap3A_241], %swap3A_244 {strides = array<i32>} : memref<64x768xf32, #tpu.memory_space<vmem>>, vector<1x16xf32>,
      %get3A_245 = arith.index_cast %scan3A_21 : i32 to index
      %get3A_246 = arith.constant 256 : index
      %get3A_247 = tpu.vector_load %arg7[%get3A_245, %get3A_246] {strides = array<i32>} : memref<64x768xf32, #tpu.memory_space<vmem>>, vector<1x16xf32>,
      %get3A_248 = vector.shape_cast %get3A_247 : vector<1x16xf32> to vector<16xf32>
      %get3A_249 = arith.index_cast %scan3A_21 : i32 to index
      %get3A_250 = arith.constant 256 : index
      %get3A_251 = tpu.vector_load %arg8[%get3A_249, %get3A_250] {strides = array<i32>} : memref<64x768xf32, #tpu.memory_space<vmem>>, vector<1x16xf32>,
      %get3A_252 = vector.shape_cast %get3A_251 : vector<1x16xf32> to vector<16xf32>
      %add3A_253 = arith.addf %get3A_248, %get3A_252 : vector<16xf32>
      %swap3A_254 = arith.index_cast %scan3A_21 : i32 to index
      %swap3A_255 = arith.constant 256 : index
      %swap3A_256 = tpu.vector_load %arg7[%swap3A_254, %swap3A_255] {strides = array<i32>} : memref<64x768xf32, #tpu.memory_space<vmem>>, vector<1x16xf32>,
      %swap3A_257 = vector.shape_cast %swap3A_256 : vector<1x16xf32> to vector<16xf32>
      %swap3A_258 = vector.shape_cast %add3A_253 : vector<16xf32> to vector<1x16xf32>
      tpu.vector_store %arg7[%swap3A_254, %swap3A_255], %swap3A_258 {strides = array<i32>} : memref<64x768xf32, #tpu.memory_space<vmem>>, vector<1x16xf32>,
      %get3A_259 = arith.index_cast %scan3A_21 : i32 to index
      %get3A_260 = arith.constant 272 : index
      %get3A_261 = tpu.vector_load %arg7[%get3A_259, %get3A_260] {strides = array<i32>} : memref<64x768xf32, #tpu.memory_space<vmem>>, vector<1x16xf32>,
      %get3A_262 = vector.shape_cast %get3A_261 : vector<1x16xf32> to vector<16xf32>
      %get3A_263 = arith.index_cast %scan3A_21 : i32 to index
      %get3A_264 = arith.constant 272 : index
      %get3A_265 = tpu.vector_load %arg8[%get3A_263, %get3A_264] {strides = array<i32>} : memref<64x768xf32, #tpu.memory_space<vmem>>, vector<1x16xf32>,
      %get3A_266 = vector.shape_cast %get3A_265 : vector<1x16xf32> to vector<16xf32>
      %add3A_267 = arith.addf %get3A_262, %get3A_266 : vector<16xf32>
      %swap3A_268 = arith.index_cast %scan3A_21 : i32 to index
      %swap3A_269 = arith.constant 272 : index
      %swap3A_270 = tpu.vector_load %arg7[%swap3A_268, %swap3A_269] {strides = array<i32>} : memref<64x768xf32, #tpu.memory_space<vmem>>, vector<1x16xf32>,
      %swap3A_271 = vector.shape_cast %swap3A_270 : vector<1x16xf32> to vector<16xf32>
      %swap3A_272 = vector.shape_cast %add3A_267 : vector<16xf32> to vector<1x16xf32>
      tpu.vector_store %arg7[%swap3A_268, %swap3A_269], %swap3A_272 {strides = array<i32>} : memref<64x768xf32, #tpu.memory_space<vmem>>, vector<1x16xf32>,
      %get3A_273 = arith.index_cast %scan3A_21 : i32 to index
      %get3A_274 = arith.constant 288 : index
      %get3A_275 = tpu.vector_load %arg7[%get3A_273, %get3A_274] {strides = array<i32>} : memref<64x768xf32, #tpu.memory_space<vmem>>, vector<1x16xf32>,
      %get3A_276 = vector.shape_cast %get3A_275 : vector<1x16xf32> to vector<16xf32>
      %get3A_277 = arith.index_cast %scan3A_21 : i32 to index
      %get3A_278 = arith.constant 288 : index
      %get3A_279 = tpu.vector_load %arg8[%get3A_277, %get3A_278] {strides = array<i32>} : memref<64x768xf32, #tpu.memory_space<vmem>>, vector<1x16xf32>,
      %get3A_280 = vector.shape_cast %get3A_279 : vector<1x16xf32> to vector<16xf32>
      %add3A_281 = arith.addf %get3A_276, %get3A_280 : vector<16xf32>
      %swap3A_282 = arith.index_cast %scan3A_21 : i32 to index
      %swap3A_283 = arith.constant 288 : index
      %swap3A_284 = tpu.vector_load %arg7[%swap3A_282, %swap3A_283] {strides = array<i32>} : memref<64x768xf32, #tpu.memory_space<vmem>>, vector<1x16xf32>,
      %swap3A_285 = vector.shape_cast %swap3A_284 : vector<1x16xf32> to vector<16xf32>
      %swap3A_286 = vector.shape_cast %add3A_281 : vector<16xf32> to vector<1x16xf32>
      tpu.vector_store %arg7[%swap3A_282, %swap3A_283], %swap3A_286 {strides = array<i32>} : memref<64x768xf32, #tpu.memory_space<vmem>>, vector<1x16xf32>,
      %get3A_287 = arith.index_cast %scan3A_21 : i32 to index
      %get3A_288 = arith.constant 304 : index
      %get3A_289 = tpu.vector_load %arg7[%get3A_287, %get3A_288] {strides = array<i32>} : memref<64x768xf32, #tpu.memory_space<vmem>>, vector<1x16xf32>,
      %get3A_290 = vector.shape_cast %get3A_289 : vector<1x16xf32> to vector<16xf32>
      %get3A_291 = arith.index_cast %scan3A_21 : i32 to index
      %get3A_292 = arith.constant 304 : index
      %get3A_293 = tpu.vector_load %arg8[%get3A_291, %get3A_292] {strides = array<i32>} : memref<64x768xf32, #tpu.memory_space<vmem>>, vector<1x16xf32>,
      %get3A_294 = vector.shape_cast %get3A_293 : vector<1x16xf32> to vector<16xf32>
      %add3A_295 = arith.addf %get3A_290, %get3A_294 : vector<16xf32>
      %swap3A_296 = arith.index_cast %scan3A_21 : i32 to index
      %swap3A_297 = arith.constant 304 : index
      %swap3A_298 = tpu.vector_load %arg7[%swap3A_296, %swap3A_297] {strides = array<i32>} : memref<64x768xf32, #tpu.memory_space<vmem>>, vector<1x16xf32>,
      %swap3A_299 = vector.shape_cast %swap3A_298 : vector<1x16xf32> to vector<16xf32>
      %swap3A_300 = vector.shape_cast %add3A_295 : vector<16xf32> to vector<1x16xf32>
      tpu.vector_store %arg7[%swap3A_296, %swap3A_297], %swap3A_300 {strides = array<i32>} : memref<64x768xf32, #tpu.memory_space<vmem>>, vector<1x16xf32>,
      %get3A_301 = arith.index_cast %scan3A_21 : i32 to index
      %get3A_302 = arith.constant 320 : index
      %get3A_303 = tpu.vector_load %arg7[%get3A_301, %get3A_302] {strides = array<i32>} : memref<64x768xf32, #tpu.memory_space<vmem>>, vector<1x16xf32>,
      %get3A_304 = vector.shape_cast %get3A_303 : vector<1x16xf32> to vector<16xf32>
      %get3A_305 = arith.index_cast %scan3A_21 : i32 to index
      %get3A_306 = arith.constant 320 : index
      %get3A_307 = tpu.vector_load %arg8[%get3A_305, %get3A_306] {strides = array<i32>} : memref<64x768xf32, #tpu.memory_space<vmem>>, vector<1x16xf32>,
      %get3A_308 = vector.shape_cast %get3A_307 : vector<1x16xf32> to vector<16xf32>
      %add3A_309 = arith.addf %get3A_304, %get3A_308 : vector<16xf32>
      %swap3A_310 = arith.index_cast %scan3A_21 : i32 to index
      %swap3A_311 = arith.constant 320 : index
      %swap3A_312 = tpu.vector_load %arg7[%swap3A_310, %swap3A_311] {strides = array<i32>} : memref<64x768xf32, #tpu.memory_space<vmem>>, vector<1x16xf32>,
      %swap3A_313 = vector.shape_cast %swap3A_312 : vector<1x16xf32> to vector<16xf32>
      %swap3A_314 = vector.shape_cast %add3A_309 : vector<16xf32> to vector<1x16xf32>
      tpu.vector_store %arg7[%swap3A_310, %swap3A_311], %swap3A_314 {strides = array<i32>} : memref<64x768xf32, #tpu.memory_space<vmem>>, vector<1x16xf32>,
      %get3A_315 = arith.index_cast %scan3A_21 : i32 to index
      %get3A_316 = arith.constant 336 : index
      %get3A_317 = tpu.vector_load %arg7[%get3A_315, %get3A_316] {strides = array<i32>} : memref<64x768xf32, #tpu.memory_space<vmem>>, vector<1x16xf32>,
      %get3A_318 = vector.shape_cast %get3A_317 : vector<1x16xf32> to vector<16xf32>
      %get3A_319 = arith.index_cast %scan3A_21 : i32 to index
      %get3A_320 = arith.constant 336 : index
      %get3A_321 = tpu.vector_load %arg8[%get3A_319, %get3A_320] {strides = array<i32>} : memref<64x768xf32, #tpu.memory_space<vmem>>, vector<1x16xf32>,
      %get3A_322 = vector.shape_cast %get3A_321 : vector<1x16xf32> to vector<16xf32>
      %add3A_323 = arith.addf %get3A_318, %get3A_322 : vector<16xf32>
      %swap3A_324 = arith.index_cast %scan3A_21 : i32 to index
      %swap3A_325 = arith.constant 336 : index
      %swap3A_326 = tpu.vector_load %arg7[%swap3A_324, %swap3A_325] {strides = array<i32>} : memref<64x768xf32, #tpu.memory_space<vmem>>, vector<1x16xf32>,
      %swap3A_327 = vector.shape_cast %swap3A_326 : vector<1x16xf32> to vector<16xf32>
      %swap3A_328 = vector.shape_cast %add3A_323 : vector<16xf32> to vector<1x16xf32>
      tpu.vector_store %arg7[%swap3A_324, %swap3A_325], %swap3A_328 {strides = array<i32>} : memref<64x768xf32, #tpu.memory_space<vmem>>, vector<1x16xf32>,
      %get3A_329 = arith.index_cast %scan3A_21 : i32 to index
      %get3A_330 = arith.constant 352 : index
      %get3A_331 = tpu.vector_load %arg7[%get3A_329, %get3A_330] {strides = array<i32>} : memref<64x768xf32, #tpu.memory_space<vmem>>, vector<1x16xf32>,
      %get3A_332 = vector.shape_cast %get3A_331 : vector<1x16xf32> to vector<16xf32>
      %get3A_333 = arith.index_cast %scan3A_21 : i32 to index
      %get3A_334 = arith.constant 352 : index
      %get3A_335 = tpu.vector_load %arg8[%get3A_333, %get3A_334] {strides = array<i32>} : memref<64x768xf32, #tpu.memory_space<vmem>>, vector<1x16xf32>,
      %get3A_336 = vector.shape_cast %get3A_335 : vector<1x16xf32> to vector<16xf32>
      %add3A_337 = arith.addf %get3A_332, %get3A_336 : vector<16xf32>
      %swap3A_338 = arith.index_cast %scan3A_21 : i32 to index
      %swap3A_339 = arith.constant 352 : index
      %swap3A_340 = tpu.vector_load %arg7[%swap3A_338, %swap3A_339] {strides = array<i32>} : memref<64x768xf32, #tpu.memory_space<vmem>>, vector<1x16xf32>,
      %swap3A_341 = vector.shape_cast %swap3A_340 : vector<1x16xf32> to vector<16xf32>
      %swap3A_342 = vector.shape_cast %add3A_337 : vector<16xf32> to vector<1x16xf32>
      tpu.vector_store %arg7[%swap3A_338, %swap3A_339], %swap3A_342 {strides = array<i32>} : memref<64x768xf32, #tpu.memory_space<vmem>>, vector<1x16xf32>,
      %get3A_343 = arith.index_cast %scan3A_21 : i32 to index
      %get3A_344 = arith.constant 368 : index
      %get3A_345 = tpu.vector_load %arg7[%get3A_343, %get3A_344] {strides = array<i32>} : memref<64x768xf32, #tpu.memory_space<vmem>>, vector<1x16xf32>,
      %get3A_346 = vector.shape_cast %get3A_345 : vector<1x16xf32> to vector<16xf32>
      %get3A_347 = arith.index_cast %scan3A_21 : i32 to index
      %get3A_348 = arith.constant 368 : index
      %get3A_349 = tpu.vector_load %arg8[%get3A_347, %get3A_348] {strides = array<i32>} : memref<64x768xf32, #tpu.memory_space<vmem>>, vector<1x16xf32>,
      %get3A_350 = vector.shape_cast %get3A_349 : vector<1x16xf32> to vector<16xf32>
      %add3A_351 = arith.addf %get3A_346, %get3A_350 : vector<16xf32>
      %swap3A_352 = arith.index_cast %scan3A_21 : i32 to index
      %swap3A_353 = arith.constant 368 : index
      %swap3A_354 = tpu.vector_load %arg7[%swap3A_352, %swap3A_353] {strides = array<i32>} : memref<64x768xf32, #tpu.memory_space<vmem>>, vector<1x16xf32>,
      %swap3A_355 = vector.shape_cast %swap3A_354 : vector<1x16xf32> to vector<16xf32>
      %swap3A_356 = vector.shape_cast %add3A_351 : vector<16xf32> to vector<1x16xf32>
      tpu.vector_store %arg7[%swap3A_352, %swap3A_353], %swap3A_356 {strides = array<i32>} : memref<64x768xf32, #tpu.memory_space<vmem>>, vector<1x16xf32>,
      %get3A_357 = arith.index_cast %scan3A_21 : i32 to index
      %get3A_358 = arith.constant 384 : index
      %get3A_359 = tpu.vector_load %arg7[%get3A_357, %get3A_358] {strides = array<i32>} : memref<64x768xf32, #tpu.memory_space<vmem>>, vector<1x16xf32>,
      %get3A_360 = vector.shape_cast %get3A_359 : vector<1x16xf32> to vector<16xf32>
      %get3A_361 = arith.index_cast %scan3A_21 : i32 to index
      %get3A_362 = arith.constant 384 : index
      %get3A_363 = tpu.vector_load %arg8[%get3A_361, %get3A_362] {strides = array<i32>} : memref<64x768xf32, #tpu.memory_space<vmem>>, vector<1x16xf32>,
      %get3A_364 = vector.shape_cast %get3A_363 : vector<1x16xf32> to vector<16xf32>
      %add3A_365 = arith.addf %get3A_360, %get3A_364 : vector<16xf32>
      %swap3A_366 = arith.index_cast %scan3A_21 : i32 to index
      %swap3A_367 = arith.constant 384 : index
      %swap3A_368 = tpu.vector_load %arg7[%swap3A_366, %swap3A_367] {strides = array<i32>} : memref<64x768xf32, #tpu.memory_space<vmem>>, vector<1x16xf32>,
      %swap3A_369 = vector.shape_cast %swap3A_368 : vector<1x16xf32> to vector<16xf32>
      %swap3A_370 = vector.shape_cast %add3A_365 : vector<16xf32> to vector<1x16xf32>
      tpu.vector_store %arg7[%swap3A_366, %swap3A_367], %swap3A_370 {strides = array<i32>} : memref<64x768xf32, #tpu.memory_space<vmem>>, vector<1x16xf32>,
      %get3A_371 = arith.index_cast %scan3A_21 : i32 to index
      %get3A_372 = arith.constant 400 : index
      %get3A_373 = tpu.vector_load %arg7[%get3A_371, %get3A_372] {strides = array<i32>} : memref<64x768xf32, #tpu.memory_space<vmem>>, vector<1x16xf32>,
      %get3A_374 = vector.shape_cast %get3A_373 : vector<1x16xf32> to vector<16xf32>
      %get3A_375 = arith.index_cast %scan3A_21 : i32 to index
      %get3A_376 = arith.constant 400 : index
      %get3A_377 = tpu.vector_load %arg8[%get3A_375, %get3A_376] {strides = array<i32>} : memref<64x768xf32, #tpu.memory_space<vmem>>, vector<1x16xf32>,
      %get3A_378 = vector.shape_cast %get3A_377 : vector<1x16xf32> to vector<16xf32>
      %add3A_379 = arith.addf %get3A_374, %get3A_378 : vector<16xf32>
      %swap3A_380 = arith.index_cast %scan3A_21 : i32 to index
      %swap3A_381 = arith.constant 400 : index
      %swap3A_382 = tpu.vector_load %arg7[%swap3A_380, %swap3A_381] {strides = array<i32>} : memref<64x768xf32, #tpu.memory_space<vmem>>, vector<1x16xf32>,
      %swap3A_383 = vector.shape_cast %swap3A_382 : vector<1x16xf32> to vector<16xf32>
      %swap3A_384 = vector.shape_cast %add3A_379 : vector<16xf32> to vector<1x16xf32>
      tpu.vector_store %arg7[%swap3A_380, %swap3A_381], %swap3A_384 {strides = array<i32>} : memref<64x768xf32, #tpu.memory_space<vmem>>, vector<1x16xf32>,
      %get3A_385 = arith.index_cast %scan3A_21 : i32 to index
      %get3A_386 = arith.constant 416 : index
      %get3A_387 = tpu.vector_load %arg7[%get3A_385, %get3A_386] {strides = array<i32>} : memref<64x768xf32, #tpu.memory_space<vmem>>, vector<1x16xf32>,
      %get3A_388 = vector.shape_cast %get3A_387 : vector<1x16xf32> to vector<16xf32>
      %get3A_389 = arith.index_cast %scan3A_21 : i32 to index
      %get3A_390 = arith.constant 416 : index
      %get3A_391 = tpu.vector_load %arg8[%get3A_389, %get3A_390] {strides = array<i32>} : memref<64x768xf32, #tpu.memory_space<vmem>>, vector<1x16xf32>,
      %get3A_392 = vector.shape_cast %get3A_391 : vector<1x16xf32> to vector<16xf32>
      %add3A_393 = arith.addf %get3A_388, %get3A_392 : vector<16xf32>
      %swap3A_394 = arith.index_cast %scan3A_21 : i32 to index
      %swap3A_395 = arith.constant 416 : index
      %swap3A_396 = tpu.vector_load %arg7[%swap3A_394, %swap3A_395] {strides = array<i32>} : memref<64x768xf32, #tpu.memory_space<vmem>>, vector<1x16xf32>,
      %swap3A_397 = vector.shape_cast %swap3A_396 : vector<1x16xf32> to vector<16xf32>
      %swap3A_398 = vector.shape_cast %add3A_393 : vector<16xf32> to vector<1x16xf32>
      tpu.vector_store %arg7[%swap3A_394, %swap3A_395], %swap3A_398 {strides = array<i32>} : memref<64x768xf32, #tpu.memory_space<vmem>>, vector<1x16xf32>,
      %get3A_399 = arith.index_cast %scan3A_21 : i32 to index
      %get3A_400 = arith.constant 432 : index
      %get3A_401 = tpu.vector_load %arg7[%get3A_399, %get3A_400] {strides = array<i32>} : memref<64x768xf32, #tpu.memory_space<vmem>>, vector<1x16xf32>,
      %get3A_402 = vector.shape_cast %get3A_401 : vector<1x16xf32> to vector<16xf32>
      %get3A_403 = arith.index_cast %scan3A_21 : i32 to index
      %get3A_404 = arith.constant 432 : index
      %get3A_405 = tpu.vector_load %arg8[%get3A_403, %get3A_404] {strides = array<i32>} : memref<64x768xf32, #tpu.memory_space<vmem>>, vector<1x16xf32>,
      %get3A_406 = vector.shape_cast %get3A_405 : vector<1x16xf32> to vector<16xf32>
      %add3A_407 = arith.addf %get3A_402, %get3A_406 : vector<16xf32>
      %swap3A_408 = arith.index_cast %scan3A_21 : i32 to index
      %swap3A_409 = arith.constant 432 : index
      %swap3A_410 = tpu.vector_load %arg7[%swap3A_408, %swap3A_409] {strides = array<i32>} : memref<64x768xf32, #tpu.memory_space<vmem>>, vector<1x16xf32>,
      %swap3A_411 = vector.shape_cast %swap3A_410 : vector<1x16xf32> to vector<16xf32>
      %swap3A_412 = vector.shape_cast %add3A_407 : vector<16xf32> to vector<1x16xf32>
      tpu.vector_store %arg7[%swap3A_408, %swap3A_409], %swap3A_412 {strides = array<i32>} : memref<64x768xf32, #tpu.memory_space<vmem>>, vector<1x16xf32>,
      %get3A_413 = arith.index_cast %scan3A_21 : i32 to index
      %get3A_414 = arith.constant 448 : index
      %get3A_415 = tpu.vector_load %arg7[%get3A_413, %get3A_414] {strides = array<i32>} : memref<64x768xf32, #tpu.memory_space<vmem>>, vector<1x16xf32>,
      %get3A_416 = vector.shape_cast %get3A_415 : vector<1x16xf32> to vector<16xf32>
      %get3A_417 = arith.index_cast %scan3A_21 : i32 to index
      %get3A_418 = arith.constant 448 : index
      %get3A_419 = tpu.vector_load %arg8[%get3A_417, %get3A_418] {strides = array<i32>} : memref<64x768xf32, #tpu.memory_space<vmem>>, vector<1x16xf32>,
      %get3A_420 = vector.shape_cast %get3A_419 : vector<1x16xf32> to vector<16xf32>
      %add3A_421 = arith.addf %get3A_416, %get3A_420 : vector<16xf32>
      %swap3A_422 = arith.index_cast %scan3A_21 : i32 to index
      %swap3A_423 = arith.constant 448 : index
      %swap3A_424 = tpu.vector_load %arg7[%swap3A_422, %swap3A_423] {strides = array<i32>} : memref<64x768xf32, #tpu.memory_space<vmem>>, vector<1x16xf32>,
      %swap3A_425 = vector.shape_cast %swap3A_424 : vector<1x16xf32> to vector<16xf32>
      %swap3A_426 = vector.shape_cast %add3A_421 : vector<16xf32> to vector<1x16xf32>
      tpu.vector_store %arg7[%swap3A_422, %swap3A_423], %swap3A_426 {strides = array<i32>} : memref<64x768xf32, #tpu.memory_space<vmem>>, vector<1x16xf32>,
      %get3A_427 = arith.index_cast %scan3A_21 : i32 to index
      %get3A_428 = arith.constant 464 : index
      %get3A_429 = tpu.vector_load %arg7[%get3A_427, %get3A_428] {strides = array<i32>} : memref<64x768xf32, #tpu.memory_space<vmem>>, vector<1x16xf32>,
      %get3A_430 = vector.shape_cast %get3A_429 : vector<1x16xf32> to vector<16xf32>
      %get3A_431 = arith.index_cast %scan3A_21 : i32 to index
      %get3A_432 = arith.constant 464 : index
      %get3A_433 = tpu.vector_load %arg8[%get3A_431, %get3A_432] {strides = array<i32>} : memref<64x768xf32, #tpu.memory_space<vmem>>, vector<1x16xf32>,
      %get3A_434 = vector.shape_cast %get3A_433 : vector<1x16xf32> to vector<16xf32>
      %add3A_435 = arith.addf %get3A_430, %get3A_434 : vector<16xf32>
      %swap3A_436 = arith.index_cast %scan3A_21 : i32 to index
      %swap3A_437 = arith.constant 464 : index
      %swap3A_438 = tpu.vector_load %arg7[%swap3A_436, %swap3A_437] {strides = array<i32>} : memref<64x768xf32, #tpu.memory_space<vmem>>, vector<1x16xf32>,
      %swap3A_439 = vector.shape_cast %swap3A_438 : vector<1x16xf32> to vector<16xf32>
      %swap3A_440 = vector.shape_cast %add3A_435 : vector<16xf32> to vector<1x16xf32>
      tpu.vector_store %arg7[%swap3A_436, %swap3A_437], %swap3A_440 {strides = array<i32>} : memref<64x768xf32, #tpu.memory_space<vmem>>, vector<1x16xf32>,
      %get3A_441 = arith.index_cast %scan3A_21 : i32 to index
      %get3A_442 = arith.constant 480 : index
      %get3A_443 = tpu.vector_load %arg7[%get3A_441, %get3A_442] {strides = array<i32>} : memref<64x768xf32, #tpu.memory_space<vmem>>, vector<1x16xf32>,
      %get3A_444 = vector.shape_cast %get3A_443 : vector<1x16xf32> to vector<16xf32>
      %get3A_445 = arith.index_cast %scan3A_21 : i32 to index
      %get3A_446 = arith.constant 480 : index
      %get3A_447 = tpu.vector_load %arg8[%get3A_445, %get3A_446] {strides = array<i32>} : memref<64x768xf32, #tpu.memory_space<vmem>>, vector<1x16xf32>,
      %get3A_448 = vector.shape_cast %get3A_447 : vector<1x16xf32> to vector<16xf32>
      %add3A_449 = arith.addf %get3A_444, %get3A_448 : vector<16xf32>
      %swap3A_450 = arith.index_cast %scan3A_21 : i32 to index
      %swap3A_451 = arith.constant 480 : index
      %swap3A_452 = tpu.vector_load %arg7[%swap3A_450, %swap3A_451] {strides = array<i32>} : memref<64x768xf32, #tpu.memory_space<vmem>>, vector<1x16xf32>,
      %swap3A_453 = vector.shape_cast %swap3A_452 : vector<1x16xf32> to vector<16xf32>
      %swap3A_454 = vector.shape_cast %add3A_449 : vector<16xf32> to vector<1x16xf32>
      tpu.vector_store %arg7[%swap3A_450, %swap3A_451], %swap3A_454 {strides = array<i32>} : memref<64x768xf32, #tpu.memory_space<vmem>>, vector<1x16xf32>,
      %get3A_455 = arith.index_cast %scan3A_21 : i32 to index
      %get3A_456 = arith.constant 496 : index
      %get3A_457 = tpu.vector_load %arg7[%get3A_455, %get3A_456] {strides = array<i32>} : memref<64x768xf32, #tpu.memory_space<vmem>>, vector<1x16xf32>,
      %get3A_458 = vector.shape_cast %get3A_457 : vector<1x16xf32> to vector<16xf32>
      %get3A_459 = arith.index_cast %scan3A_21 : i32 to index
      %get3A_460 = arith.constant 496 : index
      %get3A_461 = tpu.vector_load %arg8[%get3A_459, %get3A_460] {strides = array<i32>} : memref<64x768xf32, #tpu.memory_space<vmem>>, vector<1x16xf32>,
      %get3A_462 = vector.shape_cast %get3A_461 : vector<1x16xf32> to vector<16xf32>
      %add3A_463 = arith.addf %get3A_458, %get3A_462 : vector<16xf32>
      %swap3A_464 = arith.index_cast %scan3A_21 : i32 to index
      %swap3A_465 = arith.constant 496 : index
      %swap3A_466 = tpu.vector_load %arg7[%swap3A_464, %swap3A_465] {strides = array<i32>} : memref<64x768xf32, #tpu.memory_space<vmem>>, vector<1x16xf32>,
      %swap3A_467 = vector.shape_cast %swap3A_466 : vector<1x16xf32> to vector<16xf32>
      %swap3A_468 = vector.shape_cast %add3A_463 : vector<16xf32> to vector<1x16xf32>
      tpu.vector_store %arg7[%swap3A_464, %swap3A_465], %swap3A_468 {strides = array<i32>} : memref<64x768xf32, #tpu.memory_space<vmem>>, vector<1x16xf32>,
      %get3A_469 = arith.index_cast %scan3A_21 : i32 to index
      %get3A_470 = arith.constant 512 : index
      %get3A_471 = tpu.vector_load %arg7[%get3A_469, %get3A_470] {strides = array<i32>} : memref<64x768xf32, #tpu.memory_space<vmem>>, vector<1x16xf32>,
      %get3A_472 = vector.shape_cast %get3A_471 : vector<1x16xf32> to vector<16xf32>
      %get3A_473 = arith.index_cast %scan3A_21 : i32 to index
      %get3A_474 = arith.constant 512 : index
      %get3A_475 = tpu.vector_load %arg8[%get3A_473, %get3A_474] {strides = array<i32>} : memref<64x768xf32, #tpu.memory_space<vmem>>, vector<1x16xf32>,
      %get3A_476 = vector.shape_cast %get3A_475 : vector<1x16xf32> to vector<16xf32>
      %add3A_477 = arith.addf %get3A_472, %get3A_476 : vector<16xf32>
      %swap3A_478 = arith.index_cast %scan3A_21 : i32 to index
      %swap3A_479 = arith.constant 512 : index
      %swap3A_480 = tpu.vector_load %arg7[%swap3A_478, %swap3A_479] {strides = array<i32>} : memref<64x768xf32, #tpu.memory_space<vmem>>, vector<1x16xf32>,
      %swap3A_481 = vector.shape_cast %swap3A_480 : vector<1x16xf32> to vector<16xf32>
      %swap3A_482 = vector.shape_cast %add3A_477 : vector<16xf32> to vector<1x16xf32>
      tpu.vector_store %arg7[%swap3A_478, %swap3A_479], %swap3A_482 {strides = array<i32>} : memref<64x768xf32, #tpu.memory_space<vmem>>, vector<1x16xf32>,
      %get3A_483 = arith.index_cast %scan3A_21 : i32 to index
      %get3A_484 = arith.constant 528 : index
      %get3A_485 = tpu.vector_load %arg7[%get3A_483, %get3A_484] {strides = array<i32>} : memref<64x768xf32, #tpu.memory_space<vmem>>, vector<1x16xf32>,
      %get3A_486 = vector.shape_cast %get3A_485 : vector<1x16xf32> to vector<16xf32>
      %get3A_487 = arith.index_cast %scan3A_21 : i32 to index
      %get3A_488 = arith.constant 528 : index
      %get3A_489 = tpu.vector_load %arg8[%get3A_487, %get3A_488] {strides = array<i32>} : memref<64x768xf32, #tpu.memory_space<vmem>>, vector<1x16xf32>,
      %get3A_490 = vector.shape_cast %get3A_489 : vector<1x16xf32> to vector<16xf32>
      %add3A_491 = arith.addf %get3A_486, %get3A_490 : vector<16xf32>
      %swap3A_492 = arith.index_cast %scan3A_21 : i32 to index
      %swap3A_493 = arith.constant 528 : index
      %swap3A_494 = tpu.vector_load %arg7[%swap3A_492, %swap3A_493] {strides = array<i32>} : memref<64x768xf32, #tpu.memory_space<vmem>>, vector<1x16xf32>,
      %swap3A_495 = vector.shape_cast %swap3A_494 : vector<1x16xf32> to vector<16xf32>
      %swap3A_496 = vector.shape_cast %add3A_491 : vector<16xf32> to vector<1x16xf32>
      tpu.vector_store %arg7[%swap3A_492, %swap3A_493], %swap3A_496 {strides = array<i32>} : memref<64x768xf32, #tpu.memory_space<vmem>>, vector<1x16xf32>,
      %get3A_497 = arith.index_cast %scan3A_21 : i32 to index
      %get3A_498 = arith.constant 544 : index
      %get3A_499 = tpu.vector_load %arg7[%get3A_497, %get3A_498] {strides = array<i32>} : memref<64x768xf32, #tpu.memory_space<vmem>>, vector<1x16xf32>,
      %get3A_500 = vector.shape_cast %get3A_499 : vector<1x16xf32> to vector<16xf32>
      %get3A_501 = arith.index_cast %scan3A_21 : i32 to index
      %get3A_502 = arith.constant 544 : index
      %get3A_503 = tpu.vector_load %arg8[%get3A_501, %get3A_502] {strides = array<i32>} : memref<64x768xf32, #tpu.memory_space<vmem>>, vector<1x16xf32>,
      %get3A_504 = vector.shape_cast %get3A_503 : vector<1x16xf32> to vector<16xf32>
      %add3A_505 = arith.addf %get3A_500, %get3A_504 : vector<16xf32>
      %swap3A_506 = arith.index_cast %scan3A_21 : i32 to index
      %swap3A_507 = arith.constant 544 : index
      %swap3A_508 = tpu.vector_load %arg7[%swap3A_506, %swap3A_507] {strides = array<i32>} : memref<64x768xf32, #tpu.memory_space<vmem>>, vector<1x16xf32>,
      %swap3A_509 = vector.shape_cast %swap3A_508 : vector<1x16xf32> to vector<16xf32>
      %swap3A_510 = vector.shape_cast %add3A_505 : vector<16xf32> to vector<1x16xf32>
      tpu.vector_store %arg7[%swap3A_506, %swap3A_507], %swap3A_510 {strides = array<i32>} : memref<64x768xf32, #tpu.memory_space<vmem>>, vector<1x16xf32>,
      %get3A_511 = arith.index_cast %scan3A_21 : i32 to index
      %get3A_512 = arith.constant 560 : index
      %get3A_513 = tpu.vector_load %arg7[%get3A_511, %get3A_512] {strides = array<i32>} : memref<64x768xf32, #tpu.memory_space<vmem>>, vector<1x16xf32>,
      %get3A_514 = vector.shape_cast %get3A_513 : vector<1x16xf32> to vector<16xf32>
      %get3A_515 = arith.index_cast %scan3A_21 : i32 to index
      %get3A_516 = arith.constant 560 : index
      %get3A_517 = tpu.vector_load %arg8[%get3A_515, %get3A_516] {strides = array<i32>} : memref<64x768xf32, #tpu.memory_space<vmem>>, vector<1x16xf32>,
      %get3A_518 = vector.shape_cast %get3A_517 : vector<1x16xf32> to vector<16xf32>
      %add3A_519 = arith.addf %get3A_514, %get3A_518 : vector<16xf32>
      %swap3A_520 = arith.index_cast %scan3A_21 : i32 to index
      %swap3A_521 = arith.constant 560 : index
      %swap3A_522 = tpu.vector_load %arg7[%swap3A_520, %swap3A_521] {strides = array<i32>} : memref<64x768xf32, #tpu.memory_space<vmem>>, vector<1x16xf32>,
      %swap3A_523 = vector.shape_cast %swap3A_522 : vector<1x16xf32> to vector<16xf32>
      %swap3A_524 = vector.shape_cast %add3A_519 : vector<16xf32> to vector<1x16xf32>
      tpu.vector_store %arg7[%swap3A_520, %swap3A_521], %swap3A_524 {strides = array<i32>} : memref<64x768xf32, #tpu.memory_space<vmem>>, vector<1x16xf32>,
      %get3A_525 = arith.index_cast %scan3A_21 : i32 to index
      %get3A_526 = arith.constant 576 : index
      %get3A_527 = tpu.vector_load %arg7[%get3A_525, %get3A_526] {strides = array<i32>} : memref<64x768xf32, #tpu.memory_space<vmem>>, vector<1x16xf32>,
      %get3A_528 = vector.shape_cast %get3A_527 : vector<1x16xf32> to vector<16xf32>
      %get3A_529 = arith.index_cast %scan3A_21 : i32 to index
      %get3A_530 = arith.constant 576 : index
      %get3A_531 = tpu.vector_load %arg8[%get3A_529, %get3A_530] {strides = array<i32>} : memref<64x768xf32, #tpu.memory_space<vmem>>, vector<1x16xf32>,
      %get3A_532 = vector.shape_cast %get3A_531 : vector<1x16xf32> to vector<16xf32>
      %add3A_533 = arith.addf %get3A_528, %get3A_532 : vector<16xf32>
      %swap3A_534 = arith.index_cast %scan3A_21 : i32 to index
      %swap3A_535 = arith.constant 576 : index
      %swap3A_536 = tpu.vector_load %arg7[%swap3A_534, %swap3A_535] {strides = array<i32>} : memref<64x768xf32, #tpu.memory_space<vmem>>, vector<1x16xf32>,
      %swap3A_537 = vector.shape_cast %swap3A_536 : vector<1x16xf32> to vector<16xf32>
      %swap3A_538 = vector.shape_cast %add3A_533 : vector<16xf32> to vector<1x16xf32>
      tpu.vector_store %arg7[%swap3A_534, %swap3A_535], %swap3A_538 {strides = array<i32>} : memref<64x768xf32, #tpu.memory_space<vmem>>, vector<1x16xf32>,
      %get3A_539 = arith.index_cast %scan3A_21 : i32 to index
      %get3A_540 = arith.constant 592 : index
      %get3A_541 = tpu.vector_load %arg7[%get3A_539, %get3A_540] {strides = array<i32>} : memref<64x768xf32, #tpu.memory_space<vmem>>, vector<1x16xf32>,
      %get3A_542 = vector.shape_cast %get3A_541 : vector<1x16xf32> to vector<16xf32>
      %get3A_543 = arith.index_cast %scan3A_21 : i32 to index
      %get3A_544 = arith.constant 592 : index
      %get3A_545 = tpu.vector_load %arg8[%get3A_543, %get3A_544] {strides = array<i32>} : memref<64x768xf32, #tpu.memory_space<vmem>>, vector<1x16xf32>,
      %get3A_546 = vector.shape_cast %get3A_545 : vector<1x16xf32> to vector<16xf32>
      %add3A_547 = arith.addf %get3A_542, %get3A_546 : vector<16xf32>
      %swap3A_548 = arith.index_cast %scan3A_21 : i32 to index
      %swap3A_549 = arith.constant 592 : index
      %swap3A_550 = tpu.vector_load %arg7[%swap3A_548, %swap3A_549] {strides = array<i32>} : memref<64x768xf32, #tpu.memory_space<vmem>>, vector<1x16xf32>,
      %swap3A_551 = vector.shape_cast %swap3A_550 : vector<1x16xf32> to vector<16xf32>
      %swap3A_552 = vector.shape_cast %add3A_547 : vector<16xf32> to vector<1x16xf32>
      tpu.vector_store %arg7[%swap3A_548, %swap3A_549], %swap3A_552 {strides = array<i32>} : memref<64x768xf32, #tpu.memory_space<vmem>>, vector<1x16xf32>,
      %get3A_553 = arith.index_cast %scan3A_21 : i32 to index
      %get3A_554 = arith.constant 608 : index
      %get3A_555 = tpu.vector_load %arg7[%get3A_553, %get3A_554] {strides = array<i32>} : memref<64x768xf32, #tpu.memory_space<vmem>>, vector<1x16xf32>,
      %get3A_556 = vector.shape_cast %get3A_555 : vector<1x16xf32> to vector<16xf32>
      %get3A_557 = arith.index_cast %scan3A_21 : i32 to index
      %get3A_558 = arith.constant 608 : index
      %get3A_559 = tpu.vector_load %arg8[%get3A_557, %get3A_558] {strides = array<i32>} : memref<64x768xf32, #tpu.memory_space<vmem>>, vector<1x16xf32>,
      %get3A_560 = vector.shape_cast %get3A_559 : vector<1x16xf32> to vector<16xf32>
      %add3A_561 = arith.addf %get3A_556, %get3A_560 : vector<16xf32>
      %swap3A_562 = arith.index_cast %scan3A_21 : i32 to index
      %swap3A_563 = arith.constant 608 : index
      %swap3A_564 = tpu.vector_load %arg7[%swap3A_562, %swap3A_563] {strides = array<i32>} : memref<64x768xf32, #tpu.memory_space<vmem>>, vector<1x16xf32>,
      %swap3A_565 = vector.shape_cast %swap3A_564 : vector<1x16xf32> to vector<16xf32>
      %swap3A_566 = vector.shape_cast %add3A_561 : vector<16xf32> to vector<1x16xf32>
      tpu.vector_store %arg7[%swap3A_562, %swap3A_563], %swap3A_566 {strides = array<i32>} : memref<64x768xf32, #tpu.memory_space<vmem>>, vector<1x16xf32>,
      %get3A_567 = arith.index_cast %scan3A_21 : i32 to index
      %get3A_568 = arith.constant 624 : index
      %get3A_569 = tpu.vector_load %arg7[%get3A_567, %get3A_568] {strides = array<i32>} : memref<64x768xf32, #tpu.memory_space<vmem>>, vector<1x16xf32>,
      %get3A_570 = vector.shape_cast %get3A_569 : vector<1x16xf32> to vector<16xf32>
      %get3A_571 = arith.index_cast %scan3A_21 : i32 to index
      %get3A_572 = arith.constant 624 : index
      %get3A_573 = tpu.vector_load %arg8[%get3A_571, %get3A_572] {strides = array<i32>} : memref<64x768xf32, #tpu.memory_space<vmem>>, vector<1x16xf32>,
      %get3A_574 = vector.shape_cast %get3A_573 : vector<1x16xf32> to vector<16xf32>
      %add3A_575 = arith.addf %get3A_570, %get3A_574 : vector<16xf32>
      %swap3A_576 = arith.index_cast %scan3A_21 : i32 to index
      %swap3A_577 = arith.constant 624 : index
      %swap3A_578 = tpu.vector_load %arg7[%swap3A_576, %swap3A_577] {strides = array<i32>} : memref<64x768xf32, #tpu.memory_space<vmem>>, vector<1x16xf32>,
      %swap3A_579 = vector.shape_cast %swap3A_578 : vector<1x16xf32> to vector<16xf32>
      %swap3A_580 = vector.shape_cast %add3A_575 : vector<16xf32> to vector<1x16xf32>
      tpu.vector_store %arg7[%swap3A_576, %swap3A_577], %swap3A_580 {strides = array<i32>} : memref<64x768xf32, #tpu.memory_space<vmem>>, vector<1x16xf32>,
      %get3A_581 = arith.index_cast %scan3A_21 : i32 to index
      %get3A_582 = arith.constant 640 : index
      %get3A_583 = tpu.vector_load %arg7[%get3A_581, %get3A_582] {strides = array<i32>} : memref<64x768xf32, #tpu.memory_space<vmem>>, vector<1x16xf32>,
      %get3A_584 = vector.shape_cast %get3A_583 : vector<1x16xf32> to vector<16xf32>
      %get3A_585 = arith.index_cast %scan3A_21 : i32 to index
      %get3A_586 = arith.constant 640 : index
      %get3A_587 = tpu.vector_load %arg8[%get3A_585, %get3A_586] {strides = array<i32>} : memref<64x768xf32, #tpu.memory_space<vmem>>, vector<1x16xf32>,
      %get3A_588 = vector.shape_cast %get3A_587 : vector<1x16xf32> to vector<16xf32>
      %add3A_589 = arith.addf %get3A_584, %get3A_588 : vector<16xf32>
      %swap3A_590 = arith.index_cast %scan3A_21 : i32 to index
      %swap3A_591 = arith.constant 640 : index
      %swap3A_592 = tpu.vector_load %arg7[%swap3A_590, %swap3A_591] {strides = array<i32>} : memref<64x768xf32, #tpu.memory_space<vmem>>, vector<1x16xf32>,
      %swap3A_593 = vector.shape_cast %swap3A_592 : vector<1x16xf32> to vector<16xf32>
      %swap3A_594 = vector.shape_cast %add3A_589 : vector<16xf32> to vector<1x16xf32>
      tpu.vector_store %arg7[%swap3A_590, %swap3A_591], %swap3A_594 {strides = array<i32>} : memref<64x768xf32, #tpu.memory_space<vmem>>, vector<1x16xf32>,
      %get3A_595 = arith.index_cast %scan3A_21 : i32 to index
      %get3A_596 = arith.constant 656 : index
      %get3A_597 = tpu.vector_load %arg7[%get3A_595, %get3A_596] {strides = array<i32>} : memref<64x768xf32, #tpu.memory_space<vmem>>, vector<1x16xf32>,
      %get3A_598 = vector.shape_cast %get3A_597 : vector<1x16xf32> to vector<16xf32>
      %get3A_599 = arith.index_cast %scan3A_21 : i32 to index
      %get3A_600 = arith.constant 656 : index
      %get3A_601 = tpu.vector_load %arg8[%get3A_599, %get3A_600] {strides = array<i32>} : memref<64x768xf32, #tpu.memory_space<vmem>>, vector<1x16xf32>,
      %get3A_602 = vector.shape_cast %get3A_601 : vector<1x16xf32> to vector<16xf32>
      %add3A_603 = arith.addf %get3A_598, %get3A_602 : vector<16xf32>
      %swap3A_604 = arith.index_cast %scan3A_21 : i32 to index
      %swap3A_605 = arith.constant 656 : index
      %swap3A_606 = tpu.vector_load %arg7[%swap3A_604, %swap3A_605] {strides = array<i32>} : memref<64x768xf32, #tpu.memory_space<vmem>>, vector<1x16xf32>,
      %swap3A_607 = vector.shape_cast %swap3A_606 : vector<1x16xf32> to vector<16xf32>
      %swap3A_608 = vector.shape_cast %add3A_603 : vector<16xf32> to vector<1x16xf32>
      tpu.vector_store %arg7[%swap3A_604, %swap3A_605], %swap3A_608 {strides = array<i32>} : memref<64x768xf32, #tpu.memory_space<vmem>>, vector<1x16xf32>,
      %get3A_609 = arith.index_cast %scan3A_21 : i32 to index
      %get3A_610 = arith.constant 672 : index
      %get3A_611 = tpu.vector_load %arg7[%get3A_609, %get3A_610] {strides = array<i32>} : memref<64x768xf32, #tpu.memory_space<vmem>>, vector<1x16xf32>,
      %get3A_612 = vector.shape_cast %get3A_611 : vector<1x16xf32> to vector<16xf32>
      %get3A_613 = arith.index_cast %scan3A_21 : i32 to index
      %get3A_614 = arith.constant 672 : index
      %get3A_615 = tpu.vector_load %arg8[%get3A_613, %get3A_614] {strides = array<i32>} : memref<64x768xf32, #tpu.memory_space<vmem>>, vector<1x16xf32>,
      %get3A_616 = vector.shape_cast %get3A_615 : vector<1x16xf32> to vector<16xf32>
      %add3A_617 = arith.addf %get3A_612, %get3A_616 : vector<16xf32>
      %swap3A_618 = arith.index_cast %scan3A_21 : i32 to index
      %swap3A_619 = arith.constant 672 : index
      %swap3A_620 = tpu.vector_load %arg7[%swap3A_618, %swap3A_619] {strides = array<i32>} : memref<64x768xf32, #tpu.memory_space<vmem>>, vector<1x16xf32>,
      %swap3A_621 = vector.shape_cast %swap3A_620 : vector<1x16xf32> to vector<16xf32>
      %swap3A_622 = vector.shape_cast %add3A_617 : vector<16xf32> to vector<1x16xf32>
      tpu.vector_store %arg7[%swap3A_618, %swap3A_619], %swap3A_622 {strides = array<i32>} : memref<64x768xf32, #tpu.memory_space<vmem>>, vector<1x16xf32>,
      %get3A_623 = arith.index_cast %scan3A_21 : i32 to index
      %get3A_624 = arith.constant 688 : index
      %get3A_625 = tpu.vector_load %arg7[%get3A_623, %get3A_624] {strides = array<i32>} : memref<64x768xf32, #tpu.memory_space<vmem>>, vector<1x16xf32>,
      %get3A_626 = vector.shape_cast %get3A_625 : vector<1x16xf32> to vector<16xf32>
      %get3A_627 = arith.index_cast %scan3A_21 : i32 to index
      %get3A_628 = arith.constant 688 : index
      %get3A_629 = tpu.vector_load %arg8[%get3A_627, %get3A_628] {strides = array<i32>} : memref<64x768xf32, #tpu.memory_space<vmem>>, vector<1x16xf32>,
      %get3A_630 = vector.shape_cast %get3A_629 : vector<1x16xf32> to vector<16xf32>
      %add3A_631 = arith.addf %get3A_626, %get3A_630 : vector<16xf32>
      %swap3A_632 = arith.index_cast %scan3A_21 : i32 to index
      %swap3A_633 = arith.constant 688 : index
      %swap3A_634 = tpu.vector_load %arg7[%swap3A_632, %swap3A_633] {strides = array<i32>} : memref<64x768xf32, #tpu.memory_space<vmem>>, vector<1x16xf32>,
      %swap3A_635 = vector.shape_cast %swap3A_634 : vector<1x16xf32> to vector<16xf32>
      %swap3A_636 = vector.shape_cast %add3A_631 : vector<16xf32> to vector<1x16xf32>
      tpu.vector_store %arg7[%swap3A_632, %swap3A_633], %swap3A_636 {strides = array<i32>} : memref<64x768xf32, #tpu.memory_space<vmem>>, vector<1x16xf32>,
      %get3A_637 = arith.index_cast %scan3A_21 : i32 to index
      %get3A_638 = arith.constant 704 : index
      %get3A_639 = tpu.vector_load %arg7[%get3A_637, %get3A_638] {strides = array<i32>} : memref<64x768xf32, #tpu.memory_space<vmem>>, vector<1x16xf32>,
      %get3A_640 = vector.shape_cast %get3A_639 : vector<1x16xf32> to vector<16xf32>
      %get3A_641 = arith.index_cast %scan3A_21 : i32 to index
      %get3A_642 = arith.constant 704 : index
      %get3A_643 = tpu.vector_load %arg8[%get3A_641, %get3A_642] {strides = array<i32>} : memref<64x768xf32, #tpu.memory_space<vmem>>, vector<1x16xf32>,
      %get3A_644 = vector.shape_cast %get3A_643 : vector<1x16xf32> to vector<16xf32>
      %add3A_645 = arith.addf %get3A_640, %get3A_644 : vector<16xf32>
      %swap3A_646 = arith.index_cast %scan3A_21 : i32 to index
      %swap3A_647 = arith.constant 704 : index
      %swap3A_648 = tpu.vector_load %arg7[%swap3A_646, %swap3A_647] {strides = array<i32>} : memref<64x768xf32, #tpu.memory_space<vmem>>, vector<1x16xf32>,
      %swap3A_649 = vector.shape_cast %swap3A_648 : vector<1x16xf32> to vector<16xf32>
      %swap3A_650 = vector.shape_cast %add3A_645 : vector<16xf32> to vector<1x16xf32>
      tpu.vector_store %arg7[%swap3A_646, %swap3A_647], %swap3A_650 {strides = array<i32>} : memref<64x768xf32, #tpu.memory_space<vmem>>, vector<1x16xf32>,
      %get3A_651 = arith.index_cast %scan3A_21 : i32 to index
      %get3A_652 = arith.constant 720 : index
      %get3A_653 = tpu.vector_load %arg7[%get3A_651, %get3A_652] {strides = array<i32>} : memref<64x768xf32, #tpu.memory_space<vmem>>, vector<1x16xf32>,
      %get3A_654 = vector.shape_cast %get3A_653 : vector<1x16xf32> to vector<16xf32>
      %get3A_655 = arith.index_cast %scan3A_21 : i32 to index
      %get3A_656 = arith.constant 720 : index
      %get3A_657 = tpu.vector_load %arg8[%get3A_655, %get3A_656] {strides = array<i32>} : memref<64x768xf32, #tpu.memory_space<vmem>>, vector<1x16xf32>,
      %get3A_658 = vector.shape_cast %get3A_657 : vector<1x16xf32> to vector<16xf32>
      %add3A_659 = arith.addf %get3A_654, %get3A_658 : vector<16xf32>
      %swap3A_660 = arith.index_cast %scan3A_21 : i32 to index
      %swap3A_661 = arith.constant 720 : index
      %swap3A_662 = tpu.vector_load %arg7[%swap3A_660, %swap3A_661] {strides = array<i32>} : memref<64x768xf32, #tpu.memory_space<vmem>>, vector<1x16xf32>,
      %swap3A_663 = vector.shape_cast %swap3A_662 : vector<1x16xf32> to vector<16xf32>
      %swap3A_664 = vector.shape_cast %add3A_659 : vector<16xf32> to vector<1x16xf32>
      tpu.vector_store %arg7[%swap3A_660, %swap3A_661], %swap3A_664 {strides = array<i32>} : memref<64x768xf32, #tpu.memory_space<vmem>>, vector<1x16xf32>,
      %get3A_665 = arith.index_cast %scan3A_21 : i32 to index
      %get3A_666 = arith.constant 736 : index
      %get3A_667 = tpu.vector_load %arg7[%get3A_665, %get3A_666] {strides = array<i32>} : memref<64x768xf32, #tpu.memory_space<vmem>>, vector<1x16xf32>,
      %get3A_668 = vector.shape_cast %get3A_667 : vector<1x16xf32> to vector<16xf32>
      %get3A_669 = arith.index_cast %scan3A_21 : i32 to index
      %get3A_670 = arith.constant 736 : index
      %get3A_671 = tpu.vector_load %arg8[%get3A_669, %get3A_670] {strides = array<i32>} : memref<64x768xf32, #tpu.memory_space<vmem>>, vector<1x16xf32>,
      %get3A_672 = vector.shape_cast %get3A_671 : vector<1x16xf32> to vector<16xf32>
      %add3A_673 = arith.addf %get3A_668, %get3A_672 : vector<16xf32>
      %swap3A_674 = arith.index_cast %scan3A_21 : i32 to index
      %swap3A_675 = arith.constant 736 : index
      %swap3A_676 = tpu.vector_load %arg7[%swap3A_674, %swap3A_675] {strides = array<i32>} : memref<64x768xf32, #tpu.memory_space<vmem>>, vector<1x16xf32>,
      %swap3A_677 = vector.shape_cast %swap3A_676 : vector<1x16xf32> to vector<16xf32>
      %swap3A_678 = vector.shape_cast %add3A_673 : vector<16xf32> to vector<1x16xf32>
      tpu.vector_store %arg7[%swap3A_674, %swap3A_675], %swap3A_678 {strides = array<i32>} : memref<64x768xf32, #tpu.memory_space<vmem>>, vector<1x16xf32>,
      %get3A_679 = arith.index_cast %scan3A_21 : i32 to index
      %get3A_680 = arith.constant 752 : index
      %get3A_681 = tpu.vector_load %arg7[%get3A_679, %get3A_680] {strides = array<i32>} : memref<64x768xf32, #tpu.memory_space<vmem>>, vector<1x16xf32>,
      %get3A_682 = vector.shape_cast %get3A_681 : vector<1x16xf32> to vector<16xf32>
      %get3A_683 = arith.index_cast %scan3A_21 : i32 to index
      %get3A_684 = arith.constant 752 : index
      %get3A_685 = tpu.vector_load %arg8[%get3A_683, %get3A_684] {strides = array<i32>} : memref<64x768xf32, #tpu.memory_space<vmem>>, vector<1x16xf32>,
      %get3A_686 = vector.shape_cast %get3A_685 : vector<1x16xf32> to vector<16xf32>
      %add3A_687 = arith.addf %get3A_682, %get3A_686 : vector<16xf32>
      %swap3A_688 = arith.index_cast %scan3A_21 : i32 to index
      %swap3A_689 = arith.constant 752 : index
      %swap3A_690 = tpu.vector_load %arg7[%swap3A_688, %swap3A_689] {strides = array<i32>} : memref<64x768xf32, #tpu.memory_space<vmem>>, vector<1x16xf32>,
      %swap3A_691 = vector.shape_cast %swap3A_690 : vector<1x16xf32> to vector<16xf32>
      %swap3A_692 = vector.shape_cast %add3A_687 : vector<16xf32> to vector<1x16xf32>
      tpu.vector_store %arg7[%swap3A_688, %swap3A_689], %swap3A_692 {strides = array<i32>} : memref<64x768xf32, #tpu.memory_space<vmem>>, vector<1x16xf32>,
      %scan3A_693 = arith.constant 0 : i32
      scf.yield %scan3A_693 : i32
    }
    %scan3A_20 = arith.constant 64 : i32
    "tpu.region"() ({
      %run_scoped3A = tpu.sem_alloc : memref<!tpu.dma_semaphore, #tpu.memory_space<semaphore_mem>>
      %dma_start3A_21 = arith.constant 0 : i32
      %dma_start3A_22 = tpu.memref_slice %arg5[%mul3A_2, %dma_start3A_21] : memref<2048x768xf32, #tpu.memory_space<hbm>> -> memref<64x768xf32, #tpu.memory_space<hbm>>
      %dma_start3A_23 = arith.constant 0 : i32
      %dma_start3A_24 = tpu.memref_slice %arg5[%mul3A_2, %dma_start3A_23] : memref<2048x768xf32, #tpu.memory_space<hbm>> -> memref<64x768xf32, #tpu.memory_space<hbm>>
      tpu.enqueue_dma source(%arg7 : memref<64x768xf32, #tpu.memory_space<vmem>>) target(%dma_start3A_24 : memref<64x768xf32, #tpu.memory_space<hbm>>) target_semaphore(%run_scoped3A : memref<!tpu.dma_semaphore, #tpu.memory_space<semaphore_mem>>)
      %dma_wait3A_25 = arith.constant 0 : i32
      %dma_wait3A_26 = tpu.memref_slice %arg5[%mul3A_2, %dma_wait3A_25] : memref<2048x768xf32, #tpu.memory_space<hbm>> -> memref<64x768xf32, #tpu.memory_space<hbm>>
      %dma_wait3A_27 = arith.constant 0 : i32
      %dma_wait3A_28 = tpu.memref_slice %arg5[%mul3A_2, %dma_wait3A_27] : memref<2048x768xf32, #tpu.memory_space<hbm>> -> memref<64x768xf32, #tpu.memory_space<hbm>>
      tpu.wait_dma2 semaphore(%run_scoped3A : memref<!tpu.dma_semaphore, #tpu.memory_space<semaphore_mem>>) src(%arg7 : memref<64x768xf32, #tpu.memory_space<vmem>>) dst(%dma_wait3A_28 : memref<64x768xf32, #tpu.memory_space<hbm>>)
      tpu.yield
    }) : () -> ()
    return
  }
}

module attributes {stable_mosaic.version = 14 : i64} {
  func.func @_block1_body(%arg0: i32, %arg1: memref<512x768xf32, #tpu.memory_space<vmem>>, %arg2: memref<1x768xf32, #tpu.memory_space<vmem>>, %arg3: memref<768x768xbf16, #tpu.memory_space<vmem>>, %arg4: memref<768x256xbf16, #tpu.memory_space<vmem>>, %arg5: memref<768x256xbf16, #tpu.memory_space<vmem>>, %arg6: memref<512x32xf32, #tpu.memory_space<vmem>>, %arg7: memref<512x32xf32, #tpu.memory_space<vmem>>, %arg8: memref<768x768xbf16, #tpu.memory_space<vmem>>, %arg9: memref<256x256xbf16, #tpu.memory_space<vmem>>, %arg10: memref<768x768xbf16, #tpu.memory_space<vmem>>, %arg11: memref<1x768xf32, #tpu.memory_space<vmem>>, %arg12: memref<768x16xf32, #tpu.memory_space<vmem>>, %arg13: memref<768x256xbf16, #tpu.memory_space<vmem>>, %arg14: memref<256x768xbf16, #tpu.memory_space<vmem>>, %arg15: memref<768x256xbf16, #tpu.memory_space<vmem>>, %arg16: memref<512x768xf32, #tpu.memory_space<vmem>>, %arg17: memref<512x16xf32, #tpu.memory_space<vmem>>, %arg18: memref<512x768xf32, #tpu.memory_space<vmem>>, %arg19: memref<2048x1xi32, #tpu.memory_space<vmem>>, %arg20: memref<1x32xi32, #tpu.memory_space<vmem>>, %arg21: memref<1x32xi32, #tpu.memory_space<vmem>>, %arg22: memref<2048x256xbf16, #tpu.memory_space<vmem>>, %arg23: memref<2048x512xbf16, #tpu.memory_space<vmem>>, %arg24: memref<2048x16xf32, #tpu.memory_space<vmem>>) attributes {dimension_semantics = [#tpu.dimension_semantics<arbitrary>], iteration_bounds = array<i64: 4>, scalar_prefetch = 0 : i64, scratch_operands = 3 : i64, tpu.core_type = #tpu.core_type<tc>, window_params = [{transform_indices = @transform_0, window_bounds = array<i64: 512, 768>}, {pipeline_mode = #tpu.pipeline_mode<synchronous>, transform_indices = @transform_1, window_bounds = array<i64: 1, 768>}, {pipeline_mode = #tpu.pipeline_mode<synchronous>, transform_indices = @transform_2, window_bounds = array<i64: 768, 768>}, {pipeline_mode = #tpu.pipeline_mode<synchronous>, transform_indices = @transform_3, window_bounds = array<i64: 768, 256>}, {pipeline_mode = #tpu.pipeline_mode<synchronous>, transform_indices = @transform_4, window_bounds = array<i64: 768, 256>}, {transform_indices = @transform_5, window_bounds = array<i64: 512, 32>}, {transform_indices = @transform_6, window_bounds = array<i64: 512, 32>}, {pipeline_mode = #tpu.pipeline_mode<synchronous>, transform_indices = @transform_7, window_bounds = array<i64: 768, 768>}, {pipeline_mode = #tpu.pipeline_mode<synchronous>, transform_indices = @transform_8, window_bounds = array<i64: 256, 256>}, {pipeline_mode = #tpu.pipeline_mode<synchronous>, transform_indices = @transform_9, window_bounds = array<i64: 768, 768>}, {pipeline_mode = #tpu.pipeline_mode<synchronous>, transform_indices = @transform_10, window_bounds = array<i64: 1, 768>}, {pipeline_mode = #tpu.pipeline_mode<synchronous>, transform_indices = @transform_11, window_bounds = array<i64: 768, 16>}, {pipeline_mode = #tpu.pipeline_mode<synchronous>, transform_indices = @transform_12, window_bounds = array<i64: 768, 256>}, {pipeline_mode = #tpu.pipeline_mode<synchronous>, transform_indices = @transform_13, window_bounds = array<i64: 256, 768>}, {pipeline_mode = #tpu.pipeline_mode<synchronous>, transform_indices = @transform_14, window_bounds = array<i64: 768, 256>}, {transform_indices = @transform_15, window_bounds = array<i64: 512, 768>}, {transform_indices = @transform_16, window_bounds = array<i64: 512, 16>}, {transform_indices = @transform_17, window_bounds = array<i64: 512, 768>}, {pipeline_mode = #tpu.pipeline_mode<synchronous>, transform_indices = @transform_18, window_bounds = array<i64: 2048, 1>}, {pipeline_mode = #tpu.pipeline_mode<synchronous>, transform_indices = @transform_19, window_bounds = array<i64: 1, 32>}, {pipeline_mode = #tpu.pipeline_mode<synchronous>, transform_indices = @transform_20, window_bounds = array<i64: 1, 32>}]} {
    %get3A = arith.constant 0 : index
    %get3A_0 = arith.constant 0 : index
    %get3A_1 = vector.load %arg1[%get3A, %get3A_0] : memref<512x768xf32, #tpu.memory_space<vmem>>, vector<512x768xf32>
    %mul3A = arith.mulf %get3A_1, %get3A_1 : vector<512x768xf32>
    %reduce_sum3A = arith.constant dense<0.000000e+00> : vector<512xf32>
    %reduce_sum3A_2 = vector.multi_reduction <add>, %mul3A, %reduce_sum3A [1] : vector<512x768xf32> to vector<512xf32>
    %broadcast_in_dim3A = vector.shape_cast %reduce_sum3A_2 : vector<512xf32> to vector<512x1xf32>
    %div3A = arith.constant 7.680000e+02 : f32
    %div3A_3 = vector.broadcast %div3A : f32 to vector<512x1xf32>
    %div3A_4 = arith.divf %broadcast_in_dim3A, %div3A_3 : vector<512x1xf32>
    %add3A = arith.constant 9.99999997E-7 : f32
    %add3A_5 = vector.broadcast %add3A : f32 to vector<512x1xf32>
    %add3A_6 = arith.addf %div3A_4, %add3A_5 : vector<512x1xf32>
    %rsqrt3A = math.rsqrt %add3A_6 : vector<512x1xf32>
    %mul3A_7 = vector.broadcast %rsqrt3A : vector<512x1xf32> to vector<512x768xf32>
    %mul3A_8 = arith.mulf %get3A_1, %mul3A_7 : vector<512x768xf32>
    %get3A_9 = arith.constant 0 : index
    %get3A_10 = arith.constant 0 : index
    %get3A_11 = vector.load %arg2[%get3A_9, %get3A_10] : memref<1x768xf32, #tpu.memory_space<vmem>>, vector<1x768xf32>
    %mul3A_12 = vector.broadcast %get3A_11 : vector<1x768xf32> to vector<512x768xf32>
    %mul3A_13 = arith.mulf %mul3A_8, %mul3A_12 : vector<512x768xf32>
    %convert_element_type3A = arith.truncf %mul3A_13 : vector<512x768xf32> to vector<512x768xbf16>
    %get3A_14 = arith.constant 0 : index
    %get3A_15 = arith.constant 0 : index
    %get3A_16 = vector.load %arg3[%get3A_14, %get3A_15] : memref<768x768xbf16, #tpu.memory_space<vmem>>, vector<768x768xbf16>
    %dot_general3A = arith.constant dense<0.000000e+00> : vector<512x768xf32>
    %dot_general3A_17 = tpu.matmul %convert_element_type3A, %get3A_16, %dot_general3A {dimension_numbers = #tpu.dot_dimension_numbers<[1], [0], [0], [1], [0, 0, 1, 1], [], []>, transpose_lhs_hint = false} : vector<512x768xbf16>, vector<768x768xbf16>, vector<512x768xf32> -> vector<512x768xf32>
    %get3A_18 = arith.constant 0 : index
    %get3A_19 = arith.constant 0 : index
    %get3A_20 = vector.load %arg4[%get3A_18, %get3A_19] : memref<768x256xbf16, #tpu.memory_space<vmem>>, vector<768x256xbf16>
    %dot_general3A_21 = arith.constant dense<0.000000e+00> : vector<512x256xf32>
    %dot_general3A_22 = tpu.matmul %convert_element_type3A, %get3A_20, %dot_general3A_21 {dimension_numbers = #tpu.dot_dimension_numbers<[1], [0], [0], [1], [0, 0, 1, 1], [], []>, transpose_lhs_hint = false} : vector<512x768xbf16>, vector<768x256xbf16>, vector<512x256xf32> -> vector<512x256xf32>
    %get3A_23 = arith.constant 0 : index
    %get3A_24 = arith.constant 0 : index
    %get3A_25 = vector.load %arg5[%get3A_23, %get3A_24] : memref<768x256xbf16, #tpu.memory_space<vmem>>, vector<768x256xbf16>
    %dot_general3A_26 = arith.constant dense<0.000000e+00> : vector<512x256xf32>
    %dot_general3A_27 = tpu.matmul %convert_element_type3A, %get3A_25, %dot_general3A_26 {dimension_numbers = #tpu.dot_dimension_numbers<[1], [0], [0], [1], [0, 0, 1, 1], [], []>, transpose_lhs_hint = false} : vector<512x768xbf16>, vector<768x256xbf16>, vector<512x256xf32> -> vector<512x256xf32>
    %get3A_28 = arith.constant 0 : index
    %get3A_29 = arith.constant 0 : index
    %get3A_30 = vector.load %arg6[%get3A_28, %get3A_29] : memref<512x32xf32, #tpu.memory_space<vmem>>, vector<512x32xf32>
    %get3A_31 = arith.constant 0 : index
    %get3A_32 = arith.constant 0 : index
    %get3A_33 = vector.load %arg7[%get3A_31, %get3A_32] : memref<512x32xf32, #tpu.memory_space<vmem>>, vector<512x32xf32>
    %concatenate3A = tpu.concatenate %get3A_30, %get3A_30 in 1 : vector<512x32xf32>, vector<512x32xf32> -> vector<512x64xf32>
    %neg3A = arith.constant 0.000000e+00 : f32
    %neg3A_34 = vector.broadcast %neg3A : f32 to vector<512x32xf32>
    %neg3A_35 = arith.subf %neg3A_34, %get3A_33 : vector<512x32xf32>
    %concatenate3A_36 = tpu.concatenate %neg3A_35, %get3A_33 in 1 : vector<512x32xf32>, vector<512x32xf32> -> vector<512x64xf32>
    %concatenate3A_37 = tpu.concatenate %concatenate3A, %concatenate3A, %concatenate3A, %concatenate3A, %concatenate3A, %concatenate3A, %concatenate3A, %concatenate3A, %concatenate3A, %concatenate3A, %concatenate3A, %concatenate3A in 1 : vector<512x64xf32>, vector<512x64xf32>, vector<512x64xf32>, vector<512x64xf32>, vector<512x64xf32>, vector<512x64xf32>, vector<512x64xf32>, vector<512x64xf32>, vector<512x64xf32>, vector<512x64xf32>, vector<512x64xf32>, vector<512x64xf32> -> vector<512x768xf32>
    %concatenate3A_38 = tpu.concatenate %concatenate3A_36, %concatenate3A_36, %concatenate3A_36, %concatenate3A_36, %concatenate3A_36, %concatenate3A_36, %concatenate3A_36, %concatenate3A_36, %concatenate3A_36, %concatenate3A_36, %concatenate3A_36, %concatenate3A_36 in 1 : vector<512x64xf32>, vector<512x64xf32>, vector<512x64xf32>, vector<512x64xf32>, vector<512x64xf32>, vector<512x64xf32>, vector<512x64xf32>, vector<512x64xf32>, vector<512x64xf32>, vector<512x64xf32>, vector<512x64xf32>, vector<512x64xf32> -> vector<512x768xf32>
    %concatenate3A_39 = tpu.concatenate %concatenate3A, %concatenate3A, %concatenate3A, %concatenate3A in 1 : vector<512x64xf32>, vector<512x64xf32>, vector<512x64xf32>, vector<512x64xf32> -> vector<512x256xf32>
    %concatenate3A_40 = tpu.concatenate %concatenate3A_36, %concatenate3A_36, %concatenate3A_36, %concatenate3A_36 in 1 : vector<512x64xf32>, vector<512x64xf32>, vector<512x64xf32>, vector<512x64xf32> -> vector<512x256xf32>
    %mul3A_41 = arith.mulf %dot_general3A_17, %concatenate3A_37 : vector<512x768xf32>
    %convert_element_type3A_42 = arith.truncf %dot_general3A_17 : vector<512x768xf32> to vector<512x768xbf16>
    %get3A_43 = arith.constant 0 : index
    %get3A_44 = arith.constant 0 : index
    %get3A_45 = vector.load %arg8[%get3A_43, %get3A_44] : memref<768x768xbf16, #tpu.memory_space<vmem>>, vector<768x768xbf16>
    %dot_general3A_46 = arith.constant dense<0.000000e+00> : vector<512x768xf32>
    %dot_general3A_47 = tpu.matmul %convert_element_type3A_42, %get3A_45, %dot_general3A_46 {dimension_numbers = #tpu.dot_dimension_numbers<[1], [0], [0], [1], [0, 0, 1, 1], [], []>, transpose_lhs_hint = false} : vector<512x768xbf16>, vector<768x768xbf16>, vector<512x768xf32> -> vector<512x768xf32>
    %mul3A_48 = arith.mulf %dot_general3A_47, %concatenate3A_38 : vector<512x768xf32>
    %add3A_49 = arith.addf %mul3A_41, %mul3A_48 : vector<512x768xf32>
    %mul3A_50 = arith.mulf %dot_general3A_22, %concatenate3A_39 : vector<512x256xf32>
    %convert_element_type3A_51 = arith.truncf %dot_general3A_22 : vector<512x256xf32> to vector<512x256xbf16>
    %get3A_52 = arith.constant 0 : index
    %get3A_53 = arith.constant 0 : index
    %get3A_54 = vector.load %arg9[%get3A_52, %get3A_53] : memref<256x256xbf16, #tpu.memory_space<vmem>>, vector<256x256xbf16>
    %dot_general3A_55 = arith.constant dense<0.000000e+00> : vector<512x256xf32>
    %dot_general3A_56 = tpu.matmul %convert_element_type3A_51, %get3A_54, %dot_general3A_55 {dimension_numbers = #tpu.dot_dimension_numbers<[1], [0], [0], [1], [0, 0, 1, 1], [], []>, transpose_lhs_hint = false} : vector<512x256xbf16>, vector<256x256xbf16>, vector<512x256xf32> -> vector<512x256xf32>
    %mul3A_57 = arith.mulf %dot_general3A_56, %concatenate3A_40 : vector<512x256xf32>
    %add3A_58 = arith.addf %mul3A_50, %mul3A_57 : vector<512x256xf32>
    %convert_element_type3A_59 = arith.truncf %add3A_49 : vector<512x768xf32> to vector<512x768xbf16>
    %convert_element_type3A_60 = arith.truncf %add3A_58 : vector<512x256xf32> to vector<512x256xbf16>
    %convert_element_type3A_61 = arith.truncf %dot_general3A_27 : vector<512x256xf32> to vector<512x256xbf16>
    %mul3A_62 = arith.constant 512 : i32
    %mul3A_63 = arith.muli %arg0, %mul3A_62 : i32
    %swap3A = arith.index_cast %mul3A_63 : i32 to index
    %swap3A_64 = arith.constant 0 : index
    %swap3A_65 = vector.load %arg22[%swap3A, %swap3A_64] : memref<2048x256xbf16, #tpu.memory_space<vmem>>, vector<512x256xbf16>
    tpu.vector_store %arg22[%swap3A, %swap3A_64], %convert_element_type3A_60 {strides = array<i32>} : memref<2048x256xbf16, #tpu.memory_space<vmem>>, vector<512x256xbf16>,
    %broadcast_in_dim3A_66 = arith.constant 1.000000e+00 : bf16
    %broadcast_in_dim3A_67 = vector.broadcast %broadcast_in_dim3A_66 : bf16 to vector<512x64xbf16>
    %slice3A = vector.extract_strided_slice %convert_element_type3A_61 {offsets = [0, 0], sizes = [512, 64], strides = [1, 1]} : vector<512x256xbf16> to vector<512x64xbf16>
    %mul3A_68 = arith.constant 512 : i32
    %mul3A_69 = arith.muli %arg0, %mul3A_68 : i32
    %swap3A_70 = arith.index_cast %mul3A_69 : i32 to index
    %swap3A_71 = arith.constant 0 : index
    %swap3A_72 = vector.load %arg23[%swap3A_70, %swap3A_71] : memref<2048x512xbf16, #tpu.memory_space<vmem>>, vector<512x64xbf16>
    tpu.vector_store %arg23[%swap3A_70, %swap3A_71], %slice3A {strides = array<i32>} : memref<2048x512xbf16, #tpu.memory_space<vmem>>, vector<512x64xbf16>,
    %mul3A_73 = arith.constant 512 : i32
    %mul3A_74 = arith.muli %arg0, %mul3A_73 : i32
    %swap3A_75 = arith.index_cast %mul3A_74 : i32 to index
    %swap3A_76 = arith.constant 64 : index
    %swap3A_77 = vector.load %arg23[%swap3A_75, %swap3A_76] : memref<2048x512xbf16, #tpu.memory_space<vmem>>, vector<512x64xbf16>
    tpu.vector_store %arg23[%swap3A_75, %swap3A_76], %broadcast_in_dim3A_67 {strides = array<i32>} : memref<2048x512xbf16, #tpu.memory_space<vmem>>, vector<512x64xbf16>,
    %slice3A_78 = vector.extract_strided_slice %convert_element_type3A_61 {offsets = [0, 64], sizes = [512, 64], strides = [1, 1]} : vector<512x256xbf16> to vector<512x64xbf16>
    %mul3A_79 = arith.constant 512 : i32
    %mul3A_80 = arith.muli %arg0, %mul3A_79 : i32
    %swap3A_81 = arith.index_cast %mul3A_80 : i32 to index
    %swap3A_82 = arith.constant 128 : index
    %swap3A_83 = vector.load %arg23[%swap3A_81, %swap3A_82] : memref<2048x512xbf16, #tpu.memory_space<vmem>>, vector<512x64xbf16>
    tpu.vector_store %arg23[%swap3A_81, %swap3A_82], %slice3A_78 {strides = array<i32>} : memref<2048x512xbf16, #tpu.memory_space<vmem>>, vector<512x64xbf16>,
    %mul3A_84 = arith.constant 512 : i32
    %mul3A_85 = arith.muli %arg0, %mul3A_84 : i32
    %swap3A_86 = arith.index_cast %mul3A_85 : i32 to index
    %swap3A_87 = arith.constant 192 : index
    %swap3A_88 = vector.load %arg23[%swap3A_86, %swap3A_87] : memref<2048x512xbf16, #tpu.memory_space<vmem>>, vector<512x64xbf16>
    tpu.vector_store %arg23[%swap3A_86, %swap3A_87], %broadcast_in_dim3A_67 {strides = array<i32>} : memref<2048x512xbf16, #tpu.memory_space<vmem>>, vector<512x64xbf16>,
    %slice3A_89 = vector.extract_strided_slice %convert_element_type3A_61 {offsets = [0, 128], sizes = [512, 64], strides = [1, 1]} : vector<512x256xbf16> to vector<512x64xbf16>
    %mul3A_90 = arith.constant 512 : i32
    %mul3A_91 = arith.muli %arg0, %mul3A_90 : i32
    %swap3A_92 = arith.index_cast %mul3A_91 : i32 to index
    %swap3A_93 = arith.constant 256 : index
    %swap3A_94 = vector.load %arg23[%swap3A_92, %swap3A_93] : memref<2048x512xbf16, #tpu.memory_space<vmem>>, vector<512x64xbf16>
    tpu.vector_store %arg23[%swap3A_92, %swap3A_93], %slice3A_89 {strides = array<i32>} : memref<2048x512xbf16, #tpu.memory_space<vmem>>, vector<512x64xbf16>,
    %mul3A_95 = arith.constant 512 : i32
    %mul3A_96 = arith.muli %arg0, %mul3A_95 : i32
    %swap3A_97 = arith.index_cast %mul3A_96 : i32 to index
    %swap3A_98 = arith.constant 320 : index
    %swap3A_99 = vector.load %arg23[%swap3A_97, %swap3A_98] : memref<2048x512xbf16, #tpu.memory_space<vmem>>, vector<512x64xbf16>
    tpu.vector_store %arg23[%swap3A_97, %swap3A_98], %broadcast_in_dim3A_67 {strides = array<i32>} : memref<2048x512xbf16, #tpu.memory_space<vmem>>, vector<512x64xbf16>,
    %slice3A_100 = vector.extract_strided_slice %convert_element_type3A_61 {offsets = [0, 192], sizes = [512, 64], strides = [1, 1]} : vector<512x256xbf16> to vector<512x64xbf16>
    %mul3A_101 = arith.constant 512 : i32
    %mul3A_102 = arith.muli %arg0, %mul3A_101 : i32
    %swap3A_103 = arith.index_cast %mul3A_102 : i32 to index
    %swap3A_104 = arith.constant 384 : index
    %swap3A_105 = vector.load %arg23[%swap3A_103, %swap3A_104] : memref<2048x512xbf16, #tpu.memory_space<vmem>>, vector<512x64xbf16>
    tpu.vector_store %arg23[%swap3A_103, %swap3A_104], %slice3A_100 {strides = array<i32>} : memref<2048x512xbf16, #tpu.memory_space<vmem>>, vector<512x64xbf16>,
    %mul3A_106 = arith.constant 512 : i32
    %mul3A_107 = arith.muli %arg0, %mul3A_106 : i32
    %swap3A_108 = arith.index_cast %mul3A_107 : i32 to index
    %swap3A_109 = arith.constant 448 : index
    %swap3A_110 = vector.load %arg23[%swap3A_108, %swap3A_109] : memref<2048x512xbf16, #tpu.memory_space<vmem>>, vector<512x64xbf16>
    tpu.vector_store %arg23[%swap3A_108, %swap3A_109], %broadcast_in_dim3A_67 {strides = array<i32>} : memref<2048x512xbf16, #tpu.memory_space<vmem>>, vector<512x64xbf16>,
    %slice3A_111 = vector.extract_strided_slice %convert_element_type3A_59 {offsets = [0, 0], sizes = [512, 64], strides = [1, 1]} : vector<512x768xbf16> to vector<512x64xbf16>
    %slice3A_112 = vector.extract_strided_slice %convert_element_type3A_59 {offsets = [0, 64], sizes = [512, 64], strides = [1, 1]} : vector<512x768xbf16> to vector<512x64xbf16>
    %slice3A_113 = vector.extract_strided_slice %convert_element_type3A_59 {offsets = [0, 128], sizes = [512, 64], strides = [1, 1]} : vector<512x768xbf16> to vector<512x64xbf16>
    %slice3A_114 = vector.extract_strided_slice %convert_element_type3A_59 {offsets = [0, 192], sizes = [512, 64], strides = [1, 1]} : vector<512x768xbf16> to vector<512x64xbf16>
    %slice3A_115 = vector.extract_strided_slice %convert_element_type3A_59 {offsets = [0, 256], sizes = [512, 64], strides = [1, 1]} : vector<512x768xbf16> to vector<512x64xbf16>
    %slice3A_116 = vector.extract_strided_slice %convert_element_type3A_59 {offsets = [0, 320], sizes = [512, 64], strides = [1, 1]} : vector<512x768xbf16> to vector<512x64xbf16>
    %slice3A_117 = vector.extract_strided_slice %convert_element_type3A_59 {offsets = [0, 384], sizes = [512, 64], strides = [1, 1]} : vector<512x768xbf16> to vector<512x64xbf16>
    %slice3A_118 = vector.extract_strided_slice %convert_element_type3A_59 {offsets = [0, 448], sizes = [512, 64], strides = [1, 1]} : vector<512x768xbf16> to vector<512x64xbf16>
    %slice3A_119 = vector.extract_strided_slice %convert_element_type3A_59 {offsets = [0, 512], sizes = [512, 64], strides = [1, 1]} : vector<512x768xbf16> to vector<512x64xbf16>
    %slice3A_120 = vector.extract_strided_slice %convert_element_type3A_59 {offsets = [0, 576], sizes = [512, 64], strides = [1, 1]} : vector<512x768xbf16> to vector<512x64xbf16>
    %slice3A_121 = vector.extract_strided_slice %convert_element_type3A_59 {offsets = [0, 640], sizes = [512, 64], strides = [1, 1]} : vector<512x768xbf16> to vector<512x64xbf16>
    %slice3A_122 = vector.extract_strided_slice %convert_element_type3A_59 {offsets = [0, 704], sizes = [512, 64], strides = [1, 1]} : vector<512x768xbf16> to vector<512x64xbf16>
    %broadcast_in_dim3A_123 = arith.constant 0.000000e+00 : f32
    %broadcast_in_dim3A_124 = vector.broadcast %broadcast_in_dim3A_123 : f32 to vector<512x128xf32>
    %while3A = arith.constant 0 : i32
    %while3A_125 = arith.subi %arg0, %while3A : i32
    %while3A_126 = arith.addi %while3A, %while3A_125 : i32
    %while3A_127 = arith.constant 1 : i32
    %while3A_128 = arith.divsi %while3A_125, %while3A_127 : i32
    %while3A_129 = arith.muli %while3A_128, %while3A_127 : i32
    %while3A_130 = arith.addi %while3A, %while3A_129 : i32
    %while3A_131 = arith.constant 1 : i32
    %while3A_132:12 = scf.for %while3A_430 = %while3A to %while3A_130 step %while3A_131 iter_args(%while3A_431 = %broadcast_in_dim3A_124, %while3A_432 = %broadcast_in_dim3A_124, %while3A_433 = %broadcast_in_dim3A_124, %while3A_434 = %broadcast_in_dim3A_124, %while3A_435 = %broadcast_in_dim3A_124, %while3A_436 = %broadcast_in_dim3A_124, %while3A_437 = %broadcast_in_dim3A_124, %while3A_438 = %broadcast_in_dim3A_124, %while3A_439 = %broadcast_in_dim3A_124, %while3A_440 = %broadcast_in_dim3A_124, %while3A_441 = %broadcast_in_dim3A_124, %while3A_442 = %broadcast_in_dim3A_124) -> (vector<512x128xf32>, vector<512x128xf32>, vector<512x128xf32>, vector<512x128xf32>, vector<512x128xf32>, vector<512x128xf32>, vector<512x128xf32>, vector<512x128xf32>, vector<512x128xf32>, vector<512x128xf32>, vector<512x128xf32>, vector<512x128xf32>)  : i32 {
      %mul3A_443 = arith.constant 512 : i32
      %mul3A_444 = arith.muli %while3A_430, %mul3A_443 : i32
      %get3A_445 = arith.index_cast %mul3A_444 : i32 to index
      %get3A_446 = arith.constant 0 : index
      %get3A_447 = vector.load %arg22[%get3A_445, %get3A_446] : memref<2048x256xbf16, #tpu.memory_space<vmem>>, vector<512x64xbf16>
      %mul3A_448 = arith.constant 512 : i32
      %mul3A_449 = arith.muli %while3A_430, %mul3A_448 : i32
      %get3A_450 = arith.index_cast %mul3A_449 : i32 to index
      %get3A_451 = arith.constant 0 : index
      %get3A_452 = vector.load %arg23[%get3A_450, %get3A_451] : memref<2048x512xbf16, #tpu.memory_space<vmem>>, vector<512x128xbf16>
      %mul3A_453 = arith.constant 512 : i32
      %mul3A_454 = arith.muli %while3A_430, %mul3A_453 : i32
      %get3A_455 = arith.index_cast %mul3A_454 : i32 to index
      %get3A_456 = arith.constant 64 : index
      %get3A_457 = vector.load %arg22[%get3A_455, %get3A_456] : memref<2048x256xbf16, #tpu.memory_space<vmem>>, vector<512x64xbf16>
      %mul3A_458 = arith.constant 512 : i32
      %mul3A_459 = arith.muli %while3A_430, %mul3A_458 : i32
      %get3A_460 = arith.index_cast %mul3A_459 : i32 to index
      %get3A_461 = arith.constant 128 : index
      %get3A_462 = vector.load %arg23[%get3A_460, %get3A_461] : memref<2048x512xbf16, #tpu.memory_space<vmem>>, vector<512x128xbf16>
      %mul3A_463 = arith.constant 512 : i32
      %mul3A_464 = arith.muli %while3A_430, %mul3A_463 : i32
      %get3A_465 = arith.index_cast %mul3A_464 : i32 to index
      %get3A_466 = arith.constant 128 : index
      %get3A_467 = vector.load %arg22[%get3A_465, %get3A_466] : memref<2048x256xbf16, #tpu.memory_space<vmem>>, vector<512x64xbf16>
      %mul3A_468 = arith.constant 512 : i32
      %mul3A_469 = arith.muli %while3A_430, %mul3A_468 : i32
      %get3A_470 = arith.index_cast %mul3A_469 : i32 to index
      %get3A_471 = arith.constant 256 : index
      %get3A_472 = vector.load %arg23[%get3A_470, %get3A_471] : memref<2048x512xbf16, #tpu.memory_space<vmem>>, vector<512x128xbf16>
      %mul3A_473 = arith.constant 512 : i32
      %mul3A_474 = arith.muli %while3A_430, %mul3A_473 : i32
      %get3A_475 = arith.index_cast %mul3A_474 : i32 to index
      %get3A_476 = arith.constant 192 : index
      %get3A_477 = vector.load %arg22[%get3A_475, %get3A_476] : memref<2048x256xbf16, #tpu.memory_space<vmem>>, vector<512x64xbf16>
      %mul3A_478 = arith.constant 512 : i32
      %mul3A_479 = arith.muli %while3A_430, %mul3A_478 : i32
      %get3A_480 = arith.index_cast %mul3A_479 : i32 to index
      %get3A_481 = arith.constant 384 : index
      %get3A_482 = vector.load %arg23[%get3A_480, %get3A_481] : memref<2048x512xbf16, #tpu.memory_space<vmem>>, vector<512x128xbf16>
      %dot_general3A_483 = arith.constant dense<0.000000e+00> : vector<512x512xf32>
      %dot_general3A_484 = tpu.matmul %slice3A_111, %get3A_447, %dot_general3A_483 {dimension_numbers = #tpu.dot_dimension_numbers<[1], [1], [0], [0], [0, 0, 1, 0], [], []>, transpose_lhs_hint = false} : vector<512x64xbf16>, vector<512x64xbf16>, vector<512x512xf32> -> vector<512x512xf32>
      %exp3A_485 = math.exp %dot_general3A_484 : vector<512x512xf32>
      %convert_element_type3A_486 = arith.truncf %exp3A_485 : vector<512x512xf32> to vector<512x512xbf16>
      %dot_general3A_487 = arith.constant dense<0.000000e+00> : vector<512x128xf32>
      %dot_general3A_488 = tpu.matmul %convert_element_type3A_486, %get3A_452, %dot_general3A_487 {dimension_numbers = #tpu.dot_dimension_numbers<[1], [0], [0], [1], [0, 0, 1, 1], [], []>, transpose_lhs_hint = false} : vector<512x512xbf16>, vector<512x128xbf16>, vector<512x128xf32> -> vector<512x128xf32>
      %add3A_489 = arith.addf %while3A_431, %dot_general3A_488 : vector<512x128xf32>
      %dot_general3A_490 = arith.constant dense<0.000000e+00> : vector<512x512xf32>
      %dot_general3A_491 = tpu.matmul %slice3A_112, %get3A_447, %dot_general3A_490 {dimension_numbers = #tpu.dot_dimension_numbers<[1], [1], [0], [0], [0, 0, 1, 0], [], []>, transpose_lhs_hint = false} : vector<512x64xbf16>, vector<512x64xbf16>, vector<512x512xf32> -> vector<512x512xf32>
      %exp3A_492 = math.exp %dot_general3A_491 : vector<512x512xf32>
      %convert_element_type3A_493 = arith.truncf %exp3A_492 : vector<512x512xf32> to vector<512x512xbf16>
      %dot_general3A_494 = arith.constant dense<0.000000e+00> : vector<512x128xf32>
      %dot_general3A_495 = tpu.matmul %convert_element_type3A_493, %get3A_452, %dot_general3A_494 {dimension_numbers = #tpu.dot_dimension_numbers<[1], [0], [0], [1], [0, 0, 1, 1], [], []>, transpose_lhs_hint = false} : vector<512x512xbf16>, vector<512x128xbf16>, vector<512x128xf32> -> vector<512x128xf32>
      %add3A_496 = arith.addf %while3A_432, %dot_general3A_495 : vector<512x128xf32>
      %dot_general3A_497 = arith.constant dense<0.000000e+00> : vector<512x512xf32>
      %dot_general3A_498 = tpu.matmul %slice3A_113, %get3A_447, %dot_general3A_497 {dimension_numbers = #tpu.dot_dimension_numbers<[1], [1], [0], [0], [0, 0, 1, 0], [], []>, transpose_lhs_hint = false} : vector<512x64xbf16>, vector<512x64xbf16>, vector<512x512xf32> -> vector<512x512xf32>
      %exp3A_499 = math.exp %dot_general3A_498 : vector<512x512xf32>
      %convert_element_type3A_500 = arith.truncf %exp3A_499 : vector<512x512xf32> to vector<512x512xbf16>
      %dot_general3A_501 = arith.constant dense<0.000000e+00> : vector<512x128xf32>
      %dot_general3A_502 = tpu.matmul %convert_element_type3A_500, %get3A_452, %dot_general3A_501 {dimension_numbers = #tpu.dot_dimension_numbers<[1], [0], [0], [1], [0, 0, 1, 1], [], []>, transpose_lhs_hint = false} : vector<512x512xbf16>, vector<512x128xbf16>, vector<512x128xf32> -> vector<512x128xf32>
      %add3A_503 = arith.addf %while3A_433, %dot_general3A_502 : vector<512x128xf32>
      %dot_general3A_504 = arith.constant dense<0.000000e+00> : vector<512x512xf32>
      %dot_general3A_505 = tpu.matmul %slice3A_114, %get3A_457, %dot_general3A_504 {dimension_numbers = #tpu.dot_dimension_numbers<[1], [1], [0], [0], [0, 0, 1, 0], [], []>, transpose_lhs_hint = false} : vector<512x64xbf16>, vector<512x64xbf16>, vector<512x512xf32> -> vector<512x512xf32>
      %exp3A_506 = math.exp %dot_general3A_505 : vector<512x512xf32>
      %convert_element_type3A_507 = arith.truncf %exp3A_506 : vector<512x512xf32> to vector<512x512xbf16>
      %dot_general3A_508 = arith.constant dense<0.000000e+00> : vector<512x128xf32>
      %dot_general3A_509 = tpu.matmul %convert_element_type3A_507, %get3A_462, %dot_general3A_508 {dimension_numbers = #tpu.dot_dimension_numbers<[1], [0], [0], [1], [0, 0, 1, 1], [], []>, transpose_lhs_hint = false} : vector<512x512xbf16>, vector<512x128xbf16>, vector<512x128xf32> -> vector<512x128xf32>
      %add3A_510 = arith.addf %while3A_434, %dot_general3A_509 : vector<512x128xf32>
      %dot_general3A_511 = arith.constant dense<0.000000e+00> : vector<512x512xf32>
      %dot_general3A_512 = tpu.matmul %slice3A_115, %get3A_457, %dot_general3A_511 {dimension_numbers = #tpu.dot_dimension_numbers<[1], [1], [0], [0], [0, 0, 1, 0], [], []>, transpose_lhs_hint = false} : vector<512x64xbf16>, vector<512x64xbf16>, vector<512x512xf32> -> vector<512x512xf32>
      %exp3A_513 = math.exp %dot_general3A_512 : vector<512x512xf32>
      %convert_element_type3A_514 = arith.truncf %exp3A_513 : vector<512x512xf32> to vector<512x512xbf16>
      %dot_general3A_515 = arith.constant dense<0.000000e+00> : vector<512x128xf32>
      %dot_general3A_516 = tpu.matmul %convert_element_type3A_514, %get3A_462, %dot_general3A_515 {dimension_numbers = #tpu.dot_dimension_numbers<[1], [0], [0], [1], [0, 0, 1, 1], [], []>, transpose_lhs_hint = false} : vector<512x512xbf16>, vector<512x128xbf16>, vector<512x128xf32> -> vector<512x128xf32>
      %add3A_517 = arith.addf %while3A_435, %dot_general3A_516 : vector<512x128xf32>
      %dot_general3A_518 = arith.constant dense<0.000000e+00> : vector<512x512xf32>
      %dot_general3A_519 = tpu.matmul %slice3A_116, %get3A_457, %dot_general3A_518 {dimension_numbers = #tpu.dot_dimension_numbers<[1], [1], [0], [0], [0, 0, 1, 0], [], []>, transpose_lhs_hint = false} : vector<512x64xbf16>, vector<512x64xbf16>, vector<512x512xf32> -> vector<512x512xf32>
      %exp3A_520 = math.exp %dot_general3A_519 : vector<512x512xf32>
      %convert_element_type3A_521 = arith.truncf %exp3A_520 : vector<512x512xf32> to vector<512x512xbf16>
      %dot_general3A_522 = arith.constant dense<0.000000e+00> : vector<512x128xf32>
      %dot_general3A_523 = tpu.matmul %convert_element_type3A_521, %get3A_462, %dot_general3A_522 {dimension_numbers = #tpu.dot_dimension_numbers<[1], [0], [0], [1], [0, 0, 1, 1], [], []>, transpose_lhs_hint = false} : vector<512x512xbf16>, vector<512x128xbf16>, vector<512x128xf32> -> vector<512x128xf32>
      %add3A_524 = arith.addf %while3A_436, %dot_general3A_523 : vector<512x128xf32>
      %dot_general3A_525 = arith.constant dense<0.000000e+00> : vector<512x512xf32>
      %dot_general3A_526 = tpu.matmul %slice3A_117, %get3A_467, %dot_general3A_525 {dimension_numbers = #tpu.dot_dimension_numbers<[1], [1], [0], [0], [0, 0, 1, 0], [], []>, transpose_lhs_hint = false} : vector<512x64xbf16>, vector<512x64xbf16>, vector<512x512xf32> -> vector<512x512xf32>
      %exp3A_527 = math.exp %dot_general3A_526 : vector<512x512xf32>
      %convert_element_type3A_528 = arith.truncf %exp3A_527 : vector<512x512xf32> to vector<512x512xbf16>
      %dot_general3A_529 = arith.constant dense<0.000000e+00> : vector<512x128xf32>
      %dot_general3A_530 = tpu.matmul %convert_element_type3A_528, %get3A_472, %dot_general3A_529 {dimension_numbers = #tpu.dot_dimension_numbers<[1], [0], [0], [1], [0, 0, 1, 1], [], []>, transpose_lhs_hint = false} : vector<512x512xbf16>, vector<512x128xbf16>, vector<512x128xf32> -> vector<512x128xf32>
      %add3A_531 = arith.addf %while3A_437, %dot_general3A_530 : vector<512x128xf32>
      %dot_general3A_532 = arith.constant dense<0.000000e+00> : vector<512x512xf32>
      %dot_general3A_533 = tpu.matmul %slice3A_118, %get3A_467, %dot_general3A_532 {dimension_numbers = #tpu.dot_dimension_numbers<[1], [1], [0], [0], [0, 0, 1, 0], [], []>, transpose_lhs_hint = false} : vector<512x64xbf16>, vector<512x64xbf16>, vector<512x512xf32> -> vector<512x512xf32>
      %exp3A_534 = math.exp %dot_general3A_533 : vector<512x512xf32>
      %convert_element_type3A_535 = arith.truncf %exp3A_534 : vector<512x512xf32> to vector<512x512xbf16>
      %dot_general3A_536 = arith.constant dense<0.000000e+00> : vector<512x128xf32>
      %dot_general3A_537 = tpu.matmul %convert_element_type3A_535, %get3A_472, %dot_general3A_536 {dimension_numbers = #tpu.dot_dimension_numbers<[1], [0], [0], [1], [0, 0, 1, 1], [], []>, transpose_lhs_hint = false} : vector<512x512xbf16>, vector<512x128xbf16>, vector<512x128xf32> -> vector<512x128xf32>
      %add3A_538 = arith.addf %while3A_438, %dot_general3A_537 : vector<512x128xf32>
      %dot_general3A_539 = arith.constant dense<0.000000e+00> : vector<512x512xf32>
      %dot_general3A_540 = tpu.matmul %slice3A_119, %get3A_467, %dot_general3A_539 {dimension_numbers = #tpu.dot_dimension_numbers<[1], [1], [0], [0], [0, 0, 1, 0], [], []>, transpose_lhs_hint = false} : vector<512x64xbf16>, vector<512x64xbf16>, vector<512x512xf32> -> vector<512x512xf32>
      %exp3A_541 = math.exp %dot_general3A_540 : vector<512x512xf32>
      %convert_element_type3A_542 = arith.truncf %exp3A_541 : vector<512x512xf32> to vector<512x512xbf16>
      %dot_general3A_543 = arith.constant dense<0.000000e+00> : vector<512x128xf32>
      %dot_general3A_544 = tpu.matmul %convert_element_type3A_542, %get3A_472, %dot_general3A_543 {dimension_numbers = #tpu.dot_dimension_numbers<[1], [0], [0], [1], [0, 0, 1, 1], [], []>, transpose_lhs_hint = false} : vector<512x512xbf16>, vector<512x128xbf16>, vector<512x128xf32> -> vector<512x128xf32>
      %add3A_545 = arith.addf %while3A_439, %dot_general3A_544 : vector<512x128xf32>
      %dot_general3A_546 = arith.constant dense<0.000000e+00> : vector<512x512xf32>
      %dot_general3A_547 = tpu.matmul %slice3A_120, %get3A_477, %dot_general3A_546 {dimension_numbers = #tpu.dot_dimension_numbers<[1], [1], [0], [0], [0, 0, 1, 0], [], []>, transpose_lhs_hint = false} : vector<512x64xbf16>, vector<512x64xbf16>, vector<512x512xf32> -> vector<512x512xf32>
      %exp3A_548 = math.exp %dot_general3A_547 : vector<512x512xf32>
      %convert_element_type3A_549 = arith.truncf %exp3A_548 : vector<512x512xf32> to vector<512x512xbf16>
      %dot_general3A_550 = arith.constant dense<0.000000e+00> : vector<512x128xf32>
      %dot_general3A_551 = tpu.matmul %convert_element_type3A_549, %get3A_482, %dot_general3A_550 {dimension_numbers = #tpu.dot_dimension_numbers<[1], [0], [0], [1], [0, 0, 1, 1], [], []>, transpose_lhs_hint = false} : vector<512x512xbf16>, vector<512x128xbf16>, vector<512x128xf32> -> vector<512x128xf32>
      %add3A_552 = arith.addf %while3A_440, %dot_general3A_551 : vector<512x128xf32>
      %dot_general3A_553 = arith.constant dense<0.000000e+00> : vector<512x512xf32>
      %dot_general3A_554 = tpu.matmul %slice3A_121, %get3A_477, %dot_general3A_553 {dimension_numbers = #tpu.dot_dimension_numbers<[1], [1], [0], [0], [0, 0, 1, 0], [], []>, transpose_lhs_hint = false} : vector<512x64xbf16>, vector<512x64xbf16>, vector<512x512xf32> -> vector<512x512xf32>
      %exp3A_555 = math.exp %dot_general3A_554 : vector<512x512xf32>
      %convert_element_type3A_556 = arith.truncf %exp3A_555 : vector<512x512xf32> to vector<512x512xbf16>
      %dot_general3A_557 = arith.constant dense<0.000000e+00> : vector<512x128xf32>
      %dot_general3A_558 = tpu.matmul %convert_element_type3A_556, %get3A_482, %dot_general3A_557 {dimension_numbers = #tpu.dot_dimension_numbers<[1], [0], [0], [1], [0, 0, 1, 1], [], []>, transpose_lhs_hint = false} : vector<512x512xbf16>, vector<512x128xbf16>, vector<512x128xf32> -> vector<512x128xf32>
      %add3A_559 = arith.addf %while3A_441, %dot_general3A_558 : vector<512x128xf32>
      %dot_general3A_560 = arith.constant dense<0.000000e+00> : vector<512x512xf32>
      %dot_general3A_561 = tpu.matmul %slice3A_122, %get3A_477, %dot_general3A_560 {dimension_numbers = #tpu.dot_dimension_numbers<[1], [1], [0], [0], [0, 0, 1, 0], [], []>, transpose_lhs_hint = false} : vector<512x64xbf16>, vector<512x64xbf16>, vector<512x512xf32> -> vector<512x512xf32>
      %exp3A_562 = math.exp %dot_general3A_561 : vector<512x512xf32>
      %convert_element_type3A_563 = arith.truncf %exp3A_562 : vector<512x512xf32> to vector<512x512xbf16>
      %dot_general3A_564 = arith.constant dense<0.000000e+00> : vector<512x128xf32>
      %dot_general3A_565 = tpu.matmul %convert_element_type3A_563, %get3A_482, %dot_general3A_564 {dimension_numbers = #tpu.dot_dimension_numbers<[1], [0], [0], [1], [0, 0, 1, 1], [], []>, transpose_lhs_hint = false} : vector<512x512xbf16>, vector<512x128xbf16>, vector<512x128xf32> -> vector<512x128xf32>
      %add3A_566 = arith.addf %while3A_442, %dot_general3A_565 : vector<512x128xf32>
      scf.yield %add3A_489, %add3A_496, %add3A_503, %add3A_510, %add3A_517, %add3A_524, %add3A_531, %add3A_538, %add3A_545, %add3A_552, %add3A_559, %add3A_566 : vector<512x128xf32>, vector<512x128xf32>, vector<512x128xf32>, vector<512x128xf32>, vector<512x128xf32>, vector<512x128xf32>, vector<512x128xf32>, vector<512x128xf32>, vector<512x128xf32>, vector<512x128xf32>, vector<512x128xf32>, vector<512x128xf32>
    }
    %while3A_133 = arith.constant 1 : i32
    %while3A_134:12 = scf.for %while3A_430 = %while3A_130 to %while3A_126 step %while3A_133 iter_args(%while3A_431 = %while3A_132#0, %while3A_432 = %while3A_132#1, %while3A_433 = %while3A_132#2, %while3A_434 = %while3A_132#3, %while3A_435 = %while3A_132#4, %while3A_436 = %while3A_132#5, %while3A_437 = %while3A_132#6, %while3A_438 = %while3A_132#7, %while3A_439 = %while3A_132#8, %while3A_440 = %while3A_132#9, %while3A_441 = %while3A_132#10, %while3A_442 = %while3A_132#11) -> (vector<512x128xf32>, vector<512x128xf32>, vector<512x128xf32>, vector<512x128xf32>, vector<512x128xf32>, vector<512x128xf32>, vector<512x128xf32>, vector<512x128xf32>, vector<512x128xf32>, vector<512x128xf32>, vector<512x128xf32>, vector<512x128xf32>)  : i32 {
      %mul3A_443 = arith.constant 512 : i32
      %mul3A_444 = arith.muli %while3A_430, %mul3A_443 : i32
      %get3A_445 = arith.index_cast %mul3A_444 : i32 to index
      %get3A_446 = arith.constant 0 : index
      %get3A_447 = vector.load %arg22[%get3A_445, %get3A_446] : memref<2048x256xbf16, #tpu.memory_space<vmem>>, vector<512x64xbf16>
      %mul3A_448 = arith.constant 512 : i32
      %mul3A_449 = arith.muli %while3A_430, %mul3A_448 : i32
      %get3A_450 = arith.index_cast %mul3A_449 : i32 to index
      %get3A_451 = arith.constant 0 : index
      %get3A_452 = vector.load %arg23[%get3A_450, %get3A_451] : memref<2048x512xbf16, #tpu.memory_space<vmem>>, vector<512x128xbf16>
      %mul3A_453 = arith.constant 512 : i32
      %mul3A_454 = arith.muli %while3A_430, %mul3A_453 : i32
      %get3A_455 = arith.index_cast %mul3A_454 : i32 to index
      %get3A_456 = arith.constant 64 : index
      %get3A_457 = vector.load %arg22[%get3A_455, %get3A_456] : memref<2048x256xbf16, #tpu.memory_space<vmem>>, vector<512x64xbf16>
      %mul3A_458 = arith.constant 512 : i32
      %mul3A_459 = arith.muli %while3A_430, %mul3A_458 : i32
      %get3A_460 = arith.index_cast %mul3A_459 : i32 to index
      %get3A_461 = arith.constant 128 : index
      %get3A_462 = vector.load %arg23[%get3A_460, %get3A_461] : memref<2048x512xbf16, #tpu.memory_space<vmem>>, vector<512x128xbf16>
      %mul3A_463 = arith.constant 512 : i32
      %mul3A_464 = arith.muli %while3A_430, %mul3A_463 : i32
      %get3A_465 = arith.index_cast %mul3A_464 : i32 to index
      %get3A_466 = arith.constant 128 : index
      %get3A_467 = vector.load %arg22[%get3A_465, %get3A_466] : memref<2048x256xbf16, #tpu.memory_space<vmem>>, vector<512x64xbf16>
      %mul3A_468 = arith.constant 512 : i32
      %mul3A_469 = arith.muli %while3A_430, %mul3A_468 : i32
      %get3A_470 = arith.index_cast %mul3A_469 : i32 to index
      %get3A_471 = arith.constant 256 : index
      %get3A_472 = vector.load %arg23[%get3A_470, %get3A_471] : memref<2048x512xbf16, #tpu.memory_space<vmem>>, vector<512x128xbf16>
      %mul3A_473 = arith.constant 512 : i32
      %mul3A_474 = arith.muli %while3A_430, %mul3A_473 : i32
      %get3A_475 = arith.index_cast %mul3A_474 : i32 to index
      %get3A_476 = arith.constant 192 : index
      %get3A_477 = vector.load %arg22[%get3A_475, %get3A_476] : memref<2048x256xbf16, #tpu.memory_space<vmem>>, vector<512x64xbf16>
      %mul3A_478 = arith.constant 512 : i32
      %mul3A_479 = arith.muli %while3A_430, %mul3A_478 : i32
      %get3A_480 = arith.index_cast %mul3A_479 : i32 to index
      %get3A_481 = arith.constant 384 : index
      %get3A_482 = vector.load %arg23[%get3A_480, %get3A_481] : memref<2048x512xbf16, #tpu.memory_space<vmem>>, vector<512x128xbf16>
      %dot_general3A_483 = arith.constant dense<0.000000e+00> : vector<512x512xf32>
      %dot_general3A_484 = tpu.matmul %slice3A_111, %get3A_447, %dot_general3A_483 {dimension_numbers = #tpu.dot_dimension_numbers<[1], [1], [0], [0], [0, 0, 1, 0], [], []>, transpose_lhs_hint = false} : vector<512x64xbf16>, vector<512x64xbf16>, vector<512x512xf32> -> vector<512x512xf32>
      %exp3A_485 = math.exp %dot_general3A_484 : vector<512x512xf32>
      %convert_element_type3A_486 = arith.truncf %exp3A_485 : vector<512x512xf32> to vector<512x512xbf16>
      %dot_general3A_487 = arith.constant dense<0.000000e+00> : vector<512x128xf32>
      %dot_general3A_488 = tpu.matmul %convert_element_type3A_486, %get3A_452, %dot_general3A_487 {dimension_numbers = #tpu.dot_dimension_numbers<[1], [0], [0], [1], [0, 0, 1, 1], [], []>, transpose_lhs_hint = false} : vector<512x512xbf16>, vector<512x128xbf16>, vector<512x128xf32> -> vector<512x128xf32>
      %add3A_489 = arith.addf %while3A_431, %dot_general3A_488 : vector<512x128xf32>
      %dot_general3A_490 = arith.constant dense<0.000000e+00> : vector<512x512xf32>
      %dot_general3A_491 = tpu.matmul %slice3A_112, %get3A_447, %dot_general3A_490 {dimension_numbers = #tpu.dot_dimension_numbers<[1], [1], [0], [0], [0, 0, 1, 0], [], []>, transpose_lhs_hint = false} : vector<512x64xbf16>, vector<512x64xbf16>, vector<512x512xf32> -> vector<512x512xf32>
      %exp3A_492 = math.exp %dot_general3A_491 : vector<512x512xf32>
      %convert_element_type3A_493 = arith.truncf %exp3A_492 : vector<512x512xf32> to vector<512x512xbf16>
      %dot_general3A_494 = arith.constant dense<0.000000e+00> : vector<512x128xf32>
      %dot_general3A_495 = tpu.matmul %convert_element_type3A_493, %get3A_452, %dot_general3A_494 {dimension_numbers = #tpu.dot_dimension_numbers<[1], [0], [0], [1], [0, 0, 1, 1], [], []>, transpose_lhs_hint = false} : vector<512x512xbf16>, vector<512x128xbf16>, vector<512x128xf32> -> vector<512x128xf32>
      %add3A_496 = arith.addf %while3A_432, %dot_general3A_495 : vector<512x128xf32>
      %dot_general3A_497 = arith.constant dense<0.000000e+00> : vector<512x512xf32>
      %dot_general3A_498 = tpu.matmul %slice3A_113, %get3A_447, %dot_general3A_497 {dimension_numbers = #tpu.dot_dimension_numbers<[1], [1], [0], [0], [0, 0, 1, 0], [], []>, transpose_lhs_hint = false} : vector<512x64xbf16>, vector<512x64xbf16>, vector<512x512xf32> -> vector<512x512xf32>
      %exp3A_499 = math.exp %dot_general3A_498 : vector<512x512xf32>
      %convert_element_type3A_500 = arith.truncf %exp3A_499 : vector<512x512xf32> to vector<512x512xbf16>
      %dot_general3A_501 = arith.constant dense<0.000000e+00> : vector<512x128xf32>
      %dot_general3A_502 = tpu.matmul %convert_element_type3A_500, %get3A_452, %dot_general3A_501 {dimension_numbers = #tpu.dot_dimension_numbers<[1], [0], [0], [1], [0, 0, 1, 1], [], []>, transpose_lhs_hint = false} : vector<512x512xbf16>, vector<512x128xbf16>, vector<512x128xf32> -> vector<512x128xf32>
      %add3A_503 = arith.addf %while3A_433, %dot_general3A_502 : vector<512x128xf32>
      %dot_general3A_504 = arith.constant dense<0.000000e+00> : vector<512x512xf32>
      %dot_general3A_505 = tpu.matmul %slice3A_114, %get3A_457, %dot_general3A_504 {dimension_numbers = #tpu.dot_dimension_numbers<[1], [1], [0], [0], [0, 0, 1, 0], [], []>, transpose_lhs_hint = false} : vector<512x64xbf16>, vector<512x64xbf16>, vector<512x512xf32> -> vector<512x512xf32>
      %exp3A_506 = math.exp %dot_general3A_505 : vector<512x512xf32>
      %convert_element_type3A_507 = arith.truncf %exp3A_506 : vector<512x512xf32> to vector<512x512xbf16>
      %dot_general3A_508 = arith.constant dense<0.000000e+00> : vector<512x128xf32>
      %dot_general3A_509 = tpu.matmul %convert_element_type3A_507, %get3A_462, %dot_general3A_508 {dimension_numbers = #tpu.dot_dimension_numbers<[1], [0], [0], [1], [0, 0, 1, 1], [], []>, transpose_lhs_hint = false} : vector<512x512xbf16>, vector<512x128xbf16>, vector<512x128xf32> -> vector<512x128xf32>
      %add3A_510 = arith.addf %while3A_434, %dot_general3A_509 : vector<512x128xf32>
      %dot_general3A_511 = arith.constant dense<0.000000e+00> : vector<512x512xf32>
      %dot_general3A_512 = tpu.matmul %slice3A_115, %get3A_457, %dot_general3A_511 {dimension_numbers = #tpu.dot_dimension_numbers<[1], [1], [0], [0], [0, 0, 1, 0], [], []>, transpose_lhs_hint = false} : vector<512x64xbf16>, vector<512x64xbf16>, vector<512x512xf32> -> vector<512x512xf32>
      %exp3A_513 = math.exp %dot_general3A_512 : vector<512x512xf32>
      %convert_element_type3A_514 = arith.truncf %exp3A_513 : vector<512x512xf32> to vector<512x512xbf16>
      %dot_general3A_515 = arith.constant dense<0.000000e+00> : vector<512x128xf32>
      %dot_general3A_516 = tpu.matmul %convert_element_type3A_514, %get3A_462, %dot_general3A_515 {dimension_numbers = #tpu.dot_dimension_numbers<[1], [0], [0], [1], [0, 0, 1, 1], [], []>, transpose_lhs_hint = false} : vector<512x512xbf16>, vector<512x128xbf16>, vector<512x128xf32> -> vector<512x128xf32>
      %add3A_517 = arith.addf %while3A_435, %dot_general3A_516 : vector<512x128xf32>
      %dot_general3A_518 = arith.constant dense<0.000000e+00> : vector<512x512xf32>
      %dot_general3A_519 = tpu.matmul %slice3A_116, %get3A_457, %dot_general3A_518 {dimension_numbers = #tpu.dot_dimension_numbers<[1], [1], [0], [0], [0, 0, 1, 0], [], []>, transpose_lhs_hint = false} : vector<512x64xbf16>, vector<512x64xbf16>, vector<512x512xf32> -> vector<512x512xf32>
      %exp3A_520 = math.exp %dot_general3A_519 : vector<512x512xf32>
      %convert_element_type3A_521 = arith.truncf %exp3A_520 : vector<512x512xf32> to vector<512x512xbf16>
      %dot_general3A_522 = arith.constant dense<0.000000e+00> : vector<512x128xf32>
      %dot_general3A_523 = tpu.matmul %convert_element_type3A_521, %get3A_462, %dot_general3A_522 {dimension_numbers = #tpu.dot_dimension_numbers<[1], [0], [0], [1], [0, 0, 1, 1], [], []>, transpose_lhs_hint = false} : vector<512x512xbf16>, vector<512x128xbf16>, vector<512x128xf32> -> vector<512x128xf32>
      %add3A_524 = arith.addf %while3A_436, %dot_general3A_523 : vector<512x128xf32>
      %dot_general3A_525 = arith.constant dense<0.000000e+00> : vector<512x512xf32>
      %dot_general3A_526 = tpu.matmul %slice3A_117, %get3A_467, %dot_general3A_525 {dimension_numbers = #tpu.dot_dimension_numbers<[1], [1], [0], [0], [0, 0, 1, 0], [], []>, transpose_lhs_hint = false} : vector<512x64xbf16>, vector<512x64xbf16>, vector<512x512xf32> -> vector<512x512xf32>
      %exp3A_527 = math.exp %dot_general3A_526 : vector<512x512xf32>
      %convert_element_type3A_528 = arith.truncf %exp3A_527 : vector<512x512xf32> to vector<512x512xbf16>
      %dot_general3A_529 = arith.constant dense<0.000000e+00> : vector<512x128xf32>
      %dot_general3A_530 = tpu.matmul %convert_element_type3A_528, %get3A_472, %dot_general3A_529 {dimension_numbers = #tpu.dot_dimension_numbers<[1], [0], [0], [1], [0, 0, 1, 1], [], []>, transpose_lhs_hint = false} : vector<512x512xbf16>, vector<512x128xbf16>, vector<512x128xf32> -> vector<512x128xf32>
      %add3A_531 = arith.addf %while3A_437, %dot_general3A_530 : vector<512x128xf32>
      %dot_general3A_532 = arith.constant dense<0.000000e+00> : vector<512x512xf32>
      %dot_general3A_533 = tpu.matmul %slice3A_118, %get3A_467, %dot_general3A_532 {dimension_numbers = #tpu.dot_dimension_numbers<[1], [1], [0], [0], [0, 0, 1, 0], [], []>, transpose_lhs_hint = false} : vector<512x64xbf16>, vector<512x64xbf16>, vector<512x512xf32> -> vector<512x512xf32>
      %exp3A_534 = math.exp %dot_general3A_533 : vector<512x512xf32>
      %convert_element_type3A_535 = arith.truncf %exp3A_534 : vector<512x512xf32> to vector<512x512xbf16>
      %dot_general3A_536 = arith.constant dense<0.000000e+00> : vector<512x128xf32>
      %dot_general3A_537 = tpu.matmul %convert_element_type3A_535, %get3A_472, %dot_general3A_536 {dimension_numbers = #tpu.dot_dimension_numbers<[1], [0], [0], [1], [0, 0, 1, 1], [], []>, transpose_lhs_hint = false} : vector<512x512xbf16>, vector<512x128xbf16>, vector<512x128xf32> -> vector<512x128xf32>
      %add3A_538 = arith.addf %while3A_438, %dot_general3A_537 : vector<512x128xf32>
      %dot_general3A_539 = arith.constant dense<0.000000e+00> : vector<512x512xf32>
      %dot_general3A_540 = tpu.matmul %slice3A_119, %get3A_467, %dot_general3A_539 {dimension_numbers = #tpu.dot_dimension_numbers<[1], [1], [0], [0], [0, 0, 1, 0], [], []>, transpose_lhs_hint = false} : vector<512x64xbf16>, vector<512x64xbf16>, vector<512x512xf32> -> vector<512x512xf32>
      %exp3A_541 = math.exp %dot_general3A_540 : vector<512x512xf32>
      %convert_element_type3A_542 = arith.truncf %exp3A_541 : vector<512x512xf32> to vector<512x512xbf16>
      %dot_general3A_543 = arith.constant dense<0.000000e+00> : vector<512x128xf32>
      %dot_general3A_544 = tpu.matmul %convert_element_type3A_542, %get3A_472, %dot_general3A_543 {dimension_numbers = #tpu.dot_dimension_numbers<[1], [0], [0], [1], [0, 0, 1, 1], [], []>, transpose_lhs_hint = false} : vector<512x512xbf16>, vector<512x128xbf16>, vector<512x128xf32> -> vector<512x128xf32>
      %add3A_545 = arith.addf %while3A_439, %dot_general3A_544 : vector<512x128xf32>
      %dot_general3A_546 = arith.constant dense<0.000000e+00> : vector<512x512xf32>
      %dot_general3A_547 = tpu.matmul %slice3A_120, %get3A_477, %dot_general3A_546 {dimension_numbers = #tpu.dot_dimension_numbers<[1], [1], [0], [0], [0, 0, 1, 0], [], []>, transpose_lhs_hint = false} : vector<512x64xbf16>, vector<512x64xbf16>, vector<512x512xf32> -> vector<512x512xf32>
      %exp3A_548 = math.exp %dot_general3A_547 : vector<512x512xf32>
      %convert_element_type3A_549 = arith.truncf %exp3A_548 : vector<512x512xf32> to vector<512x512xbf16>
      %dot_general3A_550 = arith.constant dense<0.000000e+00> : vector<512x128xf32>
      %dot_general3A_551 = tpu.matmul %convert_element_type3A_549, %get3A_482, %dot_general3A_550 {dimension_numbers = #tpu.dot_dimension_numbers<[1], [0], [0], [1], [0, 0, 1, 1], [], []>, transpose_lhs_hint = false} : vector<512x512xbf16>, vector<512x128xbf16>, vector<512x128xf32> -> vector<512x128xf32>
      %add3A_552 = arith.addf %while3A_440, %dot_general3A_551 : vector<512x128xf32>
      %dot_general3A_553 = arith.constant dense<0.000000e+00> : vector<512x512xf32>
      %dot_general3A_554 = tpu.matmul %slice3A_121, %get3A_477, %dot_general3A_553 {dimension_numbers = #tpu.dot_dimension_numbers<[1], [1], [0], [0], [0, 0, 1, 0], [], []>, transpose_lhs_hint = false} : vector<512x64xbf16>, vector<512x64xbf16>, vector<512x512xf32> -> vector<512x512xf32>
      %exp3A_555 = math.exp %dot_general3A_554 : vector<512x512xf32>
      %convert_element_type3A_556 = arith.truncf %exp3A_555 : vector<512x512xf32> to vector<512x512xbf16>
      %dot_general3A_557 = arith.constant dense<0.000000e+00> : vector<512x128xf32>
      %dot_general3A_558 = tpu.matmul %convert_element_type3A_556, %get3A_482, %dot_general3A_557 {dimension_numbers = #tpu.dot_dimension_numbers<[1], [0], [0], [1], [0, 0, 1, 1], [], []>, transpose_lhs_hint = false} : vector<512x512xbf16>, vector<512x128xbf16>, vector<512x128xf32> -> vector<512x128xf32>
      %add3A_559 = arith.addf %while3A_441, %dot_general3A_558 : vector<512x128xf32>
      %dot_general3A_560 = arith.constant dense<0.000000e+00> : vector<512x512xf32>
      %dot_general3A_561 = tpu.matmul %slice3A_122, %get3A_477, %dot_general3A_560 {dimension_numbers = #tpu.dot_dimension_numbers<[1], [1], [0], [0], [0, 0, 1, 0], [], []>, transpose_lhs_hint = false} : vector<512x64xbf16>, vector<512x64xbf16>, vector<512x512xf32> -> vector<512x512xf32>
      %exp3A_562 = math.exp %dot_general3A_561 : vector<512x512xf32>
      %convert_element_type3A_563 = arith.truncf %exp3A_562 : vector<512x512xf32> to vector<512x512xbf16>
      %dot_general3A_564 = arith.constant dense<0.000000e+00> : vector<512x128xf32>
      %dot_general3A_565 = tpu.matmul %convert_element_type3A_563, %get3A_482, %dot_general3A_564 {dimension_numbers = #tpu.dot_dimension_numbers<[1], [0], [0], [1], [0, 0, 1, 1], [], []>, transpose_lhs_hint = false} : vector<512x512xbf16>, vector<512x128xbf16>, vector<512x128xf32> -> vector<512x128xf32>
      %add3A_566 = arith.addf %while3A_442, %dot_general3A_565 : vector<512x128xf32>
      scf.yield %add3A_489, %add3A_496, %add3A_503, %add3A_510, %add3A_517, %add3A_524, %add3A_531, %add3A_538, %add3A_545, %add3A_552, %add3A_559, %add3A_566 : vector<512x128xf32>, vector<512x128xf32>, vector<512x128xf32>, vector<512x128xf32>, vector<512x128xf32>, vector<512x128xf32>, vector<512x128xf32>, vector<512x128xf32>, vector<512x128xf32>, vector<512x128xf32>, vector<512x128xf32>, vector<512x128xf32>
    }
    %slice3A_135 = vector.extract_strided_slice %convert_element_type3A_60 {offsets = [0, 0], sizes = [512, 64], strides = [1, 1]} : vector<512x256xbf16> to vector<512x64xbf16>
    %slice3A_136 = vector.extract_strided_slice %convert_element_type3A_61 {offsets = [0, 0], sizes = [512, 64], strides = [1, 1]} : vector<512x256xbf16> to vector<512x64xbf16>
    %concatenate3A_137 = tpu.concatenate %slice3A_136, %broadcast_in_dim3A_67 in 1 : vector<512x64xbf16>, vector<512x64xbf16> -> vector<512x128xbf16>
    %slice3A_138 = vector.extract_strided_slice %convert_element_type3A_60 {offsets = [0, 64], sizes = [512, 64], strides = [1, 1]} : vector<512x256xbf16> to vector<512x64xbf16>
    %slice3A_139 = vector.extract_strided_slice %convert_element_type3A_61 {offsets = [0, 64], sizes = [512, 64], strides = [1, 1]} : vector<512x256xbf16> to vector<512x64xbf16>
    %concatenate3A_140 = tpu.concatenate %slice3A_139, %broadcast_in_dim3A_67 in 1 : vector<512x64xbf16>, vector<512x64xbf16> -> vector<512x128xbf16>
    %slice3A_141 = vector.extract_strided_slice %convert_element_type3A_60 {offsets = [0, 128], sizes = [512, 64], strides = [1, 1]} : vector<512x256xbf16> to vector<512x64xbf16>
    %slice3A_142 = vector.extract_strided_slice %convert_element_type3A_61 {offsets = [0, 128], sizes = [512, 64], strides = [1, 1]} : vector<512x256xbf16> to vector<512x64xbf16>
    %concatenate3A_143 = tpu.concatenate %slice3A_142, %broadcast_in_dim3A_67 in 1 : vector<512x64xbf16>, vector<512x64xbf16> -> vector<512x128xbf16>
    %slice3A_144 = vector.extract_strided_slice %convert_element_type3A_60 {offsets = [0, 192], sizes = [512, 64], strides = [1, 1]} : vector<512x256xbf16> to vector<512x64xbf16>
    %slice3A_145 = vector.extract_strided_slice %convert_element_type3A_61 {offsets = [0, 192], sizes = [512, 64], strides = [1, 1]} : vector<512x256xbf16> to vector<512x64xbf16>
    %concatenate3A_146 = tpu.concatenate %slice3A_145, %broadcast_in_dim3A_67 in 1 : vector<512x64xbf16>, vector<512x64xbf16> -> vector<512x128xbf16>
    %dot_general3A_147 = arith.constant dense<0.000000e+00> : vector<512x512xf32>
    %dot_general3A_148 = tpu.matmul %slice3A_111, %slice3A_135, %dot_general3A_147 {dimension_numbers = #tpu.dot_dimension_numbers<[1], [1], [0], [0], [0, 0, 1, 0], [], []>, transpose_lhs_hint = false} : vector<512x64xbf16>, vector<512x64xbf16>, vector<512x512xf32> -> vector<512x512xf32>
    %exp3A = math.exp %dot_general3A_148 : vector<512x512xf32>
    %iota3A = tpu.iota {dimensions = array<i32: 0>} : vector<512x512xi32>
    %iota3A_149 = tpu.iota {dimensions = array<i32: 1>} : vector<512x512xi32>
    %ge3A = arith.cmpi sge, %iota3A, %iota3A_149 : vector<512x512xi32>
    %jit3A = arith.constant 0.000000e+00 : f32
    %broadcast_in_dim3A_150 = vector.broadcast %jit3A : f32 to vector<512x512xf32>
    %select_n3A = arith.select %ge3A, %exp3A, %broadcast_in_dim3A_150 : vector<512x512xi1>, vector<512x512xf32>
    %convert_element_type3A_151 = arith.truncf %select_n3A : vector<512x512xf32> to vector<512x512xbf16>
    %dot_general3A_152 = arith.constant dense<0.000000e+00> : vector<512x128xf32>
    %dot_general3A_153 = tpu.matmul %convert_element_type3A_151, %concatenate3A_137, %dot_general3A_152 {dimension_numbers = #tpu.dot_dimension_numbers<[1], [0], [0], [1], [0, 0, 1, 1], [], []>, transpose_lhs_hint = false} : vector<512x512xbf16>, vector<512x128xbf16>, vector<512x128xf32> -> vector<512x128xf32>
    %add3A_154 = arith.addf %while3A_134#0, %dot_general3A_153 : vector<512x128xf32>
    %dot_general3A_155 = arith.constant dense<0.000000e+00> : vector<512x512xf32>
    %dot_general3A_156 = tpu.matmul %slice3A_112, %slice3A_135, %dot_general3A_155 {dimension_numbers = #tpu.dot_dimension_numbers<[1], [1], [0], [0], [0, 0, 1, 0], [], []>, transpose_lhs_hint = false} : vector<512x64xbf16>, vector<512x64xbf16>, vector<512x512xf32> -> vector<512x512xf32>
    %exp3A_157 = math.exp %dot_general3A_156 : vector<512x512xf32>
    %iota3A_158 = tpu.iota {dimensions = array<i32: 0>} : vector<512x512xi32>
    %iota3A_159 = tpu.iota {dimensions = array<i32: 1>} : vector<512x512xi32>
    %ge3A_160 = arith.cmpi sge, %iota3A_158, %iota3A_159 : vector<512x512xi32>
    %jit3A_161 = arith.constant 0.000000e+00 : f32
    %broadcast_in_dim3A_162 = vector.broadcast %jit3A_161 : f32 to vector<512x512xf32>
    %select_n3A_163 = arith.select %ge3A_160, %exp3A_157, %broadcast_in_dim3A_162 : vector<512x512xi1>, vector<512x512xf32>
    %convert_element_type3A_164 = arith.truncf %select_n3A_163 : vector<512x512xf32> to vector<512x512xbf16>
    %dot_general3A_165 = arith.constant dense<0.000000e+00> : vector<512x128xf32>
    %dot_general3A_166 = tpu.matmul %convert_element_type3A_164, %concatenate3A_137, %dot_general3A_165 {dimension_numbers = #tpu.dot_dimension_numbers<[1], [0], [0], [1], [0, 0, 1, 1], [], []>, transpose_lhs_hint = false} : vector<512x512xbf16>, vector<512x128xbf16>, vector<512x128xf32> -> vector<512x128xf32>
    %add3A_167 = arith.addf %while3A_134#1, %dot_general3A_166 : vector<512x128xf32>
    %dot_general3A_168 = arith.constant dense<0.000000e+00> : vector<512x512xf32>
    %dot_general3A_169 = tpu.matmul %slice3A_113, %slice3A_135, %dot_general3A_168 {dimension_numbers = #tpu.dot_dimension_numbers<[1], [1], [0], [0], [0, 0, 1, 0], [], []>, transpose_lhs_hint = false} : vector<512x64xbf16>, vector<512x64xbf16>, vector<512x512xf32> -> vector<512x512xf32>
    %exp3A_170 = math.exp %dot_general3A_169 : vector<512x512xf32>
    %iota3A_171 = tpu.iota {dimensions = array<i32: 0>} : vector<512x512xi32>
    %iota3A_172 = tpu.iota {dimensions = array<i32: 1>} : vector<512x512xi32>
    %ge3A_173 = arith.cmpi sge, %iota3A_171, %iota3A_172 : vector<512x512xi32>
    %jit3A_174 = arith.constant 0.000000e+00 : f32
    %broadcast_in_dim3A_175 = vector.broadcast %jit3A_174 : f32 to vector<512x512xf32>
    %select_n3A_176 = arith.select %ge3A_173, %exp3A_170, %broadcast_in_dim3A_175 : vector<512x512xi1>, vector<512x512xf32>
    %convert_element_type3A_177 = arith.truncf %select_n3A_176 : vector<512x512xf32> to vector<512x512xbf16>
    %dot_general3A_178 = arith.constant dense<0.000000e+00> : vector<512x128xf32>
    %dot_general3A_179 = tpu.matmul %convert_element_type3A_177, %concatenate3A_137, %dot_general3A_178 {dimension_numbers = #tpu.dot_dimension_numbers<[1], [0], [0], [1], [0, 0, 1, 1], [], []>, transpose_lhs_hint = false} : vector<512x512xbf16>, vector<512x128xbf16>, vector<512x128xf32> -> vector<512x128xf32>
    %add3A_180 = arith.addf %while3A_134#2, %dot_general3A_179 : vector<512x128xf32>
    %dot_general3A_181 = arith.constant dense<0.000000e+00> : vector<512x512xf32>
    %dot_general3A_182 = tpu.matmul %slice3A_114, %slice3A_138, %dot_general3A_181 {dimension_numbers = #tpu.dot_dimension_numbers<[1], [1], [0], [0], [0, 0, 1, 0], [], []>, transpose_lhs_hint = false} : vector<512x64xbf16>, vector<512x64xbf16>, vector<512x512xf32> -> vector<512x512xf32>
    %exp3A_183 = math.exp %dot_general3A_182 : vector<512x512xf32>
    %iota3A_184 = tpu.iota {dimensions = array<i32: 0>} : vector<512x512xi32>
    %iota3A_185 = tpu.iota {dimensions = array<i32: 1>} : vector<512x512xi32>
    %ge3A_186 = arith.cmpi sge, %iota3A_184, %iota3A_185 : vector<512x512xi32>
    %jit3A_187 = arith.constant 0.000000e+00 : f32
    %broadcast_in_dim3A_188 = vector.broadcast %jit3A_187 : f32 to vector<512x512xf32>
    %select_n3A_189 = arith.select %ge3A_186, %exp3A_183, %broadcast_in_dim3A_188 : vector<512x512xi1>, vector<512x512xf32>
    %convert_element_type3A_190 = arith.truncf %select_n3A_189 : vector<512x512xf32> to vector<512x512xbf16>
    %dot_general3A_191 = arith.constant dense<0.000000e+00> : vector<512x128xf32>
    %dot_general3A_192 = tpu.matmul %convert_element_type3A_190, %concatenate3A_140, %dot_general3A_191 {dimension_numbers = #tpu.dot_dimension_numbers<[1], [0], [0], [1], [0, 0, 1, 1], [], []>, transpose_lhs_hint = false} : vector<512x512xbf16>, vector<512x128xbf16>, vector<512x128xf32> -> vector<512x128xf32>
    %add3A_193 = arith.addf %while3A_134#3, %dot_general3A_192 : vector<512x128xf32>
    %dot_general3A_194 = arith.constant dense<0.000000e+00> : vector<512x512xf32>
    %dot_general3A_195 = tpu.matmul %slice3A_115, %slice3A_138, %dot_general3A_194 {dimension_numbers = #tpu.dot_dimension_numbers<[1], [1], [0], [0], [0, 0, 1, 0], [], []>, transpose_lhs_hint = false} : vector<512x64xbf16>, vector<512x64xbf16>, vector<512x512xf32> -> vector<512x512xf32>
    %exp3A_196 = math.exp %dot_general3A_195 : vector<512x512xf32>
    %iota3A_197 = tpu.iota {dimensions = array<i32: 0>} : vector<512x512xi32>
    %iota3A_198 = tpu.iota {dimensions = array<i32: 1>} : vector<512x512xi32>
    %ge3A_199 = arith.cmpi sge, %iota3A_197, %iota3A_198 : vector<512x512xi32>
    %jit3A_200 = arith.constant 0.000000e+00 : f32
    %broadcast_in_dim3A_201 = vector.broadcast %jit3A_200 : f32 to vector<512x512xf32>
    %select_n3A_202 = arith.select %ge3A_199, %exp3A_196, %broadcast_in_dim3A_201 : vector<512x512xi1>, vector<512x512xf32>
    %convert_element_type3A_203 = arith.truncf %select_n3A_202 : vector<512x512xf32> to vector<512x512xbf16>
    %dot_general3A_204 = arith.constant dense<0.000000e+00> : vector<512x128xf32>
    %dot_general3A_205 = tpu.matmul %convert_element_type3A_203, %concatenate3A_140, %dot_general3A_204 {dimension_numbers = #tpu.dot_dimension_numbers<[1], [0], [0], [1], [0, 0, 1, 1], [], []>, transpose_lhs_hint = false} : vector<512x512xbf16>, vector<512x128xbf16>, vector<512x128xf32> -> vector<512x128xf32>
    %add3A_206 = arith.addf %while3A_134#4, %dot_general3A_205 : vector<512x128xf32>
    %dot_general3A_207 = arith.constant dense<0.000000e+00> : vector<512x512xf32>
    %dot_general3A_208 = tpu.matmul %slice3A_116, %slice3A_138, %dot_general3A_207 {dimension_numbers = #tpu.dot_dimension_numbers<[1], [1], [0], [0], [0, 0, 1, 0], [], []>, transpose_lhs_hint = false} : vector<512x64xbf16>, vector<512x64xbf16>, vector<512x512xf32> -> vector<512x512xf32>
    %exp3A_209 = math.exp %dot_general3A_208 : vector<512x512xf32>
    %iota3A_210 = tpu.iota {dimensions = array<i32: 0>} : vector<512x512xi32>
    %iota3A_211 = tpu.iota {dimensions = array<i32: 1>} : vector<512x512xi32>
    %ge3A_212 = arith.cmpi sge, %iota3A_210, %iota3A_211 : vector<512x512xi32>
    %jit3A_213 = arith.constant 0.000000e+00 : f32
    %broadcast_in_dim3A_214 = vector.broadcast %jit3A_213 : f32 to vector<512x512xf32>
    %select_n3A_215 = arith.select %ge3A_212, %exp3A_209, %broadcast_in_dim3A_214 : vector<512x512xi1>, vector<512x512xf32>
    %convert_element_type3A_216 = arith.truncf %select_n3A_215 : vector<512x512xf32> to vector<512x512xbf16>
    %dot_general3A_217 = arith.constant dense<0.000000e+00> : vector<512x128xf32>
    %dot_general3A_218 = tpu.matmul %convert_element_type3A_216, %concatenate3A_140, %dot_general3A_217 {dimension_numbers = #tpu.dot_dimension_numbers<[1], [0], [0], [1], [0, 0, 1, 1], [], []>, transpose_lhs_hint = false} : vector<512x512xbf16>, vector<512x128xbf16>, vector<512x128xf32> -> vector<512x128xf32>
    %add3A_219 = arith.addf %while3A_134#5, %dot_general3A_218 : vector<512x128xf32>
    %dot_general3A_220 = arith.constant dense<0.000000e+00> : vector<512x512xf32>
    %dot_general3A_221 = tpu.matmul %slice3A_117, %slice3A_141, %dot_general3A_220 {dimension_numbers = #tpu.dot_dimension_numbers<[1], [1], [0], [0], [0, 0, 1, 0], [], []>, transpose_lhs_hint = false} : vector<512x64xbf16>, vector<512x64xbf16>, vector<512x512xf32> -> vector<512x512xf32>
    %exp3A_222 = math.exp %dot_general3A_221 : vector<512x512xf32>
    %iota3A_223 = tpu.iota {dimensions = array<i32: 0>} : vector<512x512xi32>
    %iota3A_224 = tpu.iota {dimensions = array<i32: 1>} : vector<512x512xi32>
    %ge3A_225 = arith.cmpi sge, %iota3A_223, %iota3A_224 : vector<512x512xi32>
    %jit3A_226 = arith.constant 0.000000e+00 : f32
    %broadcast_in_dim3A_227 = vector.broadcast %jit3A_226 : f32 to vector<512x512xf32>
    %select_n3A_228 = arith.select %ge3A_225, %exp3A_222, %broadcast_in_dim3A_227 : vector<512x512xi1>, vector<512x512xf32>
    %convert_element_type3A_229 = arith.truncf %select_n3A_228 : vector<512x512xf32> to vector<512x512xbf16>
    %dot_general3A_230 = arith.constant dense<0.000000e+00> : vector<512x128xf32>
    %dot_general3A_231 = tpu.matmul %convert_element_type3A_229, %concatenate3A_143, %dot_general3A_230 {dimension_numbers = #tpu.dot_dimension_numbers<[1], [0], [0], [1], [0, 0, 1, 1], [], []>, transpose_lhs_hint = false} : vector<512x512xbf16>, vector<512x128xbf16>, vector<512x128xf32> -> vector<512x128xf32>
    %add3A_232 = arith.addf %while3A_134#6, %dot_general3A_231 : vector<512x128xf32>
    %dot_general3A_233 = arith.constant dense<0.000000e+00> : vector<512x512xf32>
    %dot_general3A_234 = tpu.matmul %slice3A_118, %slice3A_141, %dot_general3A_233 {dimension_numbers = #tpu.dot_dimension_numbers<[1], [1], [0], [0], [0, 0, 1, 0], [], []>, transpose_lhs_hint = false} : vector<512x64xbf16>, vector<512x64xbf16>, vector<512x512xf32> -> vector<512x512xf32>
    %exp3A_235 = math.exp %dot_general3A_234 : vector<512x512xf32>
    %iota3A_236 = tpu.iota {dimensions = array<i32: 0>} : vector<512x512xi32>
    %iota3A_237 = tpu.iota {dimensions = array<i32: 1>} : vector<512x512xi32>
    %ge3A_238 = arith.cmpi sge, %iota3A_236, %iota3A_237 : vector<512x512xi32>
    %jit3A_239 = arith.constant 0.000000e+00 : f32
    %broadcast_in_dim3A_240 = vector.broadcast %jit3A_239 : f32 to vector<512x512xf32>
    %select_n3A_241 = arith.select %ge3A_238, %exp3A_235, %broadcast_in_dim3A_240 : vector<512x512xi1>, vector<512x512xf32>
    %convert_element_type3A_242 = arith.truncf %select_n3A_241 : vector<512x512xf32> to vector<512x512xbf16>
    %dot_general3A_243 = arith.constant dense<0.000000e+00> : vector<512x128xf32>
    %dot_general3A_244 = tpu.matmul %convert_element_type3A_242, %concatenate3A_143, %dot_general3A_243 {dimension_numbers = #tpu.dot_dimension_numbers<[1], [0], [0], [1], [0, 0, 1, 1], [], []>, transpose_lhs_hint = false} : vector<512x512xbf16>, vector<512x128xbf16>, vector<512x128xf32> -> vector<512x128xf32>
    %add3A_245 = arith.addf %while3A_134#7, %dot_general3A_244 : vector<512x128xf32>
    %dot_general3A_246 = arith.constant dense<0.000000e+00> : vector<512x512xf32>
    %dot_general3A_247 = tpu.matmul %slice3A_119, %slice3A_141, %dot_general3A_246 {dimension_numbers = #tpu.dot_dimension_numbers<[1], [1], [0], [0], [0, 0, 1, 0], [], []>, transpose_lhs_hint = false} : vector<512x64xbf16>, vector<512x64xbf16>, vector<512x512xf32> -> vector<512x512xf32>
    %exp3A_248 = math.exp %dot_general3A_247 : vector<512x512xf32>
    %iota3A_249 = tpu.iota {dimensions = array<i32: 0>} : vector<512x512xi32>
    %iota3A_250 = tpu.iota {dimensions = array<i32: 1>} : vector<512x512xi32>
    %ge3A_251 = arith.cmpi sge, %iota3A_249, %iota3A_250 : vector<512x512xi32>
    %jit3A_252 = arith.constant 0.000000e+00 : f32
    %broadcast_in_dim3A_253 = vector.broadcast %jit3A_252 : f32 to vector<512x512xf32>
    %select_n3A_254 = arith.select %ge3A_251, %exp3A_248, %broadcast_in_dim3A_253 : vector<512x512xi1>, vector<512x512xf32>
    %convert_element_type3A_255 = arith.truncf %select_n3A_254 : vector<512x512xf32> to vector<512x512xbf16>
    %dot_general3A_256 = arith.constant dense<0.000000e+00> : vector<512x128xf32>
    %dot_general3A_257 = tpu.matmul %convert_element_type3A_255, %concatenate3A_143, %dot_general3A_256 {dimension_numbers = #tpu.dot_dimension_numbers<[1], [0], [0], [1], [0, 0, 1, 1], [], []>, transpose_lhs_hint = false} : vector<512x512xbf16>, vector<512x128xbf16>, vector<512x128xf32> -> vector<512x128xf32>
    %add3A_258 = arith.addf %while3A_134#8, %dot_general3A_257 : vector<512x128xf32>
    %dot_general3A_259 = arith.constant dense<0.000000e+00> : vector<512x512xf32>
    %dot_general3A_260 = tpu.matmul %slice3A_120, %slice3A_144, %dot_general3A_259 {dimension_numbers = #tpu.dot_dimension_numbers<[1], [1], [0], [0], [0, 0, 1, 0], [], []>, transpose_lhs_hint = false} : vector<512x64xbf16>, vector<512x64xbf16>, vector<512x512xf32> -> vector<512x512xf32>
    %exp3A_261 = math.exp %dot_general3A_260 : vector<512x512xf32>
    %iota3A_262 = tpu.iota {dimensions = array<i32: 0>} : vector<512x512xi32>
    %iota3A_263 = tpu.iota {dimensions = array<i32: 1>} : vector<512x512xi32>
    %ge3A_264 = arith.cmpi sge, %iota3A_262, %iota3A_263 : vector<512x512xi32>
    %jit3A_265 = arith.constant 0.000000e+00 : f32
    %broadcast_in_dim3A_266 = vector.broadcast %jit3A_265 : f32 to vector<512x512xf32>
    %select_n3A_267 = arith.select %ge3A_264, %exp3A_261, %broadcast_in_dim3A_266 : vector<512x512xi1>, vector<512x512xf32>
    %convert_element_type3A_268 = arith.truncf %select_n3A_267 : vector<512x512xf32> to vector<512x512xbf16>
    %dot_general3A_269 = arith.constant dense<0.000000e+00> : vector<512x128xf32>
    %dot_general3A_270 = tpu.matmul %convert_element_type3A_268, %concatenate3A_146, %dot_general3A_269 {dimension_numbers = #tpu.dot_dimension_numbers<[1], [0], [0], [1], [0, 0, 1, 1], [], []>, transpose_lhs_hint = false} : vector<512x512xbf16>, vector<512x128xbf16>, vector<512x128xf32> -> vector<512x128xf32>
    %add3A_271 = arith.addf %while3A_134#9, %dot_general3A_270 : vector<512x128xf32>
    %dot_general3A_272 = arith.constant dense<0.000000e+00> : vector<512x512xf32>
    %dot_general3A_273 = tpu.matmul %slice3A_121, %slice3A_144, %dot_general3A_272 {dimension_numbers = #tpu.dot_dimension_numbers<[1], [1], [0], [0], [0, 0, 1, 0], [], []>, transpose_lhs_hint = false} : vector<512x64xbf16>, vector<512x64xbf16>, vector<512x512xf32> -> vector<512x512xf32>
    %exp3A_274 = math.exp %dot_general3A_273 : vector<512x512xf32>
    %iota3A_275 = tpu.iota {dimensions = array<i32: 0>} : vector<512x512xi32>
    %iota3A_276 = tpu.iota {dimensions = array<i32: 1>} : vector<512x512xi32>
    %ge3A_277 = arith.cmpi sge, %iota3A_275, %iota3A_276 : vector<512x512xi32>
    %jit3A_278 = arith.constant 0.000000e+00 : f32
    %broadcast_in_dim3A_279 = vector.broadcast %jit3A_278 : f32 to vector<512x512xf32>
    %select_n3A_280 = arith.select %ge3A_277, %exp3A_274, %broadcast_in_dim3A_279 : vector<512x512xi1>, vector<512x512xf32>
    %convert_element_type3A_281 = arith.truncf %select_n3A_280 : vector<512x512xf32> to vector<512x512xbf16>
    %dot_general3A_282 = arith.constant dense<0.000000e+00> : vector<512x128xf32>
    %dot_general3A_283 = tpu.matmul %convert_element_type3A_281, %concatenate3A_146, %dot_general3A_282 {dimension_numbers = #tpu.dot_dimension_numbers<[1], [0], [0], [1], [0, 0, 1, 1], [], []>, transpose_lhs_hint = false} : vector<512x512xbf16>, vector<512x128xbf16>, vector<512x128xf32> -> vector<512x128xf32>
    %add3A_284 = arith.addf %while3A_134#10, %dot_general3A_283 : vector<512x128xf32>
    %dot_general3A_285 = arith.constant dense<0.000000e+00> : vector<512x512xf32>
    %dot_general3A_286 = tpu.matmul %slice3A_122, %slice3A_144, %dot_general3A_285 {dimension_numbers = #tpu.dot_dimension_numbers<[1], [1], [0], [0], [0, 0, 1, 0], [], []>, transpose_lhs_hint = false} : vector<512x64xbf16>, vector<512x64xbf16>, vector<512x512xf32> -> vector<512x512xf32>
    %exp3A_287 = math.exp %dot_general3A_286 : vector<512x512xf32>
    %iota3A_288 = tpu.iota {dimensions = array<i32: 0>} : vector<512x512xi32>
    %iota3A_289 = tpu.iota {dimensions = array<i32: 1>} : vector<512x512xi32>
    %ge3A_290 = arith.cmpi sge, %iota3A_288, %iota3A_289 : vector<512x512xi32>
    %jit3A_291 = arith.constant 0.000000e+00 : f32
    %broadcast_in_dim3A_292 = vector.broadcast %jit3A_291 : f32 to vector<512x512xf32>
    %select_n3A_293 = arith.select %ge3A_290, %exp3A_287, %broadcast_in_dim3A_292 : vector<512x512xi1>, vector<512x512xf32>
    %convert_element_type3A_294 = arith.truncf %select_n3A_293 : vector<512x512xf32> to vector<512x512xbf16>
    %dot_general3A_295 = arith.constant dense<0.000000e+00> : vector<512x128xf32>
    %dot_general3A_296 = tpu.matmul %convert_element_type3A_294, %concatenate3A_146, %dot_general3A_295 {dimension_numbers = #tpu.dot_dimension_numbers<[1], [0], [0], [1], [0, 0, 1, 1], [], []>, transpose_lhs_hint = false} : vector<512x512xbf16>, vector<512x128xbf16>, vector<512x128xf32> -> vector<512x128xf32>
    %add3A_297 = arith.addf %while3A_134#11, %dot_general3A_296 : vector<512x128xf32>
    %slice3A_298 = vector.extract_strided_slice %add3A_154 {offsets = [0, 0], sizes = [512, 64], strides = [1, 1]} : vector<512x128xf32> to vector<512x64xf32>
    %slice3A_299 = vector.extract_strided_slice %add3A_154 {offsets = [0, 64], sizes = [512, 1], strides = [1, 1]} : vector<512x128xf32> to vector<512x1xf32>
    %div3A_300 = vector.broadcast %slice3A_299 : vector<512x1xf32> to vector<512x64xf32>
    %div3A_301 = arith.divf %slice3A_298, %div3A_300 : vector<512x64xf32>
    %convert_element_type3A_302 = arith.truncf %div3A_301 : vector<512x64xf32> to vector<512x64xbf16>
    %slice3A_303 = vector.extract_strided_slice %add3A_167 {offsets = [0, 0], sizes = [512, 64], strides = [1, 1]} : vector<512x128xf32> to vector<512x64xf32>
    %slice3A_304 = vector.extract_strided_slice %add3A_167 {offsets = [0, 64], sizes = [512, 1], strides = [1, 1]} : vector<512x128xf32> to vector<512x1xf32>
    %div3A_305 = vector.broadcast %slice3A_304 : vector<512x1xf32> to vector<512x64xf32>
    %div3A_306 = arith.divf %slice3A_303, %div3A_305 : vector<512x64xf32>
    %convert_element_type3A_307 = arith.truncf %div3A_306 : vector<512x64xf32> to vector<512x64xbf16>
    %slice3A_308 = vector.extract_strided_slice %add3A_180 {offsets = [0, 0], sizes = [512, 64], strides = [1, 1]} : vector<512x128xf32> to vector<512x64xf32>
    %slice3A_309 = vector.extract_strided_slice %add3A_180 {offsets = [0, 64], sizes = [512, 1], strides = [1, 1]} : vector<512x128xf32> to vector<512x1xf32>
    %div3A_310 = vector.broadcast %slice3A_309 : vector<512x1xf32> to vector<512x64xf32>
    %div3A_311 = arith.divf %slice3A_308, %div3A_310 : vector<512x64xf32>
    %convert_element_type3A_312 = arith.truncf %div3A_311 : vector<512x64xf32> to vector<512x64xbf16>
    %slice3A_313 = vector.extract_strided_slice %add3A_193 {offsets = [0, 0], sizes = [512, 64], strides = [1, 1]} : vector<512x128xf32> to vector<512x64xf32>
    %slice3A_314 = vector.extract_strided_slice %add3A_193 {offsets = [0, 64], sizes = [512, 1], strides = [1, 1]} : vector<512x128xf32> to vector<512x1xf32>
    %div3A_315 = vector.broadcast %slice3A_314 : vector<512x1xf32> to vector<512x64xf32>
    %div3A_316 = arith.divf %slice3A_313, %div3A_315 : vector<512x64xf32>
    %convert_element_type3A_317 = arith.truncf %div3A_316 : vector<512x64xf32> to vector<512x64xbf16>
    %slice3A_318 = vector.extract_strided_slice %add3A_206 {offsets = [0, 0], sizes = [512, 64], strides = [1, 1]} : vector<512x128xf32> to vector<512x64xf32>
    %slice3A_319 = vector.extract_strided_slice %add3A_206 {offsets = [0, 64], sizes = [512, 1], strides = [1, 1]} : vector<512x128xf32> to vector<512x1xf32>
    %div3A_320 = vector.broadcast %slice3A_319 : vector<512x1xf32> to vector<512x64xf32>
    %div3A_321 = arith.divf %slice3A_318, %div3A_320 : vector<512x64xf32>
    %convert_element_type3A_322 = arith.truncf %div3A_321 : vector<512x64xf32> to vector<512x64xbf16>
    %slice3A_323 = vector.extract_strided_slice %add3A_219 {offsets = [0, 0], sizes = [512, 64], strides = [1, 1]} : vector<512x128xf32> to vector<512x64xf32>
    %slice3A_324 = vector.extract_strided_slice %add3A_219 {offsets = [0, 64], sizes = [512, 1], strides = [1, 1]} : vector<512x128xf32> to vector<512x1xf32>
    %div3A_325 = vector.broadcast %slice3A_324 : vector<512x1xf32> to vector<512x64xf32>
    %div3A_326 = arith.divf %slice3A_323, %div3A_325 : vector<512x64xf32>
    %convert_element_type3A_327 = arith.truncf %div3A_326 : vector<512x64xf32> to vector<512x64xbf16>
    %slice3A_328 = vector.extract_strided_slice %add3A_232 {offsets = [0, 0], sizes = [512, 64], strides = [1, 1]} : vector<512x128xf32> to vector<512x64xf32>
    %slice3A_329 = vector.extract_strided_slice %add3A_232 {offsets = [0, 64], sizes = [512, 1], strides = [1, 1]} : vector<512x128xf32> to vector<512x1xf32>
    %div3A_330 = vector.broadcast %slice3A_329 : vector<512x1xf32> to vector<512x64xf32>
    %div3A_331 = arith.divf %slice3A_328, %div3A_330 : vector<512x64xf32>
    %convert_element_type3A_332 = arith.truncf %div3A_331 : vector<512x64xf32> to vector<512x64xbf16>
    %slice3A_333 = vector.extract_strided_slice %add3A_245 {offsets = [0, 0], sizes = [512, 64], strides = [1, 1]} : vector<512x128xf32> to vector<512x64xf32>
    %slice3A_334 = vector.extract_strided_slice %add3A_245 {offsets = [0, 64], sizes = [512, 1], strides = [1, 1]} : vector<512x128xf32> to vector<512x1xf32>
    %div3A_335 = vector.broadcast %slice3A_334 : vector<512x1xf32> to vector<512x64xf32>
    %div3A_336 = arith.divf %slice3A_333, %div3A_335 : vector<512x64xf32>
    %convert_element_type3A_337 = arith.truncf %div3A_336 : vector<512x64xf32> to vector<512x64xbf16>
    %slice3A_338 = vector.extract_strided_slice %add3A_258 {offsets = [0, 0], sizes = [512, 64], strides = [1, 1]} : vector<512x128xf32> to vector<512x64xf32>
    %slice3A_339 = vector.extract_strided_slice %add3A_258 {offsets = [0, 64], sizes = [512, 1], strides = [1, 1]} : vector<512x128xf32> to vector<512x1xf32>
    %div3A_340 = vector.broadcast %slice3A_339 : vector<512x1xf32> to vector<512x64xf32>
    %div3A_341 = arith.divf %slice3A_338, %div3A_340 : vector<512x64xf32>
    %convert_element_type3A_342 = arith.truncf %div3A_341 : vector<512x64xf32> to vector<512x64xbf16>
    %slice3A_343 = vector.extract_strided_slice %add3A_271 {offsets = [0, 0], sizes = [512, 64], strides = [1, 1]} : vector<512x128xf32> to vector<512x64xf32>
    %slice3A_344 = vector.extract_strided_slice %add3A_271 {offsets = [0, 64], sizes = [512, 1], strides = [1, 1]} : vector<512x128xf32> to vector<512x1xf32>
    %div3A_345 = vector.broadcast %slice3A_344 : vector<512x1xf32> to vector<512x64xf32>
    %div3A_346 = arith.divf %slice3A_343, %div3A_345 : vector<512x64xf32>
    %convert_element_type3A_347 = arith.truncf %div3A_346 : vector<512x64xf32> to vector<512x64xbf16>
    %slice3A_348 = vector.extract_strided_slice %add3A_284 {offsets = [0, 0], sizes = [512, 64], strides = [1, 1]} : vector<512x128xf32> to vector<512x64xf32>
    %slice3A_349 = vector.extract_strided_slice %add3A_284 {offsets = [0, 64], sizes = [512, 1], strides = [1, 1]} : vector<512x128xf32> to vector<512x1xf32>
    %div3A_350 = vector.broadcast %slice3A_349 : vector<512x1xf32> to vector<512x64xf32>
    %div3A_351 = arith.divf %slice3A_348, %div3A_350 : vector<512x64xf32>
    %convert_element_type3A_352 = arith.truncf %div3A_351 : vector<512x64xf32> to vector<512x64xbf16>
    %slice3A_353 = vector.extract_strided_slice %add3A_297 {offsets = [0, 0], sizes = [512, 64], strides = [1, 1]} : vector<512x128xf32> to vector<512x64xf32>
    %slice3A_354 = vector.extract_strided_slice %add3A_297 {offsets = [0, 64], sizes = [512, 1], strides = [1, 1]} : vector<512x128xf32> to vector<512x1xf32>
    %div3A_355 = vector.broadcast %slice3A_354 : vector<512x1xf32> to vector<512x64xf32>
    %div3A_356 = arith.divf %slice3A_353, %div3A_355 : vector<512x64xf32>
    %convert_element_type3A_357 = arith.truncf %div3A_356 : vector<512x64xf32> to vector<512x64xbf16>
    %concatenate3A_358 = tpu.concatenate %convert_element_type3A_302, %convert_element_type3A_307, %convert_element_type3A_312, %convert_element_type3A_317, %convert_element_type3A_322, %convert_element_type3A_327, %convert_element_type3A_332, %convert_element_type3A_337, %convert_element_type3A_342, %convert_element_type3A_347, %convert_element_type3A_352, %convert_element_type3A_357 in 1 : vector<512x64xbf16>, vector<512x64xbf16>, vector<512x64xbf16>, vector<512x64xbf16>, vector<512x64xbf16>, vector<512x64xbf16>, vector<512x64xbf16>, vector<512x64xbf16>, vector<512x64xbf16>, vector<512x64xbf16>, vector<512x64xbf16>, vector<512x64xbf16> -> vector<512x768xbf16>
    %get3A_359 = arith.constant 0 : index
    %get3A_360 = arith.constant 0 : index
    %get3A_361 = vector.load %arg10[%get3A_359, %get3A_360] : memref<768x768xbf16, #tpu.memory_space<vmem>>, vector<768x768xbf16>
    %dot_general3A_362 = arith.constant dense<0.000000e+00> : vector<512x768xf32>
    %dot_general3A_363 = tpu.matmul %concatenate3A_358, %get3A_361, %dot_general3A_362 {dimension_numbers = #tpu.dot_dimension_numbers<[1], [0], [0], [1], [0, 0, 1, 1], [], []>, transpose_lhs_hint = false} : vector<512x768xbf16>, vector<768x768xbf16>, vector<512x768xf32> -> vector<512x768xf32>
    %add3A_364 = arith.addf %get3A_1, %dot_general3A_363 : vector<512x768xf32>
    %mul3A_365 = arith.mulf %add3A_364, %add3A_364 : vector<512x768xf32>
    %reduce_sum3A_366 = arith.constant dense<0.000000e+00> : vector<512xf32>
    %reduce_sum3A_367 = vector.multi_reduction <add>, %mul3A_365, %reduce_sum3A_366 [1] : vector<512x768xf32> to vector<512xf32>
    %broadcast_in_dim3A_368 = vector.shape_cast %reduce_sum3A_367 : vector<512xf32> to vector<512x1xf32>
    %div3A_369 = arith.constant 7.680000e+02 : f32
    %div3A_370 = vector.broadcast %div3A_369 : f32 to vector<512x1xf32>
    %div3A_371 = arith.divf %broadcast_in_dim3A_368, %div3A_370 : vector<512x1xf32>
    %add3A_372 = arith.constant 9.99999997E-7 : f32
    %add3A_373 = vector.broadcast %add3A_372 : f32 to vector<512x1xf32>
    %add3A_374 = arith.addf %div3A_371, %add3A_373 : vector<512x1xf32>
    %rsqrt3A_375 = math.rsqrt %add3A_374 : vector<512x1xf32>
    %mul3A_376 = vector.broadcast %rsqrt3A_375 : vector<512x1xf32> to vector<512x768xf32>
    %mul3A_377 = arith.mulf %add3A_364, %mul3A_376 : vector<512x768xf32>
    %get3A_378 = arith.constant 0 : index
    %get3A_379 = arith.constant 0 : index
    %get3A_380 = vector.load %arg11[%get3A_378, %get3A_379] : memref<1x768xf32, #tpu.memory_space<vmem>>, vector<1x768xf32>
    %mul3A_381 = vector.broadcast %get3A_380 : vector<1x768xf32> to vector<512x768xf32>
    %mul3A_382 = arith.mulf %mul3A_377, %mul3A_381 : vector<512x768xf32>
    %convert_element_type3A_383 = arith.truncf %mul3A_382 : vector<512x768xf32> to vector<512x768xbf16>
    %get3A_384 = arith.constant 0 : index
    %get3A_385 = arith.constant 0 : index
    %get3A_386 = vector.load %arg12[%get3A_384, %get3A_385] : memref<768x16xf32, #tpu.memory_space<vmem>>, vector<768x16xf32>
    %dot_general3A_387 = arith.constant dense<0.000000e+00> : vector<512x16xf32>
    %dot_general3A_388 = tpu.matmul %mul3A_382, %get3A_386, %dot_general3A_387 {dimension_numbers = #tpu.dot_dimension_numbers<[1], [0], [0], [1], [0, 0, 1, 1], [], []>, transpose_lhs_hint = false} : vector<512x768xf32>, vector<768x16xf32>, vector<512x16xf32> -> vector<512x16xf32>
    %get3A_389 = arith.constant 0 : index
    %get3A_390 = arith.constant 0 : index
    %get3A_391 = vector.load %arg13[%get3A_389, %get3A_390] : memref<768x256xbf16, #tpu.memory_space<vmem>>, vector<768x256xbf16>
    %dot_general3A_392 = arith.constant dense<0.000000e+00> : vector<512x256xf32>
    %dot_general3A_393 = tpu.matmul %convert_element_type3A_383, %get3A_391, %dot_general3A_392 {dimension_numbers = #tpu.dot_dimension_numbers<[1], [0], [0], [1], [0, 0, 1, 1], [], []>, transpose_lhs_hint = false} : vector<512x768xbf16>, vector<768x256xbf16>, vector<512x256xf32> -> vector<512x256xf32>
    %get3A_394 = arith.constant 0 : index
    %get3A_395 = arith.constant 0 : index
    %get3A_396 = vector.load %arg15[%get3A_394, %get3A_395] : memref<768x256xbf16, #tpu.memory_space<vmem>>, vector<768x256xbf16>
    %dot_general3A_397 = arith.constant dense<0.000000e+00> : vector<512x256xf32>
    %dot_general3A_398 = tpu.matmul %convert_element_type3A_383, %get3A_396, %dot_general3A_397 {dimension_numbers = #tpu.dot_dimension_numbers<[1], [0], [0], [1], [0, 0, 1, 1], [], []>, transpose_lhs_hint = false} : vector<512x768xbf16>, vector<768x256xbf16>, vector<512x256xf32> -> vector<512x256xf32>
    %logistic3A = arith.negf %dot_general3A_393 : vector<512x256xf32>
    %logistic3A_399 = math.exp %logistic3A : vector<512x256xf32>
    %logistic3A_400 = arith.constant 1.000000e+00 : f32
    %logistic3A_401 = vector.broadcast %logistic3A_400 : f32 to vector<512x256xf32>
    %logistic3A_402 = arith.addf %logistic3A_401, %logistic3A_399 : vector<512x256xf32>
    %logistic3A_403 = arith.divf %logistic3A_401, %logistic3A_402 : vector<512x256xf32>
    %mul3A_404 = arith.mulf %dot_general3A_393, %logistic3A_403 : vector<512x256xf32>
    %mul3A_405 = arith.mulf %mul3A_404, %dot_general3A_398 : vector<512x256xf32>
    %convert_element_type3A_406 = arith.truncf %mul3A_405 : vector<512x256xf32> to vector<512x256xbf16>
    %get3A_407 = arith.constant 0 : index
    %get3A_408 = arith.constant 0 : index
    %get3A_409 = vector.load %arg14[%get3A_407, %get3A_408] : memref<256x768xbf16, #tpu.memory_space<vmem>>, vector<256x768xbf16>
    %dot_general3A_410 = arith.constant dense<0.000000e+00> : vector<512x768xf32>
    %dot_general3A_411 = tpu.matmul %convert_element_type3A_406, %get3A_409, %dot_general3A_410 {dimension_numbers = #tpu.dot_dimension_numbers<[1], [0], [0], [1], [0, 0, 1, 1], [], []>, transpose_lhs_hint = false} : vector<512x256xbf16>, vector<256x768xbf16>, vector<512x768xf32> -> vector<512x768xf32>
    %swap3A_412 = arith.constant 0 : index
    %swap3A_413 = arith.constant 0 : index
    %swap3A_414 = vector.load %arg16[%swap3A_412, %swap3A_413] : memref<512x768xf32, #tpu.memory_space<vmem>>, vector<512x768xf32>
    tpu.vector_store %arg16[%swap3A_412, %swap3A_413], %mul3A_382 {strides = array<i32>} : memref<512x768xf32, #tpu.memory_space<vmem>>, vector<512x768xf32>,
    %swap3A_415 = arith.constant 0 : index
    %swap3A_416 = arith.constant 0 : index
    %swap3A_417 = vector.load %arg17[%swap3A_415, %swap3A_416] : memref<512x16xf32, #tpu.memory_space<vmem>>, vector<512x16xf32>
    tpu.vector_store %arg17[%swap3A_415, %swap3A_416], %dot_general3A_388 {strides = array<i32>} : memref<512x16xf32, #tpu.memory_space<vmem>>, vector<512x16xf32>,
    %mul3A_418 = arith.constant 512 : i32
    %mul3A_419 = arith.muli %arg0, %mul3A_418 : i32
    %swap3A_420 = arith.index_cast %mul3A_419 : i32 to index
    %swap3A_421 = arith.constant 0 : index
    %swap3A_422 = vector.load %arg24[%swap3A_420, %swap3A_421] : memref<2048x16xf32, #tpu.memory_space<vmem>>, vector<512x16xf32>
    tpu.vector_store %arg24[%swap3A_420, %swap3A_421], %dot_general3A_388 {strides = array<i32>} : memref<2048x16xf32, #tpu.memory_space<vmem>>, vector<512x16xf32>,
    %add3A_423 = arith.addf %add3A_364, %dot_general3A_411 : vector<512x768xf32>
    %swap3A_424 = arith.constant 0 : index
    %swap3A_425 = arith.constant 0 : index
    %swap3A_426 = vector.load %arg18[%swap3A_424, %swap3A_425] : memref<512x768xf32, #tpu.memory_space<vmem>>, vector<512x768xf32>
    tpu.vector_store %arg18[%swap3A_424, %swap3A_425], %add3A_423 {strides = array<i32>} : memref<512x768xf32, #tpu.memory_space<vmem>>, vector<512x768xf32>,
    %eq3A = arith.constant 3 : i32
    %eq3A_427 = arith.cmpi eq, %arg0, %eq3A : i32
    %convert_element_type3A_428 = arith.extui %eq3A_427 : i1 to i32
    %cond3A = arith.constant 0 : i32
    %cond3A_429 = arith.cmpi ne, %convert_element_type3A_428, %cond3A : i32
    scf.if %cond3A_429 {
      %get3A_430 = arith.constant 0 : index
      %get3A_431 = arith.constant 0 : index
      %get3A_432 = vector.load %arg24[%get3A_430, %get3A_431] : memref<2048x16xf32, #tpu.memory_space<vmem>>, vector<2048x16xf32>
      %reduce_max3A = arith.constant dense<0xFF800000> : vector<2048xf32>
      %reduce_max3A_433 = vector.multi_reduction <maximumf>, %get3A_432, %reduce_max3A [1] : vector<2048x16xf32> to vector<2048xf32>
      %broadcast_in_dim3A_434 = vector.shape_cast %reduce_max3A_433 : vector<2048xf32> to vector<2048x1xf32>
      %eq3A_435 = vector.broadcast %broadcast_in_dim3A_434 : vector<2048x1xf32> to vector<2048x16xf32>
      %eq3A_436 = arith.cmpf oeq, %get3A_432, %eq3A_435 : vector<2048x16xf32>
      %convert_element_type3A_437 = arith.extui %eq3A_436 : vector<2048x16xi1> to vector<2048x16xi32>
      %convert_element_type3A_438 = arith.sitofp %convert_element_type3A_437 : vector<2048x16xi32> to vector<2048x16xf32>
      %iota3A_439 = tpu.iota {dimensions = array<i32: 0>} : vector<16x16xi32>
      %iota3A_440 = tpu.iota {dimensions = array<i32: 1>} : vector<16x16xi32>
      %le3A = arith.cmpi sle, %iota3A_439, %iota3A_440 : vector<16x16xi32>
      %convert_element_type3A_441 = arith.extui %le3A : vector<16x16xi1> to vector<16x16xi32>
      %convert_element_type3A_442 = arith.sitofp %convert_element_type3A_441 : vector<16x16xi32> to vector<16x16xf32>
      %dot_general3A_443 = arith.constant dense<0.000000e+00> : vector<2048x16xf32>
      %dot_general3A_444 = tpu.matmul %convert_element_type3A_438, %convert_element_type3A_442, %dot_general3A_443 {dimension_numbers = #tpu.dot_dimension_numbers<[1], [0], [0], [1], [0, 0, 1, 1], [], []>, transpose_lhs_hint = false} : vector<2048x16xf32>, vector<16x16xf32>, vector<2048x16xf32> -> vector<2048x16xf32>
      %eq3A_445 = arith.constant 1.000000e+00 : f32
      %eq3A_446 = vector.broadcast %eq3A_445 : f32 to vector<2048x16xf32>
      %eq3A_447 = arith.cmpf oeq, %dot_general3A_444, %eq3A_446 : vector<2048x16xf32>
      %gt3A = arith.constant 0.000000e+00 : f32
      %gt3A_448 = vector.broadcast %gt3A : f32 to vector<2048x16xf32>
      %gt3A_449 = arith.cmpf ogt, %convert_element_type3A_438, %gt3A_448 : vector<2048x16xf32>
      %and3A = arith.andi %eq3A_447, %gt3A_449 : vector<2048x16xi1>
      %jit3A_450 = arith.constant 1.000000e+00 : f32
      %jit3A_451 = arith.constant 0.000000e+00 : f32
      %broadcast_in_dim3A_452 = vector.broadcast %jit3A_450 : f32 to vector<2048x16xf32>
      %broadcast_in_dim3A_453 = vector.broadcast %jit3A_451 : f32 to vector<2048x16xf32>
      %select_n3A_454 = arith.select %and3A, %broadcast_in_dim3A_452, %broadcast_in_dim3A_453 : vector<2048x16xi1>, vector<2048x16xf32>
      %iota3A_455 = tpu.iota {dimensions = array<i32: 0>} : vector<512x512xi32>
      %iota3A_456 = tpu.iota {dimensions = array<i32: 1>} : vector<512x512xi32>
      %lt3A = arith.cmpi slt, %iota3A_456, %iota3A_455 : vector<512x512xi32>
      %convert_element_type3A_457 = arith.extui %lt3A : vector<512x512xi1> to vector<512x512xi32>
      %convert_element_type3A_458 = arith.sitofp %convert_element_type3A_457 : vector<512x512xi32> to vector<512x512xf32>
      %broadcast_in_dim3A_459 = arith.constant 0.000000e+00 : f32
      %broadcast_in_dim3A_460 = vector.broadcast %broadcast_in_dim3A_459 : f32 to vector<1x16xf32>
      %slice3A_461 = vector.extract_strided_slice %select_n3A_454 {offsets = [0, 0], sizes = [512, 16], strides = [1, 1]} : vector<2048x16xf32> to vector<512x16xf32>
      %dot_general3A_462 = arith.constant dense<0.000000e+00> : vector<512x16xf32>
      %dot_general3A_463 = tpu.matmul %convert_element_type3A_458, %slice3A_461, %dot_general3A_462 {dimension_numbers = #tpu.dot_dimension_numbers<[1], [0], [0], [1], [0, 0, 1, 1], [], []>, transpose_lhs_hint = false} : vector<512x512xf32>, vector<512x16xf32>, vector<512x16xf32> -> vector<512x16xf32>
      %add3A_464 = vector.broadcast %broadcast_in_dim3A_460 : vector<1x16xf32> to vector<512x16xf32>
      %add3A_465 = arith.addf %dot_general3A_463, %add3A_464 : vector<512x16xf32>
      %reduce_sum3A_466 = arith.constant dense<0.000000e+00> : vector<16xf32>
      %reduce_sum3A_467 = vector.multi_reduction <add>, %slice3A_461, %reduce_sum3A_466 [0] : vector<512x16xf32> to vector<16xf32>
      %broadcast_in_dim3A_468 = vector.shape_cast %reduce_sum3A_467 : vector<16xf32> to vector<1x16xf32>
      %add3A_469 = arith.addf %broadcast_in_dim3A_460, %broadcast_in_dim3A_468 : vector<1x16xf32>
      %slice3A_470 = vector.extract_strided_slice %select_n3A_454 {offsets = [512, 0], sizes = [512, 16], strides = [1, 1]} : vector<2048x16xf32> to vector<512x16xf32>
      %dot_general3A_471 = arith.constant dense<0.000000e+00> : vector<512x16xf32>
      %dot_general3A_472 = tpu.matmul %convert_element_type3A_458, %slice3A_470, %dot_general3A_471 {dimension_numbers = #tpu.dot_dimension_numbers<[1], [0], [0], [1], [0, 0, 1, 1], [], []>, transpose_lhs_hint = false} : vector<512x512xf32>, vector<512x16xf32>, vector<512x16xf32> -> vector<512x16xf32>
      %add3A_473 = vector.broadcast %add3A_469 : vector<1x16xf32> to vector<512x16xf32>
      %add3A_474 = arith.addf %dot_general3A_472, %add3A_473 : vector<512x16xf32>
      %reduce_sum3A_475 = arith.constant dense<0.000000e+00> : vector<16xf32>
      %reduce_sum3A_476 = vector.multi_reduction <add>, %slice3A_470, %reduce_sum3A_475 [0] : vector<512x16xf32> to vector<16xf32>
      %broadcast_in_dim3A_477 = vector.shape_cast %reduce_sum3A_476 : vector<16xf32> to vector<1x16xf32>
      %add3A_478 = arith.addf %add3A_469, %broadcast_in_dim3A_477 : vector<1x16xf32>
      %slice3A_479 = vector.extract_strided_slice %select_n3A_454 {offsets = [1024, 0], sizes = [512, 16], strides = [1, 1]} : vector<2048x16xf32> to vector<512x16xf32>
      %dot_general3A_480 = arith.constant dense<0.000000e+00> : vector<512x16xf32>
      %dot_general3A_481 = tpu.matmul %convert_element_type3A_458, %slice3A_479, %dot_general3A_480 {dimension_numbers = #tpu.dot_dimension_numbers<[1], [0], [0], [1], [0, 0, 1, 1], [], []>, transpose_lhs_hint = false} : vector<512x512xf32>, vector<512x16xf32>, vector<512x16xf32> -> vector<512x16xf32>
      %add3A_482 = vector.broadcast %add3A_478 : vector<1x16xf32> to vector<512x16xf32>
      %add3A_483 = arith.addf %dot_general3A_481, %add3A_482 : vector<512x16xf32>
      %reduce_sum3A_484 = arith.constant dense<0.000000e+00> : vector<16xf32>
      %reduce_sum3A_485 = vector.multi_reduction <add>, %slice3A_479, %reduce_sum3A_484 [0] : vector<512x16xf32> to vector<16xf32>
      %broadcast_in_dim3A_486 = vector.shape_cast %reduce_sum3A_485 : vector<16xf32> to vector<1x16xf32>
      %add3A_487 = arith.addf %add3A_478, %broadcast_in_dim3A_486 : vector<1x16xf32>
      %slice3A_488 = vector.extract_strided_slice %select_n3A_454 {offsets = [1536, 0], sizes = [512, 16], strides = [1, 1]} : vector<2048x16xf32> to vector<512x16xf32>
      %dot_general3A_489 = arith.constant dense<0.000000e+00> : vector<512x16xf32>
      %dot_general3A_490 = tpu.matmul %convert_element_type3A_458, %slice3A_488, %dot_general3A_489 {dimension_numbers = #tpu.dot_dimension_numbers<[1], [0], [0], [1], [0, 0, 1, 1], [], []>, transpose_lhs_hint = false} : vector<512x512xf32>, vector<512x16xf32>, vector<512x16xf32> -> vector<512x16xf32>
      %add3A_491 = vector.broadcast %add3A_487 : vector<1x16xf32> to vector<512x16xf32>
      %add3A_492 = arith.addf %dot_general3A_490, %add3A_491 : vector<512x16xf32>
      %reduce_sum3A_493 = arith.constant dense<0.000000e+00> : vector<16xf32>
      %reduce_sum3A_494 = vector.multi_reduction <add>, %slice3A_488, %reduce_sum3A_493 [0] : vector<512x16xf32> to vector<16xf32>
      %broadcast_in_dim3A_495 = vector.shape_cast %reduce_sum3A_494 : vector<16xf32> to vector<1x16xf32>
      %add3A_496 = arith.addf %add3A_487, %broadcast_in_dim3A_495 : vector<1x16xf32>
      %concatenate3A_497 = tpu.concatenate %add3A_465, %add3A_474, %add3A_483, %add3A_492 in 0 : vector<512x16xf32>, vector<512x16xf32>, vector<512x16xf32>, vector<512x16xf32> -> vector<2048x16xf32>
      %div3A_498 = arith.constant 1.280000e+02 : f32
      %div3A_499 = vector.broadcast %div3A_498 : f32 to vector<1x16xf32>
      %div3A_500 = arith.divf %add3A_496, %div3A_499 : vector<1x16xf32>
      %ceil3A = math.ceil %div3A_500 : vector<1x16xf32>
      %mul3A_501 = arith.constant 1.280000e+02 : f32
      %mul3A_502 = vector.broadcast %mul3A_501 : f32 to vector<1x16xf32>
      %mul3A_503 = arith.mulf %ceil3A, %mul3A_502 : vector<1x16xf32>
      %lt3A_504 = arith.cmpi slt, %iota3A_439, %iota3A_440 : vector<16x16xi32>
      %convert_element_type3A_505 = arith.extui %lt3A_504 : vector<16x16xi1> to vector<16x16xi32>
      %convert_element_type3A_506 = arith.sitofp %convert_element_type3A_505 : vector<16x16xi32> to vector<16x16xf32>
      %dot_general3A_507 = arith.constant dense<0.000000e+00> : vector<1x16xf32>
      %dot_general3A_508 = tpu.matmul %mul3A_503, %convert_element_type3A_506, %dot_general3A_507 {dimension_numbers = #tpu.dot_dimension_numbers<[1], [0], [0], [1], [0, 0, 1, 1], [], []>, transpose_lhs_hint = false} : vector<1x16xf32>, vector<16x16xf32>, vector<1x16xf32> -> vector<1x16xf32>
      %add3A_509 = vector.broadcast %dot_general3A_508 : vector<1x16xf32> to vector<2048x16xf32>
      %add3A_510 = arith.addf %add3A_509, %concatenate3A_497 : vector<2048x16xf32>
      %mul3A_511 = arith.mulf %select_n3A_454, %add3A_510 : vector<2048x16xf32>
      %reduce_sum3A_512 = arith.constant dense<0.000000e+00> : vector<2048xf32>
      %reduce_sum3A_513 = vector.multi_reduction <add>, %mul3A_511, %reduce_sum3A_512 [1] : vector<2048x16xf32> to vector<2048xf32>
      %broadcast_in_dim3A_514 = vector.shape_cast %reduce_sum3A_513 : vector<2048xf32> to vector<2048x1xf32>
      %convert_element_type3A_515 = arith.fptosi %broadcast_in_dim3A_514 : vector<2048x1xf32> to vector<2048x1xi32>
      %swap3A_516 = arith.constant 0 : index
      %swap3A_517 = arith.constant 0 : index
      %swap3A_518 = vector.load %arg19[%swap3A_516, %swap3A_517] : memref<2048x1xi32, #tpu.memory_space<vmem>>, vector<2048x1xi32>
      tpu.vector_store %arg19[%swap3A_516, %swap3A_517], %convert_element_type3A_515 {strides = array<i32>} : memref<2048x1xi32, #tpu.memory_space<vmem>>, vector<2048x1xi32>,
      %eq3A_519 = arith.cmpi eq, %iota3A_439, %iota3A_440 : vector<16x16xi32>
      %convert_element_type3A_520 = arith.extui %eq3A_519 : vector<16x16xi1> to vector<16x16xi32>
      %convert_element_type3A_521 = arith.sitofp %convert_element_type3A_520 : vector<16x16xi32> to vector<16x16xf32>
      %mul3A_522 = vector.broadcast %dot_general3A_508 : vector<1x16xf32> to vector<16x16xf32>
      %mul3A_523 = arith.mulf %convert_element_type3A_521, %mul3A_522 : vector<16x16xf32>
      %reduce_sum3A_524 = arith.constant dense<0.000000e+00> : vector<16xf32>
      %reduce_sum3A_525 = vector.multi_reduction <add>, %mul3A_523, %reduce_sum3A_524 [1] : vector<16x16xf32> to vector<16xf32>
      %broadcast_in_dim3A_526 = vector.shape_cast %reduce_sum3A_525 : vector<16xf32> to vector<16x1xf32>
      %div3A_527 = arith.constant 1.280000e+02 : f32
      %div3A_528 = vector.broadcast %div3A_527 : f32 to vector<16x1xf32>
      %div3A_529 = arith.divf %broadcast_in_dim3A_526, %div3A_528 : vector<16x1xf32>
      %iota3A_530 = tpu.iota {dimensions = array<i32: 1>} : vector<16x32xi32>
      %convert_element_type3A_531 = arith.sitofp %iota3A_530 : vector<16x32xi32> to vector<16x32xf32>
      %ge3A_532 = vector.broadcast %div3A_529 : vector<16x1xf32> to vector<16x32xf32>
      %ge3A_533 = arith.cmpf oge, %convert_element_type3A_531, %ge3A_532 : vector<16x32xf32>
      %convert_element_type3A_534 = arith.extui %ge3A_533 : vector<16x32xi1> to vector<16x32xi32>
      %convert_element_type3A_535 = arith.sitofp %convert_element_type3A_534 : vector<16x32xi32> to vector<16x32xf32>
      %reduce_sum3A_536 = arith.constant dense<0.000000e+00> : vector<32xf32>
      %reduce_sum3A_537 = vector.multi_reduction <add>, %convert_element_type3A_535, %reduce_sum3A_536 [0] : vector<16x32xf32> to vector<32xf32>
      %broadcast_in_dim3A_538 = vector.shape_cast %reduce_sum3A_537 : vector<32xf32> to vector<1x32xf32>
      %sub3A = arith.constant 1.000000e+00 : f32
      %sub3A_539 = vector.broadcast %sub3A : f32 to vector<1x32xf32>
      %sub3A_540 = arith.subf %broadcast_in_dim3A_538, %sub3A_539 : vector<1x32xf32>
      %reduce_sum3A_541 = vector.shape_cast %mul3A_503 : vector<1x16xf32> to vector<1x1x16xf32>
      %reduce_sum3A_542 = arith.constant dense<0.000000e+00> : vector<1xf32>
      %reduce_sum3A_543 = vector.multi_reduction <add>, %reduce_sum3A_541, %reduce_sum3A_542 [1, 2] : vector<1x1x16xf32> to vector<1xf32>
      %reduce_sum3A_544 = vector.shape_cast %reduce_sum3A_543 : vector<1xf32> to vector<1x1x1xf32>
      %reduce_sum3A_545 = vector.extract %reduce_sum3A_544[0, 0, 0] : f32 from vector<1x1x1xf32>
      %div3A_546 = arith.constant 1.280000e+02 : f32
      %div3A_547 = arith.divf %reduce_sum3A_545, %div3A_546 : f32
      %iota3A_548 = tpu.iota {dimensions = array<i32: 1>} : vector<1x32xi32>
      %convert_element_type3A_549 = arith.sitofp %iota3A_548 : vector<1x32xi32> to vector<1x32xf32>
      %iota3A_550 = tpu.iota {dimensions = array<i32: 1>} : vector<1x16xi32>
      %convert_element_type3A_551 = arith.sitofp %iota3A_550 : vector<1x16xi32> to vector<1x16xf32>
      %gt3A_552 = arith.constant 0.000000e+00 : f32
      %gt3A_553 = vector.broadcast %gt3A_552 : f32 to vector<1x16xf32>
      %gt3A_554 = arith.cmpf ogt, %add3A_496, %gt3A_553 : vector<1x16xf32>
      %jit3A_555 = arith.constant -1.000000e+00 : f32
      %broadcast_in_dim3A_556 = vector.broadcast %jit3A_555 : f32 to vector<1x16xf32>
      %select_n3A_557 = arith.select %gt3A_554, %convert_element_type3A_551, %broadcast_in_dim3A_556 : vector<1x16xi1>, vector<1x16xf32>
      %reduce_max3A_558 = vector.shape_cast %select_n3A_557 : vector<1x16xf32> to vector<1x1x16xf32>
      %reduce_max3A_559 = arith.constant dense<0xFF800000> : vector<1xf32>
      %reduce_max3A_560 = vector.multi_reduction <maximumf>, %reduce_max3A_558, %reduce_max3A_559 [1, 2] : vector<1x1x16xf32> to vector<1xf32>
      %reduce_max3A_561 = vector.shape_cast %reduce_max3A_560 : vector<1xf32> to vector<1x1x1xf32>
      %reduce_max3A_562 = vector.extract %reduce_max3A_561[0, 0, 0] : f32 from vector<1x1x1xf32>
      %lt3A_563 = vector.broadcast %div3A_547 : f32 to vector<1x32xf32>
      %lt3A_564 = arith.cmpf olt, %convert_element_type3A_549, %lt3A_563 : vector<1x32xf32>
      %broadcast_in_dim3A_565 = vector.broadcast %reduce_max3A_562 : f32 to vector<1x32xf32>
      %select_n3A_566 = arith.select %lt3A_564, %sub3A_540, %broadcast_in_dim3A_565 : vector<1x32xi1>, vector<1x32xf32>
      %convert_element_type3A_567 = arith.fptosi %select_n3A_566 : vector<1x32xf32> to vector<1x32xi32>
      %swap3A_568 = arith.constant 0 : index
      %swap3A_569 = arith.constant 0 : index
      %swap3A_570 = vector.load %arg20[%swap3A_568, %swap3A_569] : memref<1x32xi32, #tpu.memory_space<vmem>>, vector<1x32xi32>
      tpu.vector_store %arg20[%swap3A_568, %swap3A_569], %convert_element_type3A_567 {strides = array<i32>} : memref<1x32xi32, #tpu.memory_space<vmem>>, vector<1x32xi32>,
      %sub3A_571 = arith.constant 1.000000e+00 : f32
      %sub3A_572 = arith.subf %div3A_547, %sub3A_571 : f32
      %min3A = vector.broadcast %sub3A_572 : f32 to vector<1x32xf32>
      %min3A_573 = arith.minimumf %convert_element_type3A_549, %min3A : vector<1x32xf32>
      %convert_element_type3A_574 = arith.fptosi %min3A_573 : vector<1x32xf32> to vector<1x32xi32>
      %swap3A_575 = arith.constant 0 : index
      %swap3A_576 = arith.constant 0 : index
      %swap3A_577 = vector.load %arg21[%swap3A_575, %swap3A_576] : memref<1x32xi32, #tpu.memory_space<vmem>>, vector<1x32xi32>
      tpu.vector_store %arg21[%swap3A_575, %swap3A_576], %convert_element_type3A_574 {strides = array<i32>} : memref<1x32xi32, #tpu.memory_space<vmem>>, vector<1x32xi32>,
    } else {
    }
    return
  }
  func.func @transform_0(%arg0: i32) -> (i32, i32) {
    %c0_i32 = arith.constant 0 : i32
    %c0_i32_0 = arith.constant 0 : i32
    return %arg0, %c0_i32 : i32, i32
  }
  func.func @transform_1(%arg0: i32) -> (i32, i32) {
    %c0_i32 = arith.constant 0 : i32
    %c0_i32_0 = arith.constant 0 : i32
    %c0_i32_1 = arith.constant 0 : i32
    return %c0_i32, %c0_i32_0 : i32, i32
  }
  func.func @transform_2(%arg0: i32) -> (i32, i32) {
    %c0_i32 = arith.constant 0 : i32
    %c0_i32_0 = arith.constant 0 : i32
    %c0_i32_1 = arith.constant 0 : i32
    return %c0_i32, %c0_i32_0 : i32, i32
  }
  func.func @transform_3(%arg0: i32) -> (i32, i32) {
    %c0_i32 = arith.constant 0 : i32
    %c0_i32_0 = arith.constant 0 : i32
    %c0_i32_1 = arith.constant 0 : i32
    return %c0_i32, %c0_i32_0 : i32, i32
  }
  func.func @transform_4(%arg0: i32) -> (i32, i32) {
    %c0_i32 = arith.constant 0 : i32
    %c0_i32_0 = arith.constant 0 : i32
    %c0_i32_1 = arith.constant 0 : i32
    return %c0_i32, %c0_i32_0 : i32, i32
  }
  func.func @transform_5(%arg0: i32) -> (i32, i32) {
    %c0_i32 = arith.constant 0 : i32
    %c0_i32_0 = arith.constant 0 : i32
    return %arg0, %c0_i32 : i32, i32
  }
  func.func @transform_6(%arg0: i32) -> (i32, i32) {
    %c0_i32 = arith.constant 0 : i32
    %c0_i32_0 = arith.constant 0 : i32
    return %arg0, %c0_i32 : i32, i32
  }
  func.func @transform_7(%arg0: i32) -> (i32, i32) {
    %c0_i32 = arith.constant 0 : i32
    %c0_i32_0 = arith.constant 0 : i32
    %c0_i32_1 = arith.constant 0 : i32
    return %c0_i32, %c0_i32_0 : i32, i32
  }
  func.func @transform_8(%arg0: i32) -> (i32, i32) {
    %c0_i32 = arith.constant 0 : i32
    %c0_i32_0 = arith.constant 0 : i32
    %c0_i32_1 = arith.constant 0 : i32
    return %c0_i32, %c0_i32_0 : i32, i32
  }
  func.func @transform_9(%arg0: i32) -> (i32, i32) {
    %c0_i32 = arith.constant 0 : i32
    %c0_i32_0 = arith.constant 0 : i32
    %c0_i32_1 = arith.constant 0 : i32
    return %c0_i32, %c0_i32_0 : i32, i32
  }
  func.func @transform_10(%arg0: i32) -> (i32, i32) {
    %c0_i32 = arith.constant 0 : i32
    %c0_i32_0 = arith.constant 0 : i32
    %c0_i32_1 = arith.constant 0 : i32
    return %c0_i32, %c0_i32_0 : i32, i32
  }
  func.func @transform_11(%arg0: i32) -> (i32, i32) {
    %c0_i32 = arith.constant 0 : i32
    %c0_i32_0 = arith.constant 0 : i32
    %c0_i32_1 = arith.constant 0 : i32
    return %c0_i32, %c0_i32_0 : i32, i32
  }
  func.func @transform_12(%arg0: i32) -> (i32, i32) {
    %c0_i32 = arith.constant 0 : i32
    %c0_i32_0 = arith.constant 0 : i32
    %c0_i32_1 = arith.constant 0 : i32
    return %c0_i32, %c0_i32_0 : i32, i32
  }
  func.func @transform_13(%arg0: i32) -> (i32, i32) {
    %c0_i32 = arith.constant 0 : i32
    %c0_i32_0 = arith.constant 0 : i32
    %c0_i32_1 = arith.constant 0 : i32
    return %c0_i32, %c0_i32_0 : i32, i32
  }
  func.func @transform_14(%arg0: i32) -> (i32, i32) {
    %c0_i32 = arith.constant 0 : i32
    %c0_i32_0 = arith.constant 0 : i32
    %c0_i32_1 = arith.constant 0 : i32
    return %c0_i32, %c0_i32_0 : i32, i32
  }
  func.func @transform_15(%arg0: i32) -> (i32, i32) {
    %c0_i32 = arith.constant 0 : i32
    %c0_i32_0 = arith.constant 0 : i32
    return %arg0, %c0_i32 : i32, i32
  }
  func.func @transform_16(%arg0: i32) -> (i32, i32) {
    %c0_i32 = arith.constant 0 : i32
    %c0_i32_0 = arith.constant 0 : i32
    return %arg0, %c0_i32 : i32, i32
  }
  func.func @transform_17(%arg0: i32) -> (i32, i32) {
    %c0_i32 = arith.constant 0 : i32
    %c0_i32_0 = arith.constant 0 : i32
    return %arg0, %c0_i32 : i32, i32
  }
  func.func @transform_18(%arg0: i32) -> (i32, i32) {
    %c0_i32 = arith.constant 0 : i32
    %c0_i32_0 = arith.constant 0 : i32
    %c0_i32_1 = arith.constant 0 : i32
    return %c0_i32, %c0_i32_0 : i32, i32
  }
  func.func @transform_19(%arg0: i32) -> (i32, i32) {
    %c0_i32 = arith.constant 0 : i32
    %c0_i32_0 = arith.constant 0 : i32
    %c0_i32_1 = arith.constant 0 : i32
    return %c0_i32, %c0_i32_0 : i32, i32
  }
  func.func @transform_20(%arg0: i32) -> (i32, i32) {
    %c0_i32 = arith.constant 0 : i32
    %c0_i32_0 = arith.constant 0 : i32
    %c0_i32_1 = arith.constant 0 : i32
    return %c0_i32, %c0_i32_0 : i32, i32
  }
}

module attributes {stable_mosaic.version = 14 : i64} {
  func.func @_gemm_body(%arg0: i32, %arg1: memref<32xi32, #tpu.memory_space<smem>>, %arg2: memref<32xi32, #tpu.memory_space<smem>>, %arg3: memref<128x768xf32, #tpu.memory_space<vmem>>, %arg4: memref<1x768x256xf32, #tpu.memory_space<vmem>>, %arg5: memref<1x768x256xf32, #tpu.memory_space<vmem>>, %arg6: memref<1x256x768xf32, #tpu.memory_space<vmem>>, %arg7: memref<128x768xf32, #tpu.memory_space<vmem>>) attributes {dimension_semantics = [#tpu.dimension_semantics<arbitrary>], iteration_bounds = array<i64: 32>, scalar_prefetch = 2 : i64, scratch_operands = 0 : i64, tpu.core_type = #tpu.core_type<tc>, window_params = [{transform_indices = @transform_0, window_bounds = array<i64: 128, 768>}, {transform_indices = @transform_1, window_bounds = array<i64: 1, 768, 256>}, {transform_indices = @transform_2, window_bounds = array<i64: 1, 768, 256>}, {transform_indices = @transform_3, window_bounds = array<i64: 1, 256, 768>}, {transform_indices = @transform_4, window_bounds = array<i64: 128, 768>}]} {
    %get3A = arith.index_cast %arg0 : i32 to index
    %get3A_0 = memref.load %arg2[%get3A] : memref<32xi32, #tpu.memory_space<smem>>
    %eq3A = arith.cmpi eq, %get3A_0, %arg0 : i32
    %convert_element_type3A = arith.extui %eq3A : i1 to i32
    %cond3A = arith.constant 0 : i32
    %cond3A_1 = arith.cmpi ne, %convert_element_type3A, %cond3A : i32
    scf.if %cond3A_1 {
      %get3A_2 = arith.constant 0 : index
      %get3A_3 = arith.constant 0 : index
      %get3A_4 = vector.load %arg3[%get3A_2, %get3A_3] : memref<128x768xf32, #tpu.memory_space<vmem>>, vector<128x768xf32>
      %get3A_5 = arith.constant 0 : index
      %get3A_6 = arith.constant 0 : index
      %get3A_7 = arith.constant 0 : index
      %get3A_8 = vector.load %arg4[%get3A_5, %get3A_6, %get3A_7] : memref<1x768x256xf32, #tpu.memory_space<vmem>>, vector<1x768x256xf32>
      %get3A_9 = vector.shape_cast %get3A_8 : vector<1x768x256xf32> to vector<768x256xf32>
      %dot_general3A = arith.constant dense<0.000000e+00> : vector<128x256xf32>
      %dot_general3A_10 = tpu.matmul %get3A_4, %get3A_9, %dot_general3A {dimension_numbers = #tpu.dot_dimension_numbers<[1], [0], [0], [1], [0, 0, 1, 1], [], []>, transpose_lhs_hint = false} : vector<128x768xf32>, vector<768x256xf32>, vector<128x256xf32> -> vector<128x256xf32>
      %get3A_11 = arith.constant 0 : index
      %get3A_12 = arith.constant 0 : index
      %get3A_13 = arith.constant 0 : index
      %get3A_14 = vector.load %arg5[%get3A_11, %get3A_12, %get3A_13] : memref<1x768x256xf32, #tpu.memory_space<vmem>>, vector<1x768x256xf32>
      %get3A_15 = vector.shape_cast %get3A_14 : vector<1x768x256xf32> to vector<768x256xf32>
      %dot_general3A_16 = arith.constant dense<0.000000e+00> : vector<128x256xf32>
      %dot_general3A_17 = tpu.matmul %get3A_4, %get3A_15, %dot_general3A_16 {dimension_numbers = #tpu.dot_dimension_numbers<[1], [0], [0], [1], [0, 0, 1, 1], [], []>, transpose_lhs_hint = false} : vector<128x768xf32>, vector<768x256xf32>, vector<128x256xf32> -> vector<128x256xf32>
      %logistic3A = arith.negf %dot_general3A_10 : vector<128x256xf32>
      %logistic3A_18 = math.exp %logistic3A : vector<128x256xf32>
      %logistic3A_19 = arith.constant 1.000000e+00 : f32
      %logistic3A_20 = vector.broadcast %logistic3A_19 : f32 to vector<128x256xf32>
      %logistic3A_21 = arith.addf %logistic3A_20, %logistic3A_18 : vector<128x256xf32>
      %logistic3A_22 = arith.divf %logistic3A_20, %logistic3A_21 : vector<128x256xf32>
      %mul3A = arith.mulf %dot_general3A_10, %logistic3A_22 : vector<128x256xf32>
      %mul3A_23 = arith.mulf %mul3A, %dot_general3A_17 : vector<128x256xf32>
      %get3A_24 = arith.constant 0 : index
      %get3A_25 = arith.constant 0 : index
      %get3A_26 = arith.constant 0 : index
      %get3A_27 = vector.load %arg6[%get3A_24, %get3A_25, %get3A_26] : memref<1x256x768xf32, #tpu.memory_space<vmem>>, vector<1x256x768xf32>
      %get3A_28 = vector.shape_cast %get3A_27 : vector<1x256x768xf32> to vector<256x768xf32>
      %dot_general3A_29 = arith.constant dense<0.000000e+00> : vector<128x768xf32>
      %dot_general3A_30 = tpu.matmul %mul3A_23, %get3A_28, %dot_general3A_29 {dimension_numbers = #tpu.dot_dimension_numbers<[1], [0], [0], [1], [0, 0, 1, 1], [], []>, transpose_lhs_hint = false} : vector<128x256xf32>, vector<256x768xf32>, vector<128x768xf32> -> vector<128x768xf32>
      %swap3A = arith.constant 0 : index
      %swap3A_31 = arith.constant 0 : index
      %swap3A_32 = vector.load %arg7[%swap3A, %swap3A_31] : memref<128x768xf32, #tpu.memory_space<vmem>>, vector<128x768xf32>
      tpu.vector_store %arg7[%swap3A, %swap3A_31], %dot_general3A_30 {strides = array<i32>} : memref<128x768xf32, #tpu.memory_space<vmem>>, vector<128x768xf32>,
    } else {
    }
    return
  }
  func.func @transform_0(%arg0: i32, %arg1: memref<32xi32, #tpu.memory_space<smem>>, %arg2: memref<32xi32, #tpu.memory_space<smem>>) -> (i32, i32) {
    %get3A = arith.index_cast %arg0 : i32 to index
    %get3A_0 = memref.load %arg2[%get3A] : memref<32xi32, #tpu.memory_space<smem>>
    %c0_i32 = arith.constant 0 : i32
    %c0_i32_1 = arith.constant 0 : i32
    return %get3A_0, %c0_i32 : i32, i32
  }
  func.func @transform_1(%arg0: i32, %arg1: memref<32xi32, #tpu.memory_space<smem>>, %arg2: memref<32xi32, #tpu.memory_space<smem>>) -> (i32, i32, i32) {
    %get3A = arith.index_cast %arg0 : i32 to index
    %get3A_0 = memref.load %arg1[%get3A] : memref<32xi32, #tpu.memory_space<smem>>
    %c0_i32 = arith.constant 0 : i32
    %c0_i32_1 = arith.constant 0 : i32
    %c0_i32_2 = arith.constant 0 : i32
    return %get3A_0, %c0_i32, %c0_i32_1 : i32, i32, i32
  }
  func.func @transform_2(%arg0: i32, %arg1: memref<32xi32, #tpu.memory_space<smem>>, %arg2: memref<32xi32, #tpu.memory_space<smem>>) -> (i32, i32, i32) {
    %get3A = arith.index_cast %arg0 : i32 to index
    %get3A_0 = memref.load %arg1[%get3A] : memref<32xi32, #tpu.memory_space<smem>>
    %c0_i32 = arith.constant 0 : i32
    %c0_i32_1 = arith.constant 0 : i32
    %c0_i32_2 = arith.constant 0 : i32
    return %get3A_0, %c0_i32, %c0_i32_1 : i32, i32, i32
  }
  func.func @transform_3(%arg0: i32, %arg1: memref<32xi32, #tpu.memory_space<smem>>, %arg2: memref<32xi32, #tpu.memory_space<smem>>) -> (i32, i32, i32) {
    %get3A = arith.index_cast %arg0 : i32 to index
    %get3A_0 = memref.load %arg1[%get3A] : memref<32xi32, #tpu.memory_space<smem>>
    %c0_i32 = arith.constant 0 : i32
    %c0_i32_1 = arith.constant 0 : i32
    %c0_i32_2 = arith.constant 0 : i32
    return %get3A_0, %c0_i32, %c0_i32_1 : i32, i32, i32
  }
  func.func @transform_4(%arg0: i32, %arg1: memref<32xi32, #tpu.memory_space<smem>>, %arg2: memref<32xi32, #tpu.memory_space<smem>>) -> (i32, i32) {
    %get3A = arith.index_cast %arg0 : i32 to index
    %get3A_0 = memref.load %arg2[%get3A] : memref<32xi32, #tpu.memory_space<smem>>
    %c0_i32 = arith.constant 0 : i32
    %c0_i32_1 = arith.constant 0 : i32
    return %get3A_0, %c0_i32 : i32, i32
  }
}

</mosaic_0001>

<sc_bundles>
// kernel: kernel.6.cloned.1.call-start
scs
__scs_entry_jumppad:
0x0: {  	(pc) =	sbr.rel $0x88, $3  }
0x1: {  	(tag) =	ssettag $0x0;
	lr =	simm.s32 $0x1  }
0x2: {  	[smem:$0x3F92] =	sst lr;
	_ =	strace $0xD0000000  }
0x3: {  	_ = 	snop  }
0x4: {  	_ = 	snop  }
0x5: {  	_ = 	snop  }
0x6: {  	_ = 	snop  }
0x7: {  	_ = 	snop  }
__scs_overlays_trampoline_lowered:
0x8: {  	[smem:$0x3FA1] =	sst s0  }
0x9: {  	[smem:$0x3FA2] =	sst s1  }
0xa: {  	[smem:$0x3FA3] =	sst s2  }
0xb: {  	[smem:$0x3FA4] =	sst s3  }
0xc: {  	[smem:$0x3FA5] =	sst s4  }
0xd: {  	[smem:$0x3FA6] =	sst s5  }
0xe: {  	[smem:$0x3FA7] =	sst s6  }
0xf: {  	[smem:$0x3FA8] =	sst s7  }
0x10: {  	[smem:$0x3FA9] =	sst s8  }
0x11: {  	[smem:$0x3FAA] =	sst s9;
	s0 =	simm.s32 @!p0 $0x0  }
0x12: {  	s1 =	sld [smem:$0x3F90];
	s0 =	simm.s32 @p0 $0x1  }
0x13: {  	[smem:$0x3FAB] =	sst s0;
	s0 =	simm.s32 @!p1 $0x0  }
0x14: {  	s2 =	sld [smem:$0x3F8F];
	s0 =	simm.s32 @p1 $0x1  }
0x15: {  	[smem:$0x3FAC] =	sst s0;
	s0 =	simm.s32 @!p2 $0x0  }
0x16: {  	s3 =	sld [smem:$0x3FDB];
	s0 =	simm.s32 @p2 $0x1  }
0x17: {  	s4 =	simm.s32 $0x1BF5;
	[smem:$0x3FAE] =	sst s0  }
0x18: {  	s0 =	sld [smem:$0x3F91];
	_ =	swait.ge [sflag:s4], $0x0  }
0x19: {  	s7 =	sld [smem:$0x3F92]  }
0x1a: {  	s8 =	sadd.s32 $0xFFFFE003, lr  }
0x1b: {  	s9 =	sadd.s32 $0xFFFFFEF7, lr;
	s5 =	simm.s32 $0xFFFFFFFF;
	p2 =	slt.u32 s8, $0xFFFFF086  }
0x1c: {  	p1 =	slt.u32 s9, $0xF7A;
	s5 =	simm.s32 @!p2 $0x0  }
0x1d: {  	s5 =	simm.s32 @p1 $0x1;
	p0 =	seq.s32 s7, s2  }
0x1e: {  	s7 =	smul.u32 @!p0 $0xF7A, s2;
	p2 =	seq.s32 @!p0 s5, $0x0  }
0x1f: {  	s9 =	smul.u32 $0xF7A, s1;
	s8 =	simm.s32 @!p0 $0x1BF5;
	p2 =	por !p2, p0  }
0x20: {  	[sflag:s8] =	ssyncset.s32 @!p0 $0xFFFFF086;
	s6 =	sadd.s32 @!p0 s3, s7;
	s7 =	simm.s32 @!p0 $0x108  }
0x21: {  	s3 =	sadd.s32 s3, s9;
	s6 =	sadd.s32 @!p0 $0x88, s6;
	s7 =	simm.s32 @p2 $0x1082  }
0x22: {  	[simem:s7], [sflag:s8] =	dma.local @!p0 [hbm:s6], $0xF7A  }
0x23: {  	s9 =	sor.u32 $0xD0000000, s2;
	s6 =	simm.s32 $0x108;
	_ =	swait.ge @!p0 [sflag:s8], $0x0  }
0x24: {  	s3 =	sadd.s32 $0x88, s3;
	s6 =	simm.s32 @!p1 $0x1082;
	[sflag:s4] =	ssyncset.s32 $0xFFFFF086  }
0x25: {  	[simem:s6], [sflag:s4] =	dma.local [hbm:s3], $0xF7A  }
0x26: {  	[smem:$0x3F92] =	sst s1;
	(tag) =	ssettag s2;
	_ =	strace s9  }
0x27: {  	s1 =	sld [smem:$0x3FA2]  }
0x28: {  	s2 =	sld [smem:$0x3FA3]  }
0x29: {  	s4 =	sld [smem:$0x3FA5]  }
0x2a: {  	p0 =	seq.s32 s5, $0x0;
	s5 =	sld [smem:$0x3FA6]  }
0x2b: {  	s6 =	sld [smem:$0x3FA7]  }
0x2c: {  	s7 =	sld [smem:$0x3FA8]  }
0x2d: {  	s3 =	simm.s32 $0x108;
	s8 =	sld [smem:$0x3FA9]  }
0x2e: {  	s3 =	simm.s32 @!p0 $0x1082;
	s9 =	sld [smem:$0x3FAA]  }
0x2f: {  	lr =	sadd.s32 s0, s3;
	s0 =	sld [smem:$0x3FA1]  }
0x30: {  	s3 =	sld [smem:$0x3FA4]  }
0x31: {  	[smem:$0x3FAD] =	sst s10  }
0x32: {  	s10 =	sld [smem:$0x3FAB];
	_ =	sdelay $0x3  }
0x33: {  	p0 =	seq.s32 s10, $0x1;
	s10 =	sld [smem:$0x3FAD];
	_ =	sdelay $0x3  }
0x34: {  	[smem:$0x3FAD] =	sst s10  }
0x35: {  	s10 =	sld [smem:$0x3FAC];
	_ =	sdelay $0x3  }
0x36: {  	p1 =	seq.s32 s10, $0x1;
	s10 =	sld [smem:$0x3FAD];
	_ =	sdelay $0x3  }
0x37: {  	[smem:$0x3FAD] =	sst s10  }
0x38: {  	s10 =	sld [smem:$0x3FAE]  }
0x39: {  	_ = 	snop;
	(pc) =	sbr.ind lr, $3  }
0x3a: {  	_ = 	snop  }
0x3b: {  	_ = 	snop  }
0x3c: {  	p2 =	seq.s32 s10, $0x1;
	s10 =	sld [smem:$0x3FAD]  }
0x3d: {  	_ =	shalt  }
0x3e: {  	_ =	shalt  }
0x3f: {  	_ =	shalt  }
0x40: {  	_ =	shalt  }
0x41: {  	_ =	shalt  }
0x42: {  	_ =	shalt  }
0x43: {  	_ =	shalt  }
0x44: {  	_ =	shalt  }
0x45: {  	_ =	shalt  }
0x46: {  	_ =	shalt  }
0x47: {  	_ =	shalt  }
0x48: {  	_ =	shalt  }
0x49: {  	_ =	shalt  }
0x4a: {  	_ =	shalt  }
0x4b: {  	_ =	shalt  }
0x4c: {  	_ =	shalt  }
0x4d: {  	_ =	shalt  }
0x4e: {  	_ =	shalt  }
0x4f: {  	_ =	shalt  }
0x50: {  	_ =	shalt  }
0x51: {  	_ =	shalt  }
0x52: {  	_ =	shalt  }
0x53: {  	_ =	shalt  }
0x54: {  	_ =	shalt  }
0x55: {  	_ =	shalt  }
0x56: {  	_ =	shalt  }
0x57: {  	_ =	shalt  }
0x58: {  	_ =	shalt  }
0x59: {  	_ =	shalt  }
0x5a: {  	_ =	shalt  }
0x5b: {  	_ =	shalt  }
0x5c: {  	_ =	shalt  }
0x5d: {  	_ =	shalt  }
0x5e: {  	_ =	shalt  }
0x5f: {  	_ =	shalt  }
0x60: {  	_ =	shalt  }
0x61: {  	_ =	shalt  }
0x62: {  	_ =	shalt  }
0x63: {  	_ =	shalt  }
0x64: {  	_ =	shalt  }
0x65: {  	_ =	shalt  }
0x66: {  	_ =	shalt  }
0x67: {  	_ =	shalt  }
0x68: {  	_ =	shalt  }
0x69: {  	_ =	shalt  }
0x6a: {  	_ =	shalt  }
0x6b: {  	_ =	shalt  }
0x6c: {  	_ =	shalt  }
0x6d: {  	_ =	shalt  }
0x6e: {  	_ =	shalt  }
0x6f: {  	_ =	shalt  }
0x70: {  	_ =	shalt  }
0x71: {  	_ =	shalt  }
0x72: {  	_ =	shalt  }
0x73: {  	_ =	shalt  }
0x74: {  	_ =	shalt  }
0x75: {  	_ =	shalt  }
0x76: {  	_ =	shalt  }
0x77: {  	_ =	shalt  }
0x78: {  	_ =	shalt  }
0x79: {  	_ =	shalt  }
0x7a: {  	_ =	shalt  }
0x7b: {  	_ =	shalt  }
0x7c: {  	_ =	shalt  }
0x7d: {  	_ =	shalt  }
0x7e: {  	_ =	shalt  }
0x7f: {  	_ =	shalt  }
0x80: {  	_ =	shalt  }
0x81: {  	_ =	shalt  }
0x82: {  	_ =	shalt  }
0x83: {  	_ =	shalt  }
0x84: {  	_ =	shalt  }
0x85: {  	_ =	shalt  }
0x86: {  	_ =	shalt  }
0x87: {  	_ =	shalt  }
.Lfunc_end0:
.L_simem_size_0:
called_computation_lowered:
.L_overlay_start_0:
0x88: {  	s2 =	sld [smem:$0x3FD9]  }
0x89: {  	s3 =	sld [smem:$0x3FFE];
	_ =	sdelay $0x1  }
0x8a: {  	s1 =	srdreg.scid  }
0x8b: {  	s0 =	sand.u32 $0x1, s1  }
0x8c: {  	s14 =	sshll.u32 s0, $0xA;
	s2 =	sadd.s32 s3, s2  }
0x8d: {  	s2 =	sadd.s32 s2, s14  }
0x8e: {  	[smem:$0x3FB9] =	sst s2  }
0x8f: {  	_ = 	snop  }
0x90: {  	s2 =	sld [smem:$0x3FD0];
	_ =	sdelay $0x2  }
0x91: {  	s15 =	simm.s32 $0xA;
	s4 =	simm.s32 $0x10  }
0x92: {  	[smem:s4], [sflag:s15] =	dma.local [hbm:s2], $0x1  }
0x93: {  	_ =	swait.eq [sflag:s15], $0x1  }
0x94: {  	[sflag:s15] =	ssyncset.done $0x0  }
0x95: {  	[sflag:s15] =	ssyncadd.s32 $0xFFFFFFFF  }
0x96: {  	s16 =	sld [smem:$0x10];
	(tm) =	ssettm $0x1  }
0x97: {  	s17 =	sld [smem:$0x3FFB];
	_ =	sdelay $0x3  }
0x98: {  	_ =	strace s17  }
0x99: {  	s3 =	sld [smem:$0x3FFC];
	_ =	sdelay $0x3  }
0x9a: {  	_ =	strace s3  }
0x9b: {  	s3 =	sld [smem:$0x3FFD];
	_ =	sdelay $0x3  }
0x9c: {  	_ =	strace s3  }
0x9d: {  	_ =	strace $0x8FFFFFFF  }
0x9e: {  	s18 =	sld [smem:$0x3FDB];
	_ =	sdelay $0x1  }
0x9f: {  	s19 =	simm.s32 $_scs_section_size  }
0xa0: {  	s5 =	simm.s32 $_size__tile_overlayer_lowered;
	s6 =	simm.s32 $_tile_overlayer_lowered  }
0xa1: {  	s22 =	simm.s32 $0x1BFF;
	s21 =	sshll.u32 s6, $0x1;
	s3 =	sadd.s32 s19, s18  }
0xa2: {  	s7 =	simm.s32 $0x0;
	s20 =	sshll.u32 s5, $0x1;
	s5 =	sadd.s32 s21, s3  }
0xa3: {  	[timem:s7], [sflag:s22] =	dma.local [hbm:s5], s20  }
0xa4: {  	_ =	swait.ge [sflag:s22], s20  }
0xa5: {  	s4 =	ssub.s32 $0x0, s20;
	[sflag:s22] =	ssyncset.done $0x0  }
0xa6: {  	[sflag:s22] =	ssyncadd.s32 s4;
	_ =	sdelay $0x1  }
0xa7: {  	s23 =	simm.s32 $0x1B8B  }
0xa8: {  	_ =	swait.ge [sflag:s23], $0x1  }
0xa9: {  	[sflag:s23] =	ssyncset.done $0x0  }
0xaa: {  	s25 =	simm.s32 $0x1B8E;
	s24 =	sld [smem:$0x3FFE];
	[sflag:s23] =	ssyncadd.s32 $0xFFFFFFFF  }
0xab: {  	s26 =	simm.s32 $execute0_lowered;
	[smem:$0x3FD2] =	sst s25  }
0xac: {  	s5 =	sshll.u32 s26, $0x1;
	_ =	strace $0x80000046;
	[dreg:$0x1] =	wrdreg $0xFFFFFFFF  }
0xad: {  	s28 =	simm.s32 $_size_execute0_lowered;
	s3 =	sadd.s32 s3, s5;
	[dreg:$0x0] =	wrdreg $0x0  }
0xae: {  	s5 =	sshll.u32 s28, $0x1;
	[dreg:$0x2] =	wrdreg s3  }
0xaf: {  	[dreg:$0x3] =	wrdreg s5  }
0xb0: {  	[dreg:$0x4] =	wrdreg $0xC0  }
0xb1: {  	_ =	task [dreg:s7], $0x5FFFF  }
0xb2: {  	[dreg:$0x1] =	wrdreg $0xFFFFFFFF  }
0xb3: {  	[dreg:$0x0] =	wrdreg $0x60  }
0xb4: {  	[dreg:$0x2] =	wrdreg s16  }
0xb5: {  	[dreg:$0x3] =	wrdreg s24  }
0xb6: {  	[dreg:$0x4] =	wrdreg $0x9  }
0xb7: {  	_ =	task.clear_ibuf [dreg:s7], $0x5FFFF;
	_ =	strace $0x90000046  }
0xb8: {  	s29 =	simm.s32 $0x9;
	_ =	strace $0x80000048  }
0xb9: {  	_ =	swait.ge [sflag:s29], $0x1  }
0xba: {  	[sflag:s29] =	ssyncadd.s32 $0xFFFFFFFF  }
0xbb: {  	_ =	strace $0x90000048  }
0xbc: {  	_ =	sfence  }
0xbd: {  	s30 =	sld [smem:$0x0];
	_ =	sdelay $0x2  }
0xbe: {  	s31 =	sshll.u32 s1, $0xD;
	s1 =	sshrl.u32 s1, $0x2  }
0xbf: {  	s3 =	sand.u32 $0x4000, s31;
	s1 =	sadd.s32 s1, s30  }
0xc0: {  	s0 =	sor.u32 s3, s0;
	s1 =	sshll.u32 s1, $0x11  }
0xc1: {  	s0 =	sor.u32 s1, s0  }
0xc2: {  	s0 =	sadd.s32 $0x8F2B, s0  }
0xc3: {  	[sflag:s0] =	ssyncadd.remote.s32 $0x1  }
0xc4: {  	_ =	sfence.sel $0xFFFF  }
0xc5: {  	[dreg:$0x0] =	wrdreg $0xFFFFFFFF;
	(pc) =	sbr.abs _section_cstart, $3  }
0xc6: {  	[dreg:$0x1] =	wrdreg $0xFFFFFFFF  }
0xc7: {  	_ =	task.clear_ibuf [dreg:s7], $0x2FFFF;
	_ =	strace $0x9FFFFFFF  }
0xc8: {  	(tm) =	ssettm $0x7FFFFFFF  }
0xc9: {  	_ =	shalt  }
tec
execute0_lowered:
.L_overlay_start_1:
0x0: {  	(tag) =	ssettag $0x1  }
0x1: {  	s1 =	srdreg.scid  }
0x2: {  	s3 =	rddreg [dreg:$0x0];
	s0 =	stileid.u32  }
0x3: {  	s5 =	rddreg [dreg:$0x1];
	s2 =	simm.s32 $0x0;
	s8 =	simm.s32 $0x80  }
0x4: {  	s26 =	simm.s32 $0x880;
	s9 =	simm.s32 $0x1080;
	s10 =	simm.s32 $0x1880  }
0x5: {  	s11 =	simm.s32 $0x2080;
	s12 =	simm.s32 $0x2880;
	s13 =	simm.s32 $0x3080  }
0x6: {  	s14 =	simm.s32 $0x3880;
	s15 =	simm.s32 $0x4080;
	s16 =	simm.s32 $0x4880  }
0x7: {  	s17 =	simm.s32 $0x5080;
	s18 =	simm.s32 $0x5880;
	s19 =	simm.s32 $0x6080  }
0x8: {  	s20 =	simm.s32 $0x6880;
	s21 =	simm.s32 $0x7080;
	s22 =	simm.s32 $0x7880  }
0x9: {  	s23 =	simm.s32 $0x8080;
	s24 =	simm.s32 $0x8880;
	s25 =	simm.s32 $0x9080  }
0xa: {  	s28 =	simm.s32 $0xA080;
	s29 =	simm.s32 $0xA880;
	s30 =	simm.s32 $0xB080  }
0xb: {  	s31 =	simm.s32 $0xB880;
	s1 =	sand.u32 $0x1, s1;
	[smem:$0x7FF] =	sst s2  }
0xc: {  	s4 =	sshll.u32 s0, $0x4;
	s6 =	sshll.u32 s1, $0x3;
	_ =	strace $0x80000047  }
0xd: {  	s1 =	ssub.s32 $0x2, s1;
	[dreg:$0x5] =	wrdreg s26;
	s4 =	sor.u32 s6, s4  }
0xe: {  	s7 =	sshrl.u32 s1, $0x1;
	s6 =	sadd.s32 s4, s5;
	s4 =	smul.u32 $0x300, s4  }
0xf: {  	s26 =	simm.s32 $0x9880;
	s1 =	ssub.s32 s1, s7;
	s6 =	sadd.s32 $0x32200, s6  }
0x10: {  	v2 =	vlaneseq.u32;
	s7 =	simm.s32 $0x2;
	[dreg:$0x3] =	wrdreg s6;
	s4 =	sadd.s32 s3, s4  }
0x11: {  	vm0 =	vmmov $0xffff;
	v1 =	vshrl.u32 v2, $0x3;
	s3 =	sadd.s32 $0x32400, s5;
	s6 =	smax.u32 s1, $0x1;
	s1 =	simm.s32 $0x1  }
0x12: {  	v0 =	vand.u32 $0x7, v2;
	v2 =	vor.u32 $0x8, v2;
	v1 =	vmul.u32 $0x8, v1;
	[dreg:$0x4] =	wrdreg s4;
	s4 =	sadd.s32 $0x32500, s5;
	s5 =	sadd.s32 $0x32600, s5  }
.LBB2_1:
0x13: {  	s0 =	rddreg [dreg:$0x3]  }
0x14: {  	[tilespmem:s2], [sflag:$0x2] =	stream.linear.gather [hbm4b:s0+s2], $0x40, $0x38;
	[tilespmem:$0xC080] =	vst v63  }
0x15: {  	_ =	swait.ge [sflag:s7], $0x40  }
0x16: {  	[sflag:s7] =	ssyncset.done $0x0  }
0x17: {  	s0 =	rddreg [dreg:$0x4];
	[sflag:s7] =	ssyncadd.s32 $0xFFFFFFC0  }
0x18: {  	[tilespmem:s8], [sflag:$0x2] =	stream.linear.gather [hbm4b:s0+s2], $0xC000, $0x38;
	[tilespmem:$0xC080] =	vst v63  }
0x19: {  	_ =	swait.ge [sflag:s7], $0xC000  }
0x1a: {  	[sflag:s7] =	ssyncset.done $0x0  }
0x1b: {  	[sflag:s7] =	ssyncadd.s32 $0xFFFF4000  }
0x1c: {  	v3 =	vld [tilespmem:$0x0];
	_ =	sdelay $0x4  }
0x1d: {  	v4 =	vshrl.u32 v3, $0x3  }
0x1e: {  	v4 =	vmul.u32 $0x30, v4  }
0x1f: {  	v3 =	vand.u32 $0x7, v3  }
0x20: {  	v3 =	vor.u32 v3, v4  }
0x21: {  	v4 =	vperm.xlane v3, v0;
	_ =	sdelay $0x1  }
0x22: {  	v4 =	vadd.s32 v1, v4;
	_ =	sdelay $0x3  }
0x23: {  	v3 =	vperm.xlane v3, v2  }
0x24: {  	[hbm4b:s3+s2] =	stream.indirect_vreg.scatter [tilespmem:s8], [sflag:$0x1], $0x80, v4, vm0, $0xb8;
	[tilespmem:$0xC080] =	vst v63  }
0x25: {  	s0 =	rddreg [dreg:$0x5];
	v3 =	vadd.s32 v1, v3  }
0x26: {  	[hbm4b:s4+s2] =	stream.indirect_vreg.scatter [tilespmem:s0], [sflag:$0x1], $0x80, v4, vm0, $0xb8;
	[tilespmem:$0xC080] =	vst v63  }
0x27: {  	_ = 	snop  }
0x28: {  	[hbm4b:s5+s2] =	stream.indirect_vreg.scatter [tilespmem:s9], [sflag:$0x1], $0x80, v4, vm0, $0xb8;
	[tilespmem:$0xC080] =	vst v63  }
0x29: {  	_ = 	snop  }
0x2a: {  	[hbm4b:s3+s2] =	stream.indirect_vreg.scatter [tilespmem:s10], [sflag:$0x1], $0x80, v3, vm0, $0xb8;
	[tilespmem:$0xC080] =	vst v63  }
0x2b: {  	_ = 	snop  }
0x2c: {  	[hbm4b:s4+s2] =	stream.indirect_vreg.scatter [tilespmem:s11], [sflag:$0x1], $0x80, v3, vm0, $0xb8;
	[tilespmem:$0xC080] =	vst v63  }
0x2d: {  	_ = 	snop  }
0x2e: {  	[hbm4b:s5+s2] =	stream.indirect_vreg.scatter [tilespmem:s12], [sflag:$0x1], $0x80, v3, vm0, $0xb8;
	[tilespmem:$0xC080] =	vst v63  }
0x2f: {  	v3 =	vld [tilespmem:$0x10];
	_ =	sdelay $0x4  }
0x30: {  	v61 =	vshrl.u32 v3, $0x3  }
0x31: {  	v4 =	vmul.u32 $0x30, v61  }
0x32: {  	v3 =	vand.u32 $0x7, v3  }
0x33: {  	v3 =	vor.u32 v3, v4  }
0x34: {  	v4 =	vperm.xlane v3, v0;
	_ =	sdelay $0x1  }
0x35: {  	v4 =	vadd.s32 v1, v4;
	_ =	sdelay $0x3  }
0x36: {  	v3 =	vperm.xlane v3, v2  }
0x37: {  	[hbm4b:s3+s2] =	stream.indirect_vreg.scatter [tilespmem:s13], [sflag:$0x1], $0x80, v4, vm0, $0xb8;
	[tilespmem:$0xC080] =	vst v63  }
0x38: {  	v3 =	vadd.s32 v1, v3  }
0x39: {  	[hbm4b:s4+s2] =	stream.indirect_vreg.scatter [tilespmem:s14], [sflag:$0x1], $0x80, v4, vm0, $0xb8;
	[tilespmem:$0xC080] =	vst v63  }
0x3a: {  	_ = 	snop  }
0x3b: {  	[hbm4b:s5+s2] =	stream.indirect_vreg.scatter [tilespmem:s15], [sflag:$0x1], $0x80, v4, vm0, $0xb8;
	[tilespmem:$0xC080] =	vst v63  }
0x3c: {  	_ = 	snop  }
0x3d: {  	[hbm4b:s3+s2] =	stream.indirect_vreg.scatter [tilespmem:s16], [sflag:$0x1], $0x80, v3, vm0, $0xb8;
	[tilespmem:$0xC080] =	vst v63  }
0x3e: {  	_ = 	snop  }
0x3f: {  	[hbm4b:s4+s2] =	stream.indirect_vreg.scatter [tilespmem:s17], [sflag:$0x1], $0x80, v3, vm0, $0xb8;
	[tilespmem:$0xC080] =	vst v63  }
0x40: {  	_ = 	snop  }
0x41: {  	[hbm4b:s5+s2] =	stream.indirect_vreg.scatter [tilespmem:s18], [sflag:$0x1], $0x80, v3, vm0, $0xb8;
	[tilespmem:$0xC080] =	vst v63  }
0x42: {  	v3 =	vld [tilespmem:$0x20];
	_ =	sdelay $0x4  }
0x43: {  	v62 =	vshrl.u32 v3, $0x3  }
0x44: {  	v4 =	vmul.u32 $0x30, v62  }
0x45: {  	v3 =	vand.u32 $0x7, v3  }
0x46: {  	v3 =	vor.u32 v3, v4  }
0x47: {  	v4 =	vperm.xlane v3, v0;
	_ =	sdelay $0x1  }
0x48: {  	v4 =	vadd.s32 v1, v4;
	_ =	sdelay $0x3  }
0x49: {  	v3 =	vperm.xlane v3, v2  }
0x4a: {  	[hbm4b:s3+s2] =	stream.indirect_vreg.scatter [tilespmem:s19], [sflag:$0x1], $0x80, v4, vm0, $0xb8;
	[tilespmem:$0xC080] =	vst v63  }
0x4b: {  	v3 =	vadd.s32 v1, v3  }
0x4c: {  	[hbm4b:s4+s2] =	stream.indirect_vreg.scatter [tilespmem:s20], [sflag:$0x1], $0x80, v4, vm0, $0xb8;
	[tilespmem:$0xC080] =	vst v63  }
0x4d: {  	_ = 	snop  }
0x4e: {  	[hbm4b:s5+s2] =	stream.indirect_vreg.scatter [tilespmem:s21], [sflag:$0x1], $0x80, v4, vm0, $0xb8;
	[tilespmem:$0xC080] =	vst v63  }
0x4f: {  	_ = 	snop  }
0x50: {  	[hbm4b:s3+s2] =	stream.indirect_vreg.scatter [tilespmem:s22], [sflag:$0x1], $0x80, v3, vm0, $0xb8;
	[tilespmem:$0xC080] =	vst v63  }
0x51: {  	_ = 	snop  }
0x52: {  	[hbm4b:s4+s2] =	stream.indirect_vreg.scatter [tilespmem:s23], [sflag:$0x1], $0x80, v3, vm0, $0xb8;
	[tilespmem:$0xC080] =	vst v63  }
0x53: {  	_ = 	snop  }
0x54: {  	[hbm4b:s5+s2] =	stream.indirect_vreg.scatter [tilespmem:s24], [sflag:$0x1], $0x80, v3, vm0, $0xb8;
	[tilespmem:$0xC080] =	vst v63  }
0x55: {  	v3 =	vld [tilespmem:$0x30];
	_ =	sdelay $0x4  }
0x56: {  	v63 =	vshrl.u32 v3, $0x3  }
0x57: {  	v4 =	vmul.u32 $0x30, v63  }
0x58: {  	v3 =	vand.u32 $0x7, v3  }
0x59: {  	v3 =	vor.u32 v3, v4  }
0x5a: {  	v4 =	vperm.xlane v3, v0;
	_ =	sdelay $0x1  }
0x5b: {  	v4 =	vadd.s32 v1, v4;
	_ =	sdelay $0x3  }
0x5c: {  	v3 =	vperm.xlane v3, v2  }
0x5d: {  	[hbm4b:s3+s2] =	stream.indirect_vreg.scatter [tilespmem:s25], [sflag:$0x1], $0x80, v4, vm0, $0xb8;
	[tilespmem:$0xC080] =	vst v63  }
0x5e: {  	v3 =	vadd.s32 v1, v3  }
0x5f: {  	[hbm4b:s4+s2] =	stream.indirect_vreg.scatter [tilespmem:s26], [sflag:$0x1], $0x80, v4, vm0, $0xb8;
	[tilespmem:$0xC080] =	vst v63  }
0x60: {  	_ = 	snop  }
0x61: {  	[hbm4b:s5+s2] =	stream.indirect_vreg.scatter [tilespmem:s28], [sflag:$0x1], $0x80, v4, vm0, $0xb8;
	[tilespmem:$0xC080] =	vst v63  }
0x62: {  	_ = 	snop  }
0x63: {  	[hbm4b:s3+s2] =	stream.indirect_vreg.scatter [tilespmem:s29], [sflag:$0x1], $0x80, v3, vm0, $0xb8;
	[tilespmem:$0xC080] =	vst v63  }
0x64: {  	p0 =	sne.s32 s6, $0x1  }
0x65: {  	[hbm4b:s4+s2] =	stream.indirect_vreg.scatter [tilespmem:s30], [sflag:$0x1], $0x80, v3, vm0, $0xb8;
	[tilespmem:$0xC080] =	vst v63  }
.Ltmp0:
0x66: {  	_ = 	snop;
	(pc) =	sbr.rel @p0 .LBB2_1-.Ltmp0, $4  }
0x67: {  	[hbm4b:s5+s2] =	stream.indirect_vreg.scatter [tilespmem:s31], [sflag:$0x1], $0x80, v3, vm0, $0xb8;
	[tilespmem:$0xC080] =	vst v63  }
0x68: {  	_ =	swait.ge [sflag:s1], $0xC000  }
0x69: {  	[sflag:s1] =	ssyncset.done $0x0  }
0x6a: {  	s6 =	sadd.s32 $0xFFFFFFFF, s6;
	[sflag:s1] =	ssyncadd.s32 $0xFFFF4000  }
0x6b: {  	_ =	sfence.sel $0x180000  }
0x6c: {  	[bflag:$0x0] =	sbarrier.arrive $0xFFFF  }
0x6d: {  	_ =	strace $0x90000047  }
0x6e: {  	s0 =	stileid.u32;
	[bflag:$0x2] =	sbarrier.arrive $0xFFFF  }
0x6f: {  	p0 =	sne.s32 s0, $0x0;
	s0 =	rddreg [dreg:$0x2]  }
0x70: {  	s0 =	sadd.s32 @!p0 $0x100000, s0  }
0x71: {  	[sflag:s0] =	ssyncadd.tile.s32 @!p0 $0x1;
	_ =	shalt  }
.Lfunc_end2:
_tile_overlayer_lowered:
.L_overlay_start_2:
0x72: {  	(tag) =	ssettag $0x2  }
0x73: {  	s0 =	rddreg [dreg:$0x0];
	s2 =	stileid.u32  }
0x74: {  	s1 =	rddreg [dreg:$0x1];
	p0 =	sne.s32 s2, $0x0  }
0x75: {  	s3 =	rddreg [dreg:$0x2];
	[bflag:$0x3] =	sbarrier.arrive $0xFFFF;
	s2 =	simm.s32 @!p0 $0x1C02  }
0x76: {  	[timem:s3], [sflag:s2] =	dma.local @!p0 [hbm:s0], s1  }
0x77: {  	s0 =	simm.s32 @!p0 $0x2  }
0x78: {  	_ =	swait.ge @!p0 [sflag:s0], s1  }
0x79: {  	s1 =	ssub.s32 @!p0 $0x0, s1;
	[sflag:s0] =	ssyncset.done @!p0 $0x0  }
0x7a: {  	[sflag:s0] =	ssyncadd.s32 @!p0 s1  }
0x7b: {  	[bflag:$0x3] =	sbarrier.arrive $0xFFFF  }
0x7c: {  	_ =	shalt  }

// kernel: kernel.9.cloned.1.call-start
scs
__scs_entry_jumppad:
0x0: {  	(pc) =	sbr.rel $0x88, $3  }
0x1: {  	(tag) =	ssettag $0x0;
	lr =	simm.s32 $0x1  }
0x2: {  	[smem:$0x3F92] =	sst lr;
	_ =	strace $0xD0000000  }
0x3: {  	_ = 	snop  }
0x4: {  	_ = 	snop  }
0x5: {  	_ = 	snop  }
0x6: {  	_ = 	snop  }
0x7: {  	_ = 	snop  }
__scs_overlays_trampoline_lowered:
0x8: {  	[smem:$0x3FA1] =	sst s0  }
0x9: {  	[smem:$0x3FA2] =	sst s1  }
0xa: {  	[smem:$0x3FA3] =	sst s2  }
0xb: {  	[smem:$0x3FA4] =	sst s3  }
0xc: {  	[smem:$0x3FA5] =	sst s4  }
0xd: {  	[smem:$0x3FA6] =	sst s5  }
0xe: {  	[smem:$0x3FA7] =	sst s6  }
0xf: {  	[smem:$0x3FA8] =	sst s7  }
0x10: {  	[smem:$0x3FA9] =	sst s8  }
0x11: {  	[smem:$0x3FAA] =	sst s9;
	s0 =	simm.s32 @!p0 $0x0  }
0x12: {  	s1 =	sld [smem:$0x3F90];
	s0 =	simm.s32 @p0 $0x1  }
0x13: {  	[smem:$0x3FAB] =	sst s0;
	s0 =	simm.s32 @!p1 $0x0  }
0x14: {  	s2 =	sld [smem:$0x3F8F];
	s0 =	simm.s32 @p1 $0x1  }
0x15: {  	[smem:$0x3FAC] =	sst s0;
	s0 =	simm.s32 @!p2 $0x0  }
0x16: {  	s3 =	sld [smem:$0x3FDB];
	s0 =	simm.s32 @p2 $0x1  }
0x17: {  	s4 =	simm.s32 $0x1BF5;
	[smem:$0x3FAE] =	sst s0  }
0x18: {  	s0 =	sld [smem:$0x3F91];
	_ =	swait.ge [sflag:s4], $0x0  }
0x19: {  	s7 =	sld [smem:$0x3F92]  }
0x1a: {  	s8 =	sadd.s32 $0xFFFFE003, lr  }
0x1b: {  	s9 =	sadd.s32 $0xFFFFFEF7, lr;
	s5 =	simm.s32 $0xFFFFFFFF;
	p2 =	slt.u32 s8, $0xFFFFF086  }
0x1c: {  	p1 =	slt.u32 s9, $0xF7A;
	s5 =	simm.s32 @!p2 $0x0  }
0x1d: {  	s5 =	simm.s32 @p1 $0x1;
	p0 =	seq.s32 s7, s2  }
0x1e: {  	s7 =	smul.u32 @!p0 $0xF7A, s2;
	p2 =	seq.s32 @!p0 s5, $0x0  }
0x1f: {  	s9 =	smul.u32 $0xF7A, s1;
	s8 =	simm.s32 @!p0 $0x1BF5;
	p2 =	por !p2, p0  }
0x20: {  	[sflag:s8] =	ssyncset.s32 @!p0 $0xFFFFF086;
	s6 =	sadd.s32 @!p0 s3, s7;
	s7 =	simm.s32 @!p0 $0x108  }
0x21: {  	s3 =	sadd.s32 s3, s9;
	s6 =	sadd.s32 @!p0 $0x88, s6;
	s7 =	simm.s32 @p2 $0x1082  }
0x22: {  	[simem:s7], [sflag:s8] =	dma.local @!p0 [hbm:s6], $0xF7A  }
0x23: {  	s9 =	sor.u32 $0xD0000000, s2;
	s6 =	simm.s32 $0x108;
	_ =	swait.ge @!p0 [sflag:s8], $0x0  }
0x24: {  	s3 =	sadd.s32 $0x88, s3;
	s6 =	simm.s32 @!p1 $0x1082;
	[sflag:s4] =	ssyncset.s32 $0xFFFFF086  }
0x25: {  	[simem:s6], [sflag:s4] =	dma.local [hbm:s3], $0xF7A  }
0x26: {  	[smem:$0x3F92] =	sst s1;
	(tag) =	ssettag s2;
	_ =	strace s9  }
0x27: {  	s1 =	sld [smem:$0x3FA2]  }
0x28: {  	s2 =	sld [smem:$0x3FA3]  }
0x29: {  	s4 =	sld [smem:$0x3FA5]  }
0x2a: {  	p0 =	seq.s32 s5, $0x0;
	s5 =	sld [smem:$0x3FA6]  }
0x2b: {  	s6 =	sld [smem:$0x3FA7]  }
0x2c: {  	s7 =	sld [smem:$0x3FA8]  }
0x2d: {  	s3 =	simm.s32 $0x108;
	s8 =	sld [smem:$0x3FA9]  }
0x2e: {  	s3 =	simm.s32 @!p0 $0x1082;
	s9 =	sld [smem:$0x3FAA]  }
0x2f: {  	lr =	sadd.s32 s0, s3;
	s0 =	sld [smem:$0x3FA1]  }
0x30: {  	s3 =	sld [smem:$0x3FA4]  }
0x31: {  	[smem:$0x3FAD] =	sst s10  }
0x32: {  	s10 =	sld [smem:$0x3FAB];
	_ =	sdelay $0x3  }
0x33: {  	p0 =	seq.s32 s10, $0x1;
	s10 =	sld [smem:$0x3FAD];
	_ =	sdelay $0x3  }
0x34: {  	[smem:$0x3FAD] =	sst s10  }
0x35: {  	s10 =	sld [smem:$0x3FAC];
	_ =	sdelay $0x3  }
0x36: {  	p1 =	seq.s32 s10, $0x1;
	s10 =	sld [smem:$0x3FAD];
	_ =	sdelay $0x3  }
0x37: {  	[smem:$0x3FAD] =	sst s10  }
0x38: {  	s10 =	sld [smem:$0x3FAE]  }
0x39: {  	_ = 	snop;
	(pc) =	sbr.ind lr, $3  }
0x3a: {  	_ = 	snop  }
0x3b: {  	_ = 	snop  }
0x3c: {  	p2 =	seq.s32 s10, $0x1;
	s10 =	sld [smem:$0x3FAD]  }
0x3d: {  	_ =	shalt  }
0x3e: {  	_ =	shalt  }
0x3f: {  	_ =	shalt  }
0x40: {  	_ =	shalt  }
0x41: {  	_ =	shalt  }
0x42: {  	_ =	shalt  }
0x43: {  	_ =	shalt  }
0x44: {  	_ =	shalt  }
0x45: {  	_ =	shalt  }
0x46: {  	_ =	shalt  }
0x47: {  	_ =	shalt  }
0x48: {  	_ =	shalt  }
0x49: {  	_ =	shalt  }
0x4a: {  	_ =	shalt  }
0x4b: {  	_ =	shalt  }
0x4c: {  	_ =	shalt  }
0x4d: {  	_ =	shalt  }
0x4e: {  	_ =	shalt  }
0x4f: {  	_ =	shalt  }
0x50: {  	_ =	shalt  }
0x51: {  	_ =	shalt  }
0x52: {  	_ =	shalt  }
0x53: {  	_ =	shalt  }
0x54: {  	_ =	shalt  }
0x55: {  	_ =	shalt  }
0x56: {  	_ =	shalt  }
0x57: {  	_ =	shalt  }
0x58: {  	_ =	shalt  }
0x59: {  	_ =	shalt  }
0x5a: {  	_ =	shalt  }
0x5b: {  	_ =	shalt  }
0x5c: {  	_ =	shalt  }
0x5d: {  	_ =	shalt  }
0x5e: {  	_ =	shalt  }
0x5f: {  	_ =	shalt  }
0x60: {  	_ =	shalt  }
0x61: {  	_ =	shalt  }
0x62: {  	_ =	shalt  }
0x63: {  	_ =	shalt  }
0x64: {  	_ =	shalt  }
0x65: {  	_ =	shalt  }
0x66: {  	_ =	shalt  }
0x67: {  	_ =	shalt  }
0x68: {  	_ =	shalt  }
0x69: {  	_ =	shalt  }
0x6a: {  	_ =	shalt  }
0x6b: {  	_ =	shalt  }
0x6c: {  	_ =	shalt  }
0x6d: {  	_ =	shalt  }
0x6e: {  	_ =	shalt  }
0x6f: {  	_ =	shalt  }
0x70: {  	_ =	shalt  }
0x71: {  	_ =	shalt  }
0x72: {  	_ =	shalt  }
0x73: {  	_ =	shalt  }
0x74: {  	_ =	shalt  }
0x75: {  	_ =	shalt  }
0x76: {  	_ =	shalt  }
0x77: {  	_ =	shalt  }
0x78: {  	_ =	shalt  }
0x79: {  	_ =	shalt  }
0x7a: {  	_ =	shalt  }
0x7b: {  	_ =	shalt  }
0x7c: {  	_ =	shalt  }
0x7d: {  	_ =	shalt  }
0x7e: {  	_ =	shalt  }
0x7f: {  	_ =	shalt  }
0x80: {  	_ =	shalt  }
0x81: {  	_ =	shalt  }
0x82: {  	_ =	shalt  }
0x83: {  	_ =	shalt  }
0x84: {  	_ =	shalt  }
0x85: {  	_ =	shalt  }
0x86: {  	_ =	shalt  }
0x87: {  	_ =	shalt  }
.Lfunc_end0:
.L_simem_size_0:
called_computation.1_lowered:
.L_overlay_start_0:
0x88: {  	s2 =	sld [smem:$0x3FD9]  }
0x89: {  	s3 =	sld [smem:$0x3FFE];
	_ =	sdelay $0x1  }
0x8a: {  	s1 =	srdreg.scid  }
0x8b: {  	s0 =	sand.u32 $0x1, s1  }
0x8c: {  	s14 =	sshll.u32 s0, $0xA;
	s2 =	sadd.s32 s3, s2  }
0x8d: {  	s2 =	sadd.s32 s2, s14  }
0x8e: {  	[smem:$0x3FB9] =	sst s2  }
0x8f: {  	_ = 	snop  }
0x90: {  	s2 =	sld [smem:$0x3FD0];
	_ =	sdelay $0x2  }
0x91: {  	s15 =	simm.s32 $0xA;
	s4 =	simm.s32 $0x10  }
0x92: {  	[smem:s4], [sflag:s15] =	dma.local [hbm:s2], $0x1  }
0x93: {  	_ =	swait.eq [sflag:s15], $0x1  }
0x94: {  	[sflag:s15] =	ssyncset.done $0x0  }
0x95: {  	[sflag:s15] =	ssyncadd.s32 $0xFFFFFFFF  }
0x96: {  	s16 =	sld [smem:$0x10];
	(tm) =	ssettm $0x1  }
0x97: {  	s17 =	sld [smem:$0x3FFB];
	_ =	sdelay $0x3  }
0x98: {  	_ =	strace s17  }
0x99: {  	s3 =	sld [smem:$0x3FFC];
	_ =	sdelay $0x3  }
0x9a: {  	_ =	strace s3  }
0x9b: {  	s3 =	sld [smem:$0x3FFD];
	_ =	sdelay $0x3  }
0x9c: {  	_ =	strace s3  }
0x9d: {  	_ =	strace $0x8FFFFFFF  }
0x9e: {  	s18 =	sld [smem:$0x3FDB];
	_ =	sdelay $0x1  }
0x9f: {  	s19 =	simm.s32 $_scs_section_size  }
0xa0: {  	s5 =	simm.s32 $_size__tile_overlayer_lowered;
	s6 =	simm.s32 $_tile_overlayer_lowered  }
0xa1: {  	s22 =	simm.s32 $0x1BFF;
	s21 =	sshll.u32 s6, $0x1;
	s3 =	sadd.s32 s19, s18  }
0xa2: {  	s7 =	simm.s32 $0x0;
	s20 =	sshll.u32 s5, $0x1;
	s5 =	sadd.s32 s21, s3  }
0xa3: {  	[timem:s7], [sflag:s22] =	dma.local [hbm:s5], s20  }
0xa4: {  	_ =	swait.ge [sflag:s22], s20  }
0xa5: {  	s4 =	ssub.s32 $0x0, s20;
	[sflag:s22] =	ssyncset.done $0x0  }
0xa6: {  	[sflag:s22] =	ssyncadd.s32 s4;
	_ =	sdelay $0x1  }
0xa7: {  	s23 =	simm.s32 $0x1B8B  }
0xa8: {  	_ =	swait.ge [sflag:s23], $0x1  }
0xa9: {  	[sflag:s23] =	ssyncset.done $0x0  }
0xaa: {  	s25 =	simm.s32 $0x1B8E;
	s24 =	sld [smem:$0x3FFE];
	[sflag:s23] =	ssyncadd.s32 $0xFFFFFFFF  }
0xab: {  	s26 =	simm.s32 $execute0_lowered;
	[smem:$0x3FD2] =	sst s25  }
0xac: {  	s5 =	sshll.u32 s26, $0x1;
	_ =	strace $0x80000049;
	[dreg:$0x1] =	wrdreg $0xFFFFFFFF  }
0xad: {  	s28 =	simm.s32 $_size_execute0_lowered;
	s3 =	sadd.s32 s3, s5;
	[dreg:$0x0] =	wrdreg $0x0  }
0xae: {  	s5 =	sshll.u32 s28, $0x1;
	[dreg:$0x2] =	wrdreg s3  }
0xaf: {  	[dreg:$0x3] =	wrdreg s5  }
0xb0: {  	[dreg:$0x4] =	wrdreg $0xC0  }
0xb1: {  	_ =	task [dreg:s7], $0x5FFFF  }
0xb2: {  	[dreg:$0x1] =	wrdreg $0xFFFFFFFF  }
0xb3: {  	[dreg:$0x0] =	wrdreg $0x60  }
0xb4: {  	[dreg:$0x2] =	wrdreg s24  }
0xb5: {  	[dreg:$0x3] =	wrdreg s16  }
0xb6: {  	[dreg:$0x4] =	wrdreg $0x9  }
0xb7: {  	_ =	task.clear_ibuf [dreg:s7], $0x5FFFF;
	_ =	strace $0x90000049  }
0xb8: {  	s29 =	simm.s32 $0x9;
	_ =	strace $0x8000004B  }
0xb9: {  	_ =	swait.ge [sflag:s29], $0x1  }
0xba: {  	[sflag:s29] =	ssyncadd.s32 $0xFFFFFFFF  }
0xbb: {  	_ =	strace $0x9000004B  }
0xbc: {  	_ =	sfence  }
0xbd: {  	s30 =	sld [smem:$0x0];
	_ =	sdelay $0x2  }
0xbe: {  	s31 =	sshll.u32 s1, $0xD;
	s1 =	sshrl.u32 s1, $0x2  }
0xbf: {  	s3 =	sand.u32 $0x4000, s31;
	s1 =	sadd.s32 s1, s30  }
0xc0: {  	s0 =	sor.u32 s3, s0;
	s1 =	sshll.u32 s1, $0x11  }
0xc1: {  	s0 =	sor.u32 s1, s0  }
0xc2: {  	s0 =	sadd.s32 $0x8F2B, s0  }
0xc3: {  	[sflag:s0] =	ssyncadd.remote.s32 $0x1  }
0xc4: {  	_ =	sfence.sel $0xFFFF  }
0xc5: {  	[dreg:$0x0] =	wrdreg $0xFFFFFFFF;
	(pc) =	sbr.abs _section_cstart, $3  }
0xc6: {  	[dreg:$0x1] =	wrdreg $0xFFFFFFFF  }
0xc7: {  	_ =	task.clear_ibuf [dreg:s7], $0x2FFFF;
	_ =	strace $0x9FFFFFFF  }
0xc8: {  	(tm) =	ssettm $0x7FFFFFFF  }
0xc9: {  	_ =	shalt  }
tec
execute0_lowered:
.L_overlay_start_1:
0x0: {  	(tag) =	ssettag $0x1  }
0x1: {  	s0 =	srdreg.scid  }
0x2: {  	s1 =	rddreg [dreg:$0x0];
	s2 =	stileid.u32  }
0x3: {  	s8 =	rddreg [dreg:$0x1];
	s10 =	simm.s32 $0x3;
	s12 =	simm.s32 $0x80  }
0x4: {  	s23 =	simm.s32 $0x5880;
	s24 =	simm.s32 $0x6080;
	s25 =	simm.s32 $0x6880  }
0x5: {  	s26 =	simm.s32 $0x7080;
	s28 =	simm.s32 $0x7880;
	s29 =	simm.s32 $0x8080  }
0x6: {  	s30 =	simm.s32 $0x8880;
	s31 =	simm.s32 $0x9080;
	s11 =	simm.s32 $0xA880  }
0x7: {  	s13 =	simm.s32 $0xB080;
	s14 =	simm.s32 $0xB880;
	s15 =	simm.s32 $0x1  }
0x8: {  	s16 =	simm.s32 $0x2;
	s17 =	simm.s32 $0x0;
	s0 =	sand.u32 $0x1, s0  }
0x9: {  	s3 =	sshll.u32 s2, $0x4;
	s2 =	simm.s32 $0x0;
	s7 =	sadd.s32 $0x32600, s1  }
0xa: {  	s4 =	sshll.u32 s0, $0x3;
	[smem:$0x7FF] =	sst s2;
	s0 =	ssub.s32 $0x2, s0  }
0xb: {  	s4 =	sor.u32 s4, s3;
	_ =	strace $0x8000004A;
	s3 =	sadd.s32 $0x32400, s1  }
0xc: {  	s6 =	sshrl.u32 s0, $0x1;
	s9 =	smul.u32 $0x300, s4;
	s4 =	sadd.s32 s4, s1  }
0xd: {  	v2 =	vlaneseq.u32;
	s0 =	ssub.s32 s0, s6;
	s6 =	sadd.s32 $0x32500, s1;
	s4 =	sadd.s32 $0x32200, s4  }
0xe: {  	vm0 =	vmmov $0xffff;
	v1 =	vshrl.u32 v2, $0x3;
	s5 =	sadd.s32 s9, s1;
	s8 =	sadd.s32 s8, s9;
	s9 =	smax.u32 s0, $0x1  }
0xf: {  	v0 =	vand.u32 $0x7, v2;
	v2 =	vor.u32 $0x8, v2;
	v1 =	vmul.u32 $0x8, v1;
	s1 =	simm.s32 $0x9880;
	s0 =	simm.s32 $0xA080;
	s5 =	sadd.s32 $0x2200, s5  }
.LBB2_1:
0x10: {  	[tilespmem:s2], [sflag:$0x3] =	stream.linear.gather [hbm4b:s4+s2], $0x40, $0x38;
	[tilespmem:$0x18080] =	vst v63  }
0x11: {  	_ =	swait.ge [sflag:s10], $0x40  }
0x12: {  	[sflag:s10] =	ssyncset.done $0x0  }
0x13: {  	s18 =	simm.s32 $0xC080;
	[sflag:s10] =	ssyncadd.s32 $0xFFFFFFC0  }
0x14: {  	[tilespmem:s18], [sflag:$0x2] =	stream.linear.gather [hbm4b:s5+s2], $0xC000, $0x38;
	[tilespmem:$0x18080] =	vst v63  }
0x15: {  	v3 =	vld [tilespmem:$0x0];
	_ =	sdelay $0x4  }
0x16: {  	v4 =	vshrl.u32 v3, $0x3  }
0x17: {  	v4 =	vmul.u32 $0x30, v4  }
0x18: {  	v3 =	vand.u32 $0x7, v3  }
0x19: {  	v3 =	vor.u32 v3, v4  }
0x1a: {  	v4 =	vperm.xlane v3, v0;
	_ =	sdelay $0x1  }
0x1b: {  	v4 =	vadd.s32 v1, v4;
	_ =	sdelay $0x3  }
0x1c: {  	v3 =	vperm.xlane v3, v2  }
0x1d: {  	[tilespmem:s12], [sflag:$0x1] =	stream.indirect_vreg.gather [hbm4b:s3+s2], $0x80, v4, vm0, $0xb8;
	[tilespmem:$0x18080] =	vst v63  }
0x1e: {  	s20 =	simm.s32 $0x880;
	v3 =	vadd.s32 v1, v3  }
0x1f: {  	[tilespmem:s20], [sflag:$0x1] =	stream.indirect_vreg.gather [hbm4b:s6+s2], $0x80, v4, vm0, $0xb8;
	[tilespmem:$0x18080] =	vst v63  }
0x20: {  	s21 =	simm.s32 $0x1080  }
0x21: {  	[tilespmem:s21], [sflag:$0x1] =	stream.indirect_vreg.gather [hbm4b:s7+s2], $0x80, v4, vm0, $0xb8;
	[tilespmem:$0x18080] =	vst v63  }
0x22: {  	s22 =	simm.s32 $0x1880  }
0x23: {  	[tilespmem:s22], [sflag:$0x1] =	stream.indirect_vreg.gather [hbm4b:s3+s2], $0x80, v3, vm0, $0xb8;
	[tilespmem:$0x18080] =	vst v63  }
0x24: {  	s19 =	simm.s32 $0x2080  }
0x25: {  	[tilespmem:s19], [sflag:$0x1] =	stream.indirect_vreg.gather [hbm4b:s6+s2], $0x80, v3, vm0, $0xb8;
	[tilespmem:$0x18080] =	vst v63  }
0x26: {  	s20 =	simm.s32 $0x2880  }
0x27: {  	[tilespmem:s20], [sflag:$0x1] =	stream.indirect_vreg.gather [hbm4b:s7+s2], $0x80, v3, vm0, $0xb8;
	[tilespmem:$0x18080] =	vst v63  }
0x28: {  	v3 =	vld [tilespmem:$0x10];
	_ =	sdelay $0x4  }
0x29: {  	v4 =	vshrl.u32 v3, $0x3  }
0x2a: {  	v4 =	vmul.u32 $0x30, v4  }
0x2b: {  	v3 =	vand.u32 $0x7, v3  }
0x2c: {  	v3 =	vor.u32 v3, v4  }
0x2d: {  	v4 =	vperm.xlane v3, v0;
	_ =	sdelay $0x1  }
0x2e: {  	v4 =	vadd.s32 v1, v4;
	_ =	sdelay $0x3  }
0x2f: {  	s21 =	simm.s32 $0x3080;
	v3 =	vperm.xlane v3, v2  }
0x30: {  	[tilespmem:s21], [sflag:$0x1] =	stream.indirect_vreg.gather [hbm4b:s3+s2], $0x80, v4, vm0, $0xb8;
	[tilespmem:$0x18080] =	vst v63  }
0x31: {  	s22 =	simm.s32 $0x3880;
	v3 =	vadd.s32 v1, v3  }
0x32: {  	[tilespmem:s22], [sflag:$0x1] =	stream.indirect_vreg.gather [hbm4b:s6+s2], $0x80, v4, vm0, $0xb8;
	[tilespmem:$0x18080] =	vst v63  }
0x33: {  	s19 =	simm.s32 $0x4080  }
0x34: {  	[tilespmem:s19], [sflag:$0x1] =	stream.indirect_vreg.gather [hbm4b:s7+s2], $0x80, v4, vm0, $0xb8;
	[tilespmem:$0x18080] =	vst v63  }
0x35: {  	s20 =	simm.s32 $0x4880  }
0x36: {  	[tilespmem:s20], [sflag:$0x1] =	stream.indirect_vreg.gather [hbm4b:s3+s2], $0x80, v3, vm0, $0xb8;
	[tilespmem:$0x18080] =	vst v63  }
0x37: {  	s21 =	simm.s32 $0x5080  }
0x38: {  	[tilespmem:s21], [sflag:$0x1] =	stream.indirect_vreg.gather [hbm4b:s6+s2], $0x80, v3, vm0, $0xb8;
	[tilespmem:$0x18080] =	vst v63  }
0x39: {  	_ = 	snop  }
0x3a: {  	[tilespmem:s23], [sflag:$0x1] =	stream.indirect_vreg.gather [hbm4b:s7+s2], $0x80, v3, vm0, $0xb8;
	[tilespmem:$0x18080] =	vst v63  }
0x3b: {  	v3 =	vld [tilespmem:$0x20];
	_ =	sdelay $0x4  }
0x3c: {  	v4 =	vshrl.u32 v3, $0x3  }
0x3d: {  	v4 =	vmul.u32 $0x30, v4  }
0x3e: {  	v3 =	vand.u32 $0x7, v3  }
0x3f: {  	v3 =	vor.u32 v3, v4  }
0x40: {  	v4 =	vperm.xlane v3, v0;
	_ =	sdelay $0x1  }
0x41: {  	v4 =	vadd.s32 v1, v4;
	_ =	sdelay $0x3  }
0x42: {  	v3 =	vperm.xlane v3, v2  }
0x43: {  	[tilespmem:s24], [sflag:$0x1] =	stream.indirect_vreg.gather [hbm4b:s3+s2], $0x80, v4, vm0, $0xb8;
	[tilespmem:$0x18080] =	vst v63  }
0x44: {  	v3 =	vadd.s32 v1, v3  }
0x45: {  	[tilespmem:s25], [sflag:$0x1] =	stream.indirect_vreg.gather [hbm4b:s6+s2], $0x80, v4, vm0, $0xb8;
	[tilespmem:$0x18080] =	vst v63  }
0x46: {  	_ = 	snop  }
0x47: {  	[tilespmem:s26], [sflag:$0x1] =	stream.indirect_vreg.gather [hbm4b:s7+s2], $0x80, v4, vm0, $0xb8;
	[tilespmem:$0x18080] =	vst v63  }
0x48: {  	_ = 	snop  }
0x49: {  	[tilespmem:s28], [sflag:$0x1] =	stream.indirect_vreg.gather [hbm4b:s3+s2], $0x80, v3, vm0, $0xb8;
	[tilespmem:$0x18080] =	vst v63  }
0x4a: {  	_ = 	snop  }
0x4b: {  	[tilespmem:s29], [sflag:$0x1] =	stream.indirect_vreg.gather [hbm4b:s6+s2], $0x80, v3, vm0, $0xb8;
	[tilespmem:$0x18080] =	vst v63  }
0x4c: {  	_ = 	snop  }
0x4d: {  	[tilespmem:s30], [sflag:$0x1] =	stream.indirect_vreg.gather [hbm4b:s7+s2], $0x80, v3, vm0, $0xb8;
	[tilespmem:$0x18080] =	vst v63  }
0x4e: {  	v3 =	vld [tilespmem:$0x30];
	_ =	sdelay $0x4  }
0x4f: {  	v4 =	vshrl.u32 v3, $0x3  }
0x50: {  	v4 =	vmul.u32 $0x30, v4  }
0x51: {  	v3 =	vand.u32 $0x7, v3  }
0x52: {  	v3 =	vor.u32 v3, v4  }
0x53: {  	v4 =	vperm.xlane v3, v0;
	_ =	sdelay $0x1  }
0x54: {  	v4 =	vadd.s32 v1, v4;
	_ =	sdelay $0x3  }
0x55: {  	v3 =	vperm.xlane v3, v2  }
0x56: {  	[tilespmem:s31], [sflag:$0x1] =	stream.indirect_vreg.gather [hbm4b:s3+s2], $0x80, v4, vm0, $0xb8;
	[tilespmem:$0x18080] =	vst v63  }
0x57: {  	v3 =	vadd.s32 v1, v3  }
0x58: {  	[tilespmem:s1], [sflag:$0x1] =	stream.indirect_vreg.gather [hbm4b:s6+s2], $0x80, v4, vm0, $0xb8;
	[tilespmem:$0x18080] =	vst v63  }
0x59: {  	_ = 	snop  }
0x5a: {  	[tilespmem:s0], [sflag:$0x1] =	stream.indirect_vreg.gather [hbm4b:s7+s2], $0x80, v4, vm0, $0xb8;
	[tilespmem:$0x18080] =	vst v63  }
0x5b: {  	_ = 	snop  }
0x5c: {  	[tilespmem:s11], [sflag:$0x1] =	stream.indirect_vreg.gather [hbm4b:s3+s2], $0x80, v3, vm0, $0xb8;
	[tilespmem:$0x18080] =	vst v63  }
0x5d: {  	_ = 	snop  }
0x5e: {  	[tilespmem:s13], [sflag:$0x1] =	stream.indirect_vreg.gather [hbm4b:s6+s2], $0x80, v3, vm0, $0xb8;
	[tilespmem:$0x18080] =	vst v63  }
0x5f: {  	_ = 	snop  }
0x60: {  	[tilespmem:s14], [sflag:$0x1] =	stream.indirect_vreg.gather [hbm4b:s7+s2], $0x80, v3, vm0, $0xb8;
	[tilespmem:$0x18080] =	vst v63  }
0x61: {  	_ =	swait.ge [sflag:s15], $0xC000  }
0x62: {  	[sflag:s15] =	ssyncset.done $0x0  }
0x63: {  	s22 =	simm.s32 $0x0;
	[sflag:s15] =	ssyncadd.s32 $0xFFFF4000  }
0x64: {  	s18 =	smul.u32 $0x1800, s22;
	_ =	swait.ge [sflag:s16], $0xC000  }
0x65: {  	s19 =	sand.u32 $0x380, s2;
	[sflag:s16] =	ssyncset.done $0x0  }
0x66: {  	s18 =	sor.u32 s19, s18;
	[sflag:s16] =	ssyncadd.s32 $0xFFFF4000  }
0x67: {  	v12 =	vld [tilespmem:s18+$0xC080]  }
0x68: {  	v13 =	vld [tilespmem:s18+$0xC090]  }
0x69: {  	v14 =	vld [tilespmem:s18+$0xC0A0]  }
0x6a: {  	v15 =	vld [tilespmem:s18+$0xC0B0]  }
0x6b: {  	v16 =	vld [tilespmem:s18+$0xC0C0]  }
0x6c: {  	v17 =	vld [tilespmem:s18+$0xC0D0]  }
0x6d: {  	v18 =	vld [tilespmem:s18+$0xC0E0]  }
0x6e: {  	v19 =	vld [tilespmem:s18+$0xC0F0]  }
0x6f: {  	v20 =	vld [tilespmem:s18+$0xC480]  }
0x70: {  	v21 =	vld [tilespmem:s18+$0xC490]  }
0x71: {  	v22 =	vld [tilespmem:s18+$0xC4A0]  }
0x72: {  	v23 =	vld [tilespmem:s18+$0xC4B0]  }
0x73: {  	v24 =	vld [tilespmem:s18+$0xC4C0]  }
0x74: {  	v25 =	vld [tilespmem:s18+$0xC4D0]  }
0x75: {  	v26 =	vld [tilespmem:s18+$0xC4E0]  }
0x76: {  	v27 =	vld [tilespmem:s18+$0xC4F0]  }
0x77: {  	v28 =	vld [tilespmem:s18+$0xC880]  }
0x78: {  	v29 =	vld [tilespmem:s18+$0xC890]  }
0x79: {  	v30 =	vld [tilespmem:s18+$0xC8A0]  }
0x7a: {  	v31 =	vld [tilespmem:s18+$0xC8B0]  }
0x7b: {  	v32 =	vld [tilespmem:s18+$0xC8C0]  }
0x7c: {  	v33 =	vld [tilespmem:s18+$0xC8D0]  }
0x7d: {  	v34 =	vld [tilespmem:s18+$0xC8E0]  }
0x7e: {  	v35 =	vld [tilespmem:s18+$0xC8F0]  }
0x7f: {  	v36 =	vld [tilespmem:s18+$0xCC80]  }
0x80: {  	v37 =	vld [tilespmem:s18+$0xCC90]  }
0x81: {  	v38 =	vld [tilespmem:s18+$0xCCA0]  }
0x82: {  	v39 =	vld [tilespmem:s18+$0xCCB0]  }
0x83: {  	v40 =	vld [tilespmem:s18+$0xCCC0]  }
0x84: {  	v41 =	vld [tilespmem:s18+$0xCCD0]  }
0x85: {  	v42 =	vld [tilespmem:s18+$0xCCE0]  }
0x86: {  	v43 =	vld [tilespmem:s18+$0xCCF0]  }
0x87: {  	v44 =	vld [tilespmem:s18+$0xD080]  }
0x88: {  	v45 =	vld [tilespmem:s18+$0xD090]  }
0x89: {  	v46 =	vld [tilespmem:s18+$0xD0A0]  }
0x8a: {  	v47 =	vld [tilespmem:s18+$0xD0B0]  }
0x8b: {  	v48 =	vld [tilespmem:s18+$0xD0C0]  }
0x8c: {  	v49 =	vld [tilespmem:s18+$0xD0D0]  }
0x8d: {  	v50 =	vld [tilespmem:s18+$0xD0E0]  }
0x8e: {  	v11 =	vld [tilespmem:s18+$0xD0F0]  }
0x8f: {  	v10 =	vld [tilespmem:s18+$0xD480]  }
0x90: {  	v9 =	vld [tilespmem:s18+$0xD490]  }
0x91: {  	v8 =	vld [tilespmem:s18+$0xD4A0]  }
0x92: {  	v7 =	vld [tilespmem:s18+$0xD4B0]  }
0x93: {  	v6 =	vld [tilespmem:s18+$0xD4C0]  }
0x94: {  	v51 =	vld [tilespmem:s18+$0x80]  }
0x95: {  	v52 =	vld [tilespmem:s18+$0x90]  }
0x96: {  	v53 =	vld [tilespmem:s18+$0xA0]  }
0x97: {  	v54 =	vld [tilespmem:s18+$0xB0]  }
0x98: {  	v55 =	vld [tilespmem:s18+$0xC0]  }
0x99: {  	v62 =	vld [tilespmem:s18+$0xD0];
	v12 =	vadd.f32 v12, v51  }
0x9a: {  	v63 =	vld [tilespmem:s18+$0xE0];
	v13 =	vadd.f32 v13, v52  }
0x9b: {  	[tilespmem:s18+$0x80] =	vst v12;
	v12 =	vadd.f32 v14, v53;
	v14 =	vld [tilespmem:s18+$0xF0]  }
0x9c: {  	[tilespmem:s18+$0x90] =	vst v13;
	v13 =	vadd.f32 v15, v54;
	v15 =	vld [tilespmem:s18+$0x480]  }
0x9d: {  	[tilespmem:s18+$0xA0] =	vst v12;
	v12 =	vadd.f32 v16, v55;
	v16 =	vld [tilespmem:s18+$0x490]  }
0x9e: {  	[tilespmem:s18+$0xB0] =	vst v13;
	v13 =	vadd.f32 v17, v62;
	v17 =	vld [tilespmem:s18+$0x4A0]  }
0x9f: {  	v5 =	vld [tilespmem:s18+$0xD4D0]  }
0xa0: {  	[tilespmem:s18+$0xC0] =	vst v12;
	v12 =	vadd.f32 v18, v63;
	v18 =	vld [tilespmem:s18+$0x4F0]  }
0xa1: {  	[tilespmem:s18+$0xD0] =	vst v13;
	v13 =	vadd.f32 v19, v14;
	v14 =	vld [tilespmem:s18+$0x4B0]  }
0xa2: {  	[tilespmem:s18+$0xE0] =	vst v12;
	v12 =	vadd.f32 v20, v15;
	v15 =	vld [tilespmem:s18+$0x4C0]  }
0xa3: {  	[tilespmem:s18+$0xF0] =	vst v13;
	v13 =	vadd.f32 v21, v16;
	v16 =	vadd.f32 v22, v17;
	v17 =	vld [tilespmem:s18+$0x4E0]  }
0xa4: {  	[tilespmem:s18+$0x480] =	vst v12;
	v12 =	vld [tilespmem:s18+$0x4D0]  }
0xa5: {  	[tilespmem:s18+$0x490] =	vst v13;
	v13 =	vld [tilespmem:s18+$0x880];
	v18 =	vadd.f32 v27, v18  }
0xa6: {  	[tilespmem:s18+$0x4A0] =	vst v16;
	v16 =	vld [tilespmem:s18+$0x890];
	v14 =	vadd.f32 v23, v14  }
0xa7: {  	v4 =	vld [tilespmem:s18+$0xD4E0];
	v15 =	vadd.f32 v24, v15;
	[tilespmem:s18+$0x4F0] =	vst v18  }
0xa8: {  	[tilespmem:s18+$0x4B0] =	vst v14;
	v14 =	vld [tilespmem:s18+$0x8A0];
	v17 =	vadd.f32 v26, v17  }
0xa9: {  	v12 =	vadd.f32 v25, v12;
	[tilespmem:s18+$0x4C0] =	vst v15;
	v15 =	vld [tilespmem:s18+$0x8B0]  }
0xaa: {  	v18 =	vld [tilespmem:s18+$0x8F0];
	[tilespmem:s18+$0x4E0] =	vst v17;
	v13 =	vadd.f32 v28, v13  }
0xab: {  	v16 =	vadd.f32 v29, v16;
	[tilespmem:s18+$0x4D0] =	vst v12;
	v12 =	vld [tilespmem:s18+$0x8C0]  }
0xac: {  	v17 =	vld [tilespmem:s18+$0x8D0];
	[tilespmem:s18+$0x880] =	vst v13  }
0xad: {  	[tilespmem:s18+$0x890] =	vst v16;
	v16 =	vld [tilespmem:s18+$0x8E0];
	v13 =	vadd.f32 v30, v14  }
0xae: {  	v14 =	vld [tilespmem:s18+$0xC80];
	v15 =	vadd.f32 v31, v15  }
0xaf: {  	[tilespmem:s18+$0x8A0] =	vst v13;
	v13 =	vld [tilespmem:s18+$0xC90]  }
0xb0: {  	v12 =	vadd.f32 v32, v12;
	[tilespmem:s18+$0x8B0] =	vst v15;
	v15 =	vld [tilespmem:s18+$0xCA0]  }
0xb1: {  	v3 =	vld [tilespmem:s18+$0xD4F0];
	v17 =	vadd.f32 v33, v17  }
0xb2: {  	v16 =	vadd.f32 v34, v16;
	[tilespmem:s18+$0x8C0] =	vst v12;
	v12 =	vld [tilespmem:s18+$0xCB0]  }
0xb3: {  	[tilespmem:s18+$0x8D0] =	vst v17;
	v17 =	vld [tilespmem:s18+$0xCC0];
	v14 =	vadd.f32 v36, v14  }
0xb4: {  	v18 =	vadd.f32 v35, v18;
	[tilespmem:s18+$0x8E0] =	vst v16;
	v16 =	vld [tilespmem:s18+$0xCD0]  }
0xb5: {  	v13 =	vadd.f32 v37, v13;
	[tilespmem:s18+$0xC80] =	vst v14;
	v14 =	vadd.f32 v38, v15;
	v15 =	vld [tilespmem:s18+$0xCE0]  }
0xb6: {  	[tilespmem:s18+$0x8F0] =	vst v18;
	v18 =	vld [tilespmem:s18+$0xCF0]  }
0xb7: {  	[tilespmem:s18+$0xC90] =	vst v13;
	v13 =	vld [tilespmem:s18+$0x1080];
	v12 =	vadd.f32 v39, v12  }
0xb8: {  	v17 =	vadd.f32 v40, v17;
	[tilespmem:s18+$0xCA0] =	vst v14;
	v14 =	vld [tilespmem:s18+$0x1090]  }
0xb9: {  	v16 =	vadd.f32 v41, v16;
	[tilespmem:s18+$0xCB0] =	vst v12;
	v12 =	vld [tilespmem:s18+$0x10A0]  }
0xba: {  	[tilespmem:s18+$0xCC0] =	vst v17;
	v17 =	vld [tilespmem:s18+$0x10B0];
	v15 =	vadd.f32 v42, v15  }
0xbb: {  	v19 =	vld [tilespmem:s18+$0x10C0];
	[tilespmem:s18+$0xCD0] =	vst v16;
	v16 =	vadd.f32 v43, v18  }
0xbc: {  	v18 =	vld [tilespmem:s18+$0x10D0];
	v13 =	vadd.f32 v44, v13;
	[tilespmem:s18+$0xCE0] =	vst v15  }
0xbd: {  	v20 =	vld [tilespmem:s18+$0x10E0];
	[tilespmem:s18+$0xCF0] =	vst v16;
	v14 =	vadd.f32 v45, v14  }
0xbe: {  	v16 =	vld [tilespmem:s18+$0x10F0];
	[tilespmem:s18+$0x1080] =	vst v13;
	v12 =	vadd.f32 v46, v12  }
0xbf: {  	v15 =	vld [tilespmem:s18+$0x1480];
	v13 =	vadd.f32 v47, v17;
	[tilespmem:s18+$0x1090] =	vst v14  }
0xc0: {  	v14 =	vld [tilespmem:s18+$0x1490];
	[tilespmem:s18+$0x10A0] =	vst v12;
	v12 =	vadd.f32 v48, v19  }
0xc1: {  	[tilespmem:s18+$0x10B0] =	vst v13;
	v13 =	vld [tilespmem:s18+$0x14A0];
	v18 =	vadd.f32 v49, v18  }
0xc2: {  	s19 =	simm.s32 $0x1;
	s20 =	simm.s32 $0x0;
	v17 =	vadd.f32 v50, v20;
	[tilespmem:s18+$0x10C0] =	vst v12;
	v12 =	vld [tilespmem:s18+$0x14B0]  }
.LBB2_2:
0xc3: {  	s21 =	sshrl.u32 s19, $0x3;
	p0 =	sne.s32 s19, $0x3F;
	[tilespmem:s18+$0x10D0] =	vst v18;
	v11 =	vadd.f32 v11, v16;
	v16 =	vld [tilespmem:s18+$0x14C0]  }
0xc4: {  	s20 =	sadd.s32 $0x80, s20;
	s21 =	smul.u32 $0x1800, s21;
	[tilespmem:s18+$0x10E0] =	vst v17;
	v10 =	vadd.f32 v10, v15;
	v15 =	vld [tilespmem:s18+$0x14D0]  }
0xc5: {  	s22 =	sand.u32 $0x380, s20;
	[tilespmem:s18+$0x10F0] =	vst v11;
	v9 =	vadd.f32 v9, v14;
	v11 =	vld [tilespmem:s18+$0x14E0]  }
0xc6: {  	s21 =	sor.u32 s22, s21;
	[tilespmem:s18+$0x1480] =	vst v10;
	v8 =	vadd.f32 v8, v13;
	v10 =	vld [tilespmem:s18+$0x14F0]  }
0xc7: {  	v39 =	vld [tilespmem:s21+$0xC080];
	[tilespmem:s18+$0x1490] =	vst v9;
	v7 =	vadd.f32 v7, v12  }
0xc8: {  	v40 =	vld [tilespmem:s21+$0xC090];
	[tilespmem:s18+$0x14A0] =	vst v8;
	v6 =	vadd.f32 v6, v16  }
0xc9: {  	v41 =	vld [tilespmem:s21+$0xC0A0];
	[tilespmem:s18+$0x14B0] =	vst v7;
	v5 =	vadd.f32 v5, v15  }
0xca: {  	v42 =	vld [tilespmem:s21+$0xC0B0];
	[tilespmem:s18+$0x14C0] =	vst v6;
	v4 =	vadd.f32 v4, v11  }
0xcb: {  	v43 =	vld [tilespmem:s21+$0xC0C0];
	[tilespmem:s18+$0x14D0] =	vst v5;
	v3 =	vadd.f32 v3, v10  }
0xcc: {  	v44 =	vld [tilespmem:s21+$0xC0D0];
	[tilespmem:s18+$0x14E0] =	vst v4  }
0xcd: {  	v45 =	vld [tilespmem:s21+$0xC0E0];
	[tilespmem:s18+$0x14F0] =	vst v3;
	s18 =	smov.u32 s21  }
0xce: {  	v46 =	vld [tilespmem:s18+$0xC0F0]  }
0xcf: {  	v47 =	vld [tilespmem:s18+$0xC480]  }
0xd0: {  	v48 =	vld [tilespmem:s18+$0xC490]  }
0xd1: {  	v49 =	vld [tilespmem:s18+$0xC4A0]  }
0xd2: {  	v50 =	vld [tilespmem:s18+$0xC4B0]  }
0xd3: {  	v38 =	vld [tilespmem:s18+$0xC4C0]  }
0xd4: {  	v37 =	vld [tilespmem:s18+$0xC4D0]  }
0xd5: {  	v36 =	vld [tilespmem:s18+$0xC4E0]  }
0xd6: {  	v35 =	vld [tilespmem:s18+$0xC4F0]  }
0xd7: {  	v34 =	vld [tilespmem:s18+$0xC880]  }
0xd8: {  	v33 =	vld [tilespmem:s18+$0xC890]  }
0xd9: {  	v32 =	vld [tilespmem:s18+$0xC8A0]  }
0xda: {  	v31 =	vld [tilespmem:s18+$0xC8B0]  }
0xdb: {  	v30 =	vld [tilespmem:s18+$0xC8C0]  }
0xdc: {  	v29 =	vld [tilespmem:s18+$0xC8D0]  }
0xdd: {  	v28 =	vld [tilespmem:s18+$0xC8E0]  }
0xde: {  	v27 =	vld [tilespmem:s18+$0xC8F0]  }
0xdf: {  	v26 =	vld [tilespmem:s18+$0xCC80]  }
0xe0: {  	v25 =	vld [tilespmem:s18+$0xCC90]  }
0xe1: {  	v24 =	vld [tilespmem:s18+$0xCCA0]  }
0xe2: {  	v23 =	vld [tilespmem:s18+$0xCCB0]  }
0xe3: {  	v22 =	vld [tilespmem:s18+$0xCCC0]  }
0xe4: {  	v21 =	vld [tilespmem:s18+$0xCCD0]  }
0xe5: {  	v20 =	vld [tilespmem:s18+$0xCCE0]  }
0xe6: {  	v19 =	vld [tilespmem:s18+$0xCCF0]  }
0xe7: {  	v18 =	vld [tilespmem:s18+$0xD080]  }
0xe8: {  	v17 =	vld [tilespmem:s18+$0xD090]  }
0xe9: {  	v16 =	vld [tilespmem:s18+$0xD0A0]  }
0xea: {  	v15 =	vld [tilespmem:s18+$0xD0B0]  }
0xeb: {  	v14 =	vld [tilespmem:s18+$0xD0C0]  }
0xec: {  	v13 =	vld [tilespmem:s18+$0xD0D0]  }
0xed: {  	v12 =	vld [tilespmem:s18+$0xD0E0]  }
0xee: {  	v11 =	vld [tilespmem:s18+$0xD0F0]  }
0xef: {  	v10 =	vld [tilespmem:s18+$0xD480]  }
0xf0: {  	v9 =	vld [tilespmem:s18+$0xD490]  }
0xf1: {  	v8 =	vld [tilespmem:s18+$0xD4A0]  }
0xf2: {  	v7 =	vld [tilespmem:s18+$0xD4B0]  }
0xf3: {  	v6 =	vld [tilespmem:s18+$0xD4C0]  }
0xf4: {  	v5 =	vld [tilespmem:s18+$0xD4D0]  }
0xf5: {  	v4 =	vld [tilespmem:s18+$0xD4E0]  }
0xf6: {  	v3 =	vld [tilespmem:s18+$0xD4F0]  }
0xf7: {  	v51 =	vld [tilespmem:s18+$0x80]  }
0xf8: {  	v52 =	vld [tilespmem:s18+$0x90]  }
0xf9: {  	v53 =	vld [tilespmem:s18+$0xA0]  }
0xfa: {  	v54 =	vld [tilespmem:s18+$0xB0]  }
0xfb: {  	v55 =	vld [tilespmem:s18+$0xC0]  }
0xfc: {  	v39 =	vadd.f32 v39, v51;
	v51 =	vld [tilespmem:s18+$0xD0]  }
0xfd: {  	v40 =	vadd.f32 v40, v52;
	v52 =	vld [tilespmem:s18+$0xE0]  }
0xfe: {  	[tilespmem:s18+$0x80] =	vst v39;
	v39 =	vadd.f32 v41, v53;
	v41 =	vld [tilespmem:s18+$0xF0]  }
0xff: {  	[tilespmem:s18+$0x90] =	vst v40;
	v40 =	vadd.f32 v42, v54;
	v42 =	vld [tilespmem:s18+$0x480]  }
0x100: {  	[tilespmem:s18+$0xA0] =	vst v39;
	v39 =	vadd.f32 v43, v55;
	v43 =	vld [tilespmem:s18+$0x490]  }
0x101: {  	[tilespmem:s18+$0xB0] =	vst v40;
	v40 =	vadd.f32 v44, v51;
	v44 =	vld [tilespmem:s18+$0x4A0]  }
0x102: {  	[tilespmem:s18+$0xC0] =	vst v39;
	v39 =	vadd.f32 v45, v52;
	v45 =	vld [tilespmem:s18+$0x4B0]  }
0x103: {  	[tilespmem:s18+$0xD0] =	vst v40;
	v40 =	vadd.f32 v46, v41;
	v41 =	vld [tilespmem:s18+$0x4C0]  }
0x104: {  	[tilespmem:s18+$0xE0] =	vst v39;
	v39 =	vadd.f32 v47, v42;
	v42 =	vld [tilespmem:s18+$0x4D0]  }
0x105: {  	[tilespmem:s18+$0xF0] =	vst v40;
	v40 =	vadd.f32 v48, v43;
	v43 =	vld [tilespmem:s18+$0x4E0]  }
0x106: {  	[tilespmem:s18+$0x480] =	vst v39;
	v39 =	vadd.f32 v49, v44;
	v44 =	vld [tilespmem:s18+$0x4F0]  }
0x107: {  	[tilespmem:s18+$0x490] =	vst v40;
	v40 =	vadd.f32 v50, v45;
	v45 =	vld [tilespmem:s18+$0x880]  }
0x108: {  	[tilespmem:s18+$0x4A0] =	vst v39;
	v38 =	vadd.f32 v38, v41;
	v39 =	vld [tilespmem:s18+$0x890]  }
0x109: {  	[tilespmem:s18+$0x4B0] =	vst v40;
	v37 =	vadd.f32 v37, v42;
	v40 =	vld [tilespmem:s18+$0x8A0]  }
0x10a: {  	[tilespmem:s18+$0x4C0] =	vst v38;
	v36 =	vadd.f32 v36, v43;
	v38 =	vld [tilespmem:s18+$0x8B0]  }
0x10b: {  	[tilespmem:s18+$0x4D0] =	vst v37;
	v35 =	vadd.f32 v35, v44;
	v37 =	vld [tilespmem:s18+$0x8C0]  }
0x10c: {  	[tilespmem:s18+$0x4E0] =	vst v36;
	v34 =	vadd.f32 v34, v45;
	v36 =	vld [tilespmem:s18+$0x8D0]  }
0x10d: {  	[tilespmem:s18+$0x4F0] =	vst v35;
	v33 =	vadd.f32 v33, v39;
	v35 =	vld [tilespmem:s18+$0x8E0]  }
0x10e: {  	[tilespmem:s18+$0x880] =	vst v34;
	v32 =	vadd.f32 v32, v40;
	v34 =	vld [tilespmem:s18+$0x8F0]  }
0x10f: {  	[tilespmem:s18+$0x890] =	vst v33;
	v31 =	vadd.f32 v31, v38;
	v33 =	vld [tilespmem:s18+$0xC80]  }
0x110: {  	[tilespmem:s18+$0x8A0] =	vst v32;
	v30 =	vadd.f32 v30, v37;
	v32 =	vld [tilespmem:s18+$0xC90]  }
0x111: {  	[tilespmem:s18+$0x8B0] =	vst v31;
	v29 =	vadd.f32 v29, v36;
	v31 =	vld [tilespmem:s18+$0xCA0]  }
0x112: {  	[tilespmem:s18+$0x8C0] =	vst v30;
	v28 =	vadd.f32 v28, v35;
	v30 =	vld [tilespmem:s18+$0xCB0]  }
0x113: {  	[tilespmem:s18+$0x8D0] =	vst v29;
	v27 =	vadd.f32 v27, v34;
	v29 =	vld [tilespmem:s18+$0xCC0]  }
0x114: {  	[tilespmem:s18+$0x8E0] =	vst v28;
	v26 =	vadd.f32 v26, v33;
	v28 =	vld [tilespmem:s18+$0xCD0]  }
0x115: {  	[tilespmem:s18+$0x8F0] =	vst v27;
	v25 =	vadd.f32 v25, v32;
	v27 =	vld [tilespmem:s18+$0xCE0]  }
0x116: {  	[tilespmem:s18+$0xC80] =	vst v26;
	v24 =	vadd.f32 v24, v31;
	v26 =	vld [tilespmem:s18+$0xCF0]  }
0x117: {  	[tilespmem:s18+$0xC90] =	vst v25;
	v23 =	vadd.f32 v23, v30;
	v25 =	vld [tilespmem:s18+$0x1080]  }
0x118: {  	[tilespmem:s18+$0xCA0] =	vst v24;
	v22 =	vadd.f32 v22, v29;
	v24 =	vld [tilespmem:s18+$0x1090]  }
0x119: {  	[tilespmem:s18+$0xCB0] =	vst v23;
	v21 =	vadd.f32 v21, v28;
	v23 =	vld [tilespmem:s18+$0x10A0]  }
0x11a: {  	[tilespmem:s18+$0xCC0] =	vst v22;
	v20 =	vadd.f32 v20, v27;
	v22 =	vld [tilespmem:s18+$0x10B0]  }
0x11b: {  	[tilespmem:s18+$0xCD0] =	vst v21;
	v19 =	vadd.f32 v19, v26;
	v21 =	vld [tilespmem:s18+$0x10C0]  }
0x11c: {  	[tilespmem:s18+$0xCE0] =	vst v20;
	v18 =	vadd.f32 v18, v25;
	v20 =	vld [tilespmem:s18+$0x10D0]  }
0x11d: {  	[tilespmem:s18+$0xCF0] =	vst v19;
	v17 =	vadd.f32 v17, v24;
	v19 =	vld [tilespmem:s18+$0x10E0]  }
.Ltmp0:
0x11e: {  	[tilespmem:s18+$0x1080] =	vst v18;
	v18 =	vadd.f32 v16, v23;
	v16 =	vld [tilespmem:s18+$0x10F0];
	(pc) =	sbr.rel @p0 .LBB2_2-.Ltmp0, $4  }
0x11f: {  	[tilespmem:s18+$0x1090] =	vst v17;
	v17 =	vadd.f32 v15, v22;
	v15 =	vld [tilespmem:s18+$0x1480]  }
0x120: {  	[tilespmem:s18+$0x10A0] =	vst v18;
	v21 =	vadd.f32 v14, v21;
	v14 =	vld [tilespmem:s18+$0x1490]  }
0x121: {  	[tilespmem:s18+$0x10B0] =	vst v17;
	v18 =	vadd.f32 v13, v20;
	v13 =	vld [tilespmem:s18+$0x14A0]  }
0x122: {  	s19 =	sadd.s32 $0x1, s19;
	[tilespmem:s18+$0x10C0] =	vst v21;
	v17 =	vadd.f32 v12, v19;
	v12 =	vld [tilespmem:s18+$0x14B0]  }
0x123: {  	[tilespmem:s18+$0x10D0] =	vst v18;
	v60 =	vld [tilespmem:s18+$0x14C0];
	v11 =	vadd.f32 v11, v16  }
0x124: {  	v61 =	vld [tilespmem:s18+$0x14D0];
	[tilespmem:s18+$0x10E0] =	vst v17;
	v10 =	vadd.f32 v10, v15  }
0x125: {  	v62 =	vld [tilespmem:s18+$0x14E0];
	[tilespmem:s18+$0x10F0] =	vst v11;
	v9 =	vadd.f32 v9, v14  }
0x126: {  	v63 =	vld [tilespmem:s18+$0x14F0];
	[tilespmem:s18+$0x1480] =	vst v10;
	v8 =	vadd.f32 v8, v13  }
0x127: {  	[tilespmem:s18+$0x1490] =	vst v9;
	v7 =	vadd.f32 v7, v12  }
0x128: {  	[tilespmem:s18+$0x14A0] =	vst v8;
	v6 =	vadd.f32 v6, v60  }
0x129: {  	v5 =	vadd.f32 v5, v61;
	[tilespmem:s18+$0x14B0] =	vst v7  }
0x12a: {  	v4 =	vadd.f32 v4, v62;
	[tilespmem:s18+$0x14C0] =	vst v6  }
0x12b: {  	s17 =	sadd.s32 $0x1, s17;
	v3 =	vadd.f32 v3, v63;
	[tilespmem:s18+$0x14D0] =	vst v5  }
0x12c: {  	p0 =	sne.s32 s17, s9;
	[tilespmem:s18+$0x14E0] =	vst v4  }
.Ltmp1:
0x12d: {  	[tilespmem:s18+$0x14F0] =	vst v3;
	(pc) =	sbr.rel @p0 .LBB2_1-.Ltmp1, $4  }
0x12e: {  	[hbm4b:s8+s2] =	stream.linear.scatter [tilespmem:s12], [sflag:$0x3], $0xC000, $0x38;
	[tilespmem:$0x18080] =	vst v63  }
0x12f: {  	_ =	swait.ge [sflag:s10], $0xC000  }
0x130: {  	[sflag:s10] =	ssyncset.done $0x0  }
0x131: {  	[sflag:s10] =	ssyncadd.s32 $0xFFFF4000  }
0x132: {  	_ =	sfence.sel $0x180000  }
0x133: {  	[bflag:$0x0] =	sbarrier.arrive $0xFFFF  }
0x134: {  	_ =	strace $0x9000004A  }
0x135: {  	s0 =	stileid.u32;
	[bflag:$0x2] =	sbarrier.arrive $0xFFFF  }
0x136: {  	p0 =	sne.s32 s0, $0x0;
	s0 =	rddreg [dreg:$0x2]  }
0x137: {  	s0 =	sadd.s32 @!p0 $0x100000, s0  }
0x138: {  	[sflag:s0] =	ssyncadd.tile.s32 @!p0 $0x1;
	_ =	shalt  }
.Lfunc_end2:
_tile_overlayer_lowered:
.L_overlay_start_2:
0x139: {  	(tag) =	ssettag $0x2  }
0x13a: {  	s0 =	rddreg [dreg:$0x0];
	s2 =	stileid.u32  }
0x13b: {  	s1 =	rddreg [dreg:$0x1];
	p0 =	sne.s32 s2, $0x0  }
0x13c: {  	s3 =	rddreg [dreg:$0x2];
	[bflag:$0x3] =	sbarrier.arrive $0xFFFF;
	s2 =	simm.s32 @!p0 $0x1C03  }
0x13d: {  	[timem:s3], [sflag:s2] =	dma.local @!p0 [hbm:s0], s1  }
0x13e: {  	s0 =	simm.s32 @!p0 $0x3  }
0x13f: {  	_ =	swait.ge @!p0 [sflag:s0], s1  }
0x140: {  	s1 =	ssub.s32 @!p0 $0x0, s1;
	[sflag:s0] =	ssyncset.done @!p0 $0x0  }
0x141: {  	[sflag:s0] =	ssyncadd.s32 @!p0 s1  }
0x142: {  	[bflag:$0x3] =	sbarrier.arrive $0xFFFF  }
0x143: {  	_ =	shalt  }

</sc_bundles>
